<compile_context>
chip_gen: v7x
topology: tpu7x:2x2x1
jax: 0.10.2.dev20260603
libtpu: 0.0.44.dev20260713+nightly
codegen_flags: <defaults>
</compile_context>

<pallas_src>
import functools

import jax
import jax.numpy as jnp
from jax import lax
from jax.experimental import pallas as pl
from jax.experimental.pallas import tpu as pltpu
from jax.experimental.pallas import tpu_sc as plsc

N = 10000
E = 320000
VOCAB = 100000
EMBED = 128
HIDDEN = 128

NPAD = 10240
DUMMY = NPAD - 1
ECHUNK = 64
EPT = 160 * ECHUNK
EPAD = 32 * EPT
BR = 640


_MESH = plsc.VectorSubcoreMesh(core_axis_name="c", subcore_axis_name="s")
RPT = NPAD // 32
GCH = 80
NZT = NPAD // 16
ECH_ROWS = EPT // ECHUNK


def _sc_a_body(x_ref, table_ref, dst2_ref, zvec_ref, h_ref, part_ref,
               idx_v, rows_v, dstbuf_v, hist_v, sem):
    c = lax.axis_index("c")
    s = lax.axis_index("s")
    wid = s * 2 + c
    pltpu.sync_copy(x_ref.at[pl.ds(wid * RPT, RPT)], idx_v)
    for j in range(RPT // GCH):
        pltpu.async_copy(table_ref.at[idx_v.at[pl.ds(j * GCH, GCH)]],
                         rows_v, sem).wait()
        pltpu.sync_copy(rows_v, h_ref.at[pl.ds(wid * RPT + j * GCH, GCH)])
    pltpu.sync_copy(zvec_ref, hist_v)
    pltpu.sync_copy(dst2_ref.at[pl.ds(wid * ECH_ROWS, ECH_ROWS)], dstbuf_v)
    ones = jnp.ones((16,), jnp.float32)

    def hbody(t, carry):
        j = t // (ECHUNK // 16)
        i = t % (ECHUNK // 16)
        idx = dstbuf_v[j, pl.ds(i * 16, 16)]
        plsc.addupdate_scatter(hist_v, [idx], ones)
        return carry

    lax.fori_loop(0, ECH_ROWS * (ECHUNK // 16), hbody, 0)
    pltpu.sync_copy(hist_v, part_ref.at[pl.ds(wid * NPAD, NPAD)])


def _sc_a(x_pad, table, dst2, zvec):
    return pl.kernel(
        _sc_a_body,
        out_type=[
            jax.ShapeDtypeStruct((NPAD, EMBED), jnp.float32),
            jax.ShapeDtypeStruct((32 * NPAD,), jnp.float32),
        ],
        mesh=_MESH,
        scratch_types=[
            pltpu.VMEM((RPT,), jnp.int32),
            pltpu.VMEM((GCH, EMBED), jnp.float32),
            pltpu.VMEM((ECH_ROWS, ECHUNK), jnp.int32),
            pltpu.VMEM((NPAD,), jnp.float32),
            pltpu.SemaphoreType.DMA,
        ],
        compiler_params=pltpu.CompilerParams(needs_layout_passes=False),
    )(x_pad, table, dst2, zvec)


ESTG = 40
NBUF = 4
CBIG = 1
RBIG = 280
RSML = (EPAD // ECHUNK) // 16 - RBIG


def _sc_edge_body(g_ref, src2_ref, dst2_ref, zeros_ref, acc_ref,
                  srcbuf_v, dstbuf_v, rows_v, acc_sh, gsem, ssem):
    c = lax.axis_index("c")
    s = lax.axis_index("s")
    pltpu.sync_copy(zeros_ref.at[pl.ds(s * NZT, NZT)],
                    acc_sh.at[pl.ds(s * NZT, NZT)])
    plsc.subcore_barrier()

    def gather(t, b):
        pltpu.async_copy(g_ref.at[srcbuf_v.at[t]], rows_v.at[b], gsem)

    def wait_gather(b):
        pltpu.make_async_copy(g_ref.at[pl.ds(0, ECHUNK)],
                              rows_v.at[b], gsem).wait()

    def scatter(t, b):
        pltpu.async_copy(rows_v.at[b], acc_sh.at[dstbuf_v.at[t]], ssem,
                         add=True)

    def wait_scatter(b):
        pltpu.make_async_copy(rows_v.at[b],
                              acc_sh.at[pl.ds(0, ECHUNK)], ssem).wait()

    nstages = jnp.where(c == CBIG, RBIG // ESTG, RSML // ESTG)
    base0 = jnp.where(c == CBIG, s * RBIG, 16 * RBIG + s * RSML)

    def stage_body(k, carry):
        base = base0 + k * ESTG
        pltpu.sync_copy(src2_ref.at[pl.ds(base, ESTG)], srcbuf_v)
        pltpu.sync_copy(dst2_ref.at[pl.ds(base, ESTG)], dstbuf_v)
        for b in range(NBUF):
            gather(b, b)

        def outer(tt, carry2):
            t0 = tt * NBUF
            for b in range(NBUF):
                wait_gather(b)
                scatter(t0 + b, b)
                wait_scatter(b)

                @pl.when(t0 + b + NBUF < ESTG)
                def _():
                    gather(t0 + b + NBUF, b)

            return carry2

        lax.fori_loop(0, ESTG // NBUF, outer, 0)
        return carry

    lax.fori_loop(0, nstages, stage_body, 0)
    plsc.subcore_barrier()
    pltpu.sync_copy(acc_sh.at[pl.ds(s * NZT, NZT)],
                    acc_ref.at[c, pl.ds(s * NZT, NZT)])


def _sc_edge(g, src2, dst2, zeros):
    return pl.kernel(
        _sc_edge_body,
        out_type=jax.ShapeDtypeStruct((2, NPAD, HIDDEN), jnp.float32),
        mesh=_MESH,
        scratch_types=[
            pltpu.VMEM((ESTG, ECHUNK), jnp.int32),
            pltpu.VMEM((ESTG, ECHUNK), jnp.int32),
            pltpu.VMEM((NBUF, ECHUNK, HIDDEN), jnp.float32),
            pltpu.VMEM_SHARED((NPAD, HIDDEN), jnp.float32),
            pltpu.SemaphoreType.DMA,
            pltpu.SemaphoreType.DMA,
        ],
    )(g, src2, dst2, zeros)


def _b_body(part_ref, h_ref, w_ref, dis_ref, g_ref):
    i = pl.program_id(0)
    part = part_ref[...]
    ones = jnp.ones((32, 1), jnp.float32)
    deg = lax.dot_general(part, ones, (((0,), (0,)), ((), ())),
                          preferred_element_type=jnp.float32)
    deg = deg + 1.0
    row = lax.broadcasted_iota(jnp.int32, (BR, 1), 0) + i * BR
    dis = jnp.where(row < N, lax.rsqrt(deg), 0.0)
    hw = jnp.dot(h_ref[...], w_ref[...], preferred_element_type=jnp.float32)
    dis_ref[...] = dis
    g_ref[...] = hw * dis


def _tc_b(deg_part, h_pad, W1):
    grid = (NPAD // BR,)
    return pl.pallas_call(
        _b_body,
        grid=grid,
        in_specs=[
            pl.BlockSpec((32, BR), lambda i: (0, i)),
            pl.BlockSpec((BR, EMBED), lambda i: (i, 0)),
            pl.BlockSpec((EMBED, HIDDEN), lambda i: (0, 0)),
        ],
        out_specs=[
            pl.BlockSpec((BR, 1), lambda i: (i, 0)),
            pl.BlockSpec((BR, HIDDEN), lambda i: (i, 0)),
        ],
        out_shape=[
            jax.ShapeDtypeStruct((NPAD, 1), jnp.float32),
            jax.ShapeDtypeStruct((NPAD, HIDDEN), jnp.float32),
        ],
    )(deg_part, h_pad, W1)


def _d_body(acc_ref, g_ref, dis_ref, w_ref, b_ref, out_ref):
    s = acc_ref[0] + acc_ref[1] + g_ref[...]
    dis = dis_ref[...]
    m = jax.nn.relu(s * dis + b_ref[...])
    mw = jnp.dot(m, w_ref[...], preferred_element_type=jnp.float32)
    out_ref[...] = mw * dis


def _tc_d(acc, g1, dis, W2, b1_row):
    grid = (NPAD // BR,)
    return pl.pallas_call(
        _d_body,
        grid=grid,
        in_specs=[
            pl.BlockSpec((2, BR, HIDDEN), lambda i: (0, i, 0)),
            pl.BlockSpec((BR, HIDDEN), lambda i: (i, 0)),
            pl.BlockSpec((BR, 1), lambda i: (i, 0)),
            pl.BlockSpec((HIDDEN, HIDDEN), lambda i: (0, 0)),
            pl.BlockSpec((1, HIDDEN), lambda i: (0, 0)),
        ],
        out_specs=pl.BlockSpec((BR, HIDDEN), lambda i: (i, 0)),
        out_shape=jax.ShapeDtypeStruct((NPAD, HIDDEN), jnp.float32),
    )(acc, g1, dis, W2, b1_row)


BRF = 400


def _f_body(acc_ref, g_ref, dis_ref, b_ref, out_ref):
    s = acc_ref[0] + acc_ref[1] + g_ref[...]
    out_ref[...] = jax.nn.relu(s * dis_ref[...] + b_ref[...])


def _tc_f(acc, g2, dis, b2_row):
    grid = (N // BRF,)
    return pl.pallas_call(
        _f_body,
        grid=grid,
        in_specs=[
            pl.BlockSpec((2, BRF, HIDDEN), lambda i: (0, i, 0)),
            pl.BlockSpec((BRF, HIDDEN), lambda i: (i, 0)),
            pl.BlockSpec((BRF, 1), lambda i: (i, 0)),
            pl.BlockSpec((1, HIDDEN), lambda i: (0, 0)),
        ],
        out_specs=pl.BlockSpec((BRF, HIDDEN), lambda i: (i, 0)),
        out_shape=jax.ShapeDtypeStruct((N, HIDDEN), jnp.float32),
    )(acc, g2, dis, b2_row)


def kernel(x, edge_index, table, W1, b1, W2, b2):
    src = edge_index[0]
    dst = edge_index[1]
    x_pad = jnp.concatenate([x, jnp.zeros((NPAD - N,), jnp.int32)])
    pad = jnp.full((EPAD - E,), DUMMY, jnp.int32)
    src2d = jnp.concatenate([src, pad]).reshape(EPAD // ECHUNK, ECHUNK)
    dst2d = jnp.concatenate([dst, pad]).reshape(EPAD // ECHUNK, ECHUNK)
    b1_row = b1.reshape(1, HIDDEN)
    b2_row = b2.reshape(1, HIDDEN)

    zvec = jnp.zeros((NPAD,), jnp.float32)
    zeros = jnp.zeros((NPAD, HIDDEN), jnp.float32)

    h_pad, deg_part_flat = _sc_a(x_pad, table, dst2d, zvec)
    deg_part = deg_part_flat.reshape(32, NPAD)
    dis, g1 = _tc_b(deg_part, h_pad, W1)
    acc1 = _sc_edge(g1, src2d, dst2d, zeros)
    g2 = _tc_d(acc1, g1, dis, W2, b1_row)
    acc2 = _sc_edge(g2, src2d, dst2d, zeros)
    return _tc_f(acc2, g2, dis, b2_row)

# --- scband reference (transcript-rebuilt; emitter-appended) ---
"""Pipeline reference for scband-gnnmodel-69329362092401 (READ-ONLY COPY).

The authoritative reference and input builder live on the scoring server;
editing this copy changes nothing except your own understanding.
"""

import jax, jax.numpy as jnp
import numpy as np

N = 10000
E = 320000
VOCAB = 100000
EMBED = 128
HIDDEN = 128


def gcn_conv(h, src, dst, W, b, num_nodes):
    # torch_geometric GCNConv: add self-loops, symmetric normalization, linear, sum-aggregate, bias
    loop = jnp.arange(num_nodes, dtype=src.dtype)
    src_l = jnp.concatenate([src, loop])
    dst_l = jnp.concatenate([dst, loop])
    deg = jnp.zeros((num_nodes,), dtype=h.dtype).at[dst_l].add(1.0)
    deg_inv_sqrt = jnp.where(deg > 0, deg ** -0.5, 0.0)
    norm = deg_inv_sqrt[src_l] * deg_inv_sqrt[dst_l]
    hw = h @ W
    msg = hw[src_l] * norm[:, None]
    out = jnp.zeros((num_nodes, W.shape[1]), dtype=h.dtype).at[dst_l].add(msg)
    return out + b


def setup_inputs(seed: int = 0):
    key = jax.random.key(seed)
    ks = jax.random.split(key, 8)
    x = jax.random.randint(ks[0], (N,), 0, VOCAB, dtype=jnp.int32)
    edge_index = jax.random.randint(ks[1], (2, E), 0, N, dtype=jnp.int32)
    table = jax.random.normal(ks[2], (VOCAB, EMBED), dtype=jnp.float32) * 0.02
    W1 = jax.random.normal(ks[3], (EMBED, HIDDEN), dtype=jnp.float32) * (1.0 / np.sqrt(EMBED))
    b1 = jnp.zeros((HIDDEN,), dtype=jnp.float32)
    W2 = jax.random.normal(ks[4], (HIDDEN, HIDDEN), dtype=jnp.float32) * (1.0 / np.sqrt(HIDDEN))
    b2 = jnp.zeros((HIDDEN,), dtype=jnp.float32)
    return {"x": x, "edge_index": edge_index, "table": table, "W1": W1, "b1": b1, "W2": W2, "b2": b2}


def reference(x, edge_index, table, W1, b1, W2, b2):
    src = edge_index[0]
    dst = edge_index[1]
    h = table[x]  # embedding lookup
    h = jax.nn.relu(gcn_conv(h, src, dst, W1, b1, N))
    h = jax.nn.relu(gcn_conv(h, src, dst, W2, b2, N))
    return h

if __name__ == "__main__":
    import jax
    _d = setup_inputs()
    print(jax.jit(kernel)(*tuple(_d.values())))

</pallas_src>

<mosaic_0001>
#map = affine_map<(d0, d1) -> (0, 0)>
#map1 = affine_map<(d0, d1) -> (0, 0, 0)>
module attributes {stable_mosaic.version = 14 : i64} {
  func.func @_sc_edge_body(%arg0: i32, %arg1: i32, %arg2: memref<10240x128xf32, #tpu.memory_space<hbm>>, %arg3: memref<5120x64xi32, #tpu.memory_space<hbm>>, %arg4: memref<5120x64xi32, #tpu.memory_space<hbm>>, %arg5: memref<10240x128xf32, #tpu.memory_space<hbm>>, %arg6: memref<2x10240x128xf32, #tpu.memory_space<hbm>>, %arg7: memref<40x64xi32, #tpu.memory_space<vmem>>, %arg8: memref<40x64xi32, #tpu.memory_space<vmem>>, %arg9: memref<4x64x128xf32, #tpu.memory_space<vmem>>, %arg10: memref<10240x128xf32, #tpu.memory_space<vmem_shared>>, %arg11: memref<!tpu.dma_semaphore, #tpu.memory_space<semaphore_mem>>, %arg12: memref<!tpu.dma_semaphore, #tpu.memory_space<semaphore_mem>>) attributes {dimension_semantics = [#tpu.dimension_semantics<core_parallel>, #tpu.dimension_semantics<subcore_parallel>], iteration_bounds = array<i64: 2, 16>, scalar_prefetch = 0 : i64, scratch_operands = 6 : i64, tpu.core_type = #tpu.core_type<sc_vector_subcore>, window_params = [{transform_indices = #map}, {transform_indices = #map}, {transform_indices = #map}, {transform_indices = #map}, {transform_indices = #map1}]} {
    %mul3A = arith.constant 640 : i32
    %mul3A_0 = arith.muli %arg1, %mul3A : i32
    %mul3A_1 = arith.constant 640 : i32
    %mul3A_2 = arith.muli %arg1, %mul3A_1 : i32
    "tpu.region"() ({
      %run_scoped3A = tpu.sem_alloc : memref<!tpu.dma_semaphore, #tpu.memory_space<semaphore_mem>>
      %dma_start3A = arith.constant 0 : i32
      %dma_start3A_27 = tpu.memref_slice %arg10[%mul3A_2, %dma_start3A] : memref<10240x128xf32, #tpu.memory_space<vmem_shared>> -> memref<640x128xf32, #tpu.memory_space<vmem_shared>>
      %dma_start3A_28 = arith.constant 0 : i32
      %dma_start3A_29 = tpu.memref_slice %arg5[%mul3A_0, %dma_start3A_28] : memref<10240x128xf32, #tpu.memory_space<hbm>> -> memref<640x128xf32, #tpu.memory_space<hbm>>
      tpu.enqueue_dma source(%dma_start3A_29 : memref<640x128xf32, #tpu.memory_space<hbm>>) target(%dma_start3A_27 : memref<640x128xf32, #tpu.memory_space<vmem_shared>>) target_semaphore(%run_scoped3A : memref<!tpu.dma_semaphore, #tpu.memory_space<semaphore_mem>>)
      %dma_wait3A = arith.constant 0 : i32
      %dma_wait3A_30 = tpu.memref_slice %arg10[%mul3A_2, %dma_wait3A] : memref<10240x128xf32, #tpu.memory_space<vmem_shared>> -> memref<640x128xf32, #tpu.memory_space<vmem_shared>>
      %dma_wait3A_31 = arith.constant 0 : i32
      %dma_wait3A_32 = tpu.memref_slice %arg5[%mul3A_0, %dma_wait3A_31] : memref<10240x128xf32, #tpu.memory_space<hbm>> -> memref<640x128xf32, #tpu.memory_space<hbm>>
      tpu.wait_dma2 semaphore(%run_scoped3A : memref<!tpu.dma_semaphore, #tpu.memory_space<semaphore_mem>>) src(%dma_wait3A_32 : memref<640x128xf32, #tpu.memory_space<hbm>>) dst(%dma_wait3A_30 : memref<640x128xf32, #tpu.memory_space<vmem_shared>>)
      tpu.yield
    }) : () -> ()
    %barrier3A = arith.constant 0 : index
    tpu.barrier barrier_id(%barrier3A)
    %eq3A = arith.constant 1 : i32
    %eq3A_3 = arith.cmpi eq, %arg0, %eq3A : i32
    %jit3A = arith.constant 7 : i32
    %jit3A_4 = arith.constant 1 : i32
    %select_n3A = arith.select %eq3A_3, %jit3A, %jit3A_4 : i32
    %eq3A_5 = arith.constant 1 : i32
    %eq3A_6 = arith.cmpi eq, %arg0, %eq3A_5 : i32
    %mul3A_7 = arith.constant 280 : i32
    %mul3A_8 = arith.muli %arg1, %mul3A_7 : i32
    %mul3A_9 = arith.constant 40 : i32
    %mul3A_10 = arith.muli %arg1, %mul3A_9 : i32
    %add3A = arith.constant 4480 : i32
    %add3A_11 = arith.addi %add3A, %mul3A_10 : i32
    %select_n3A_12 = arith.select %eq3A_6, %mul3A_8, %add3A_11 : i32
    %while3A = arith.constant 0 : i32
    %while3A_13 = arith.constant 0 : i32
    %while3A_14 = arith.subi %select_n3A, %while3A_13 : i32
    %while3A_15 = arith.addi %while3A_13, %while3A_14 : i32
    %while3A_16 = arith.constant 1 : i32
    %while3A_17 = arith.divsi %while3A_14, %while3A_16 : i32
    %while3A_18 = arith.muli %while3A_17, %while3A_16 : i32
    %while3A_19 = arith.addi %while3A_13, %while3A_18 : i32
    %while3A_20 = arith.constant 1 : i32
    scf.for %while3A_27 = %while3A_13 to %while3A_19 step %while3A_20  : i32 {
      %mul3A_28 = arith.constant 40 : i32
      %mul3A_29 = arith.muli %while3A_27, %mul3A_28 : i32
      %add3A_30 = arith.addi %select_n3A_12, %mul3A_29 : i32
      "tpu.region"() ({
        %run_scoped3A = tpu.sem_alloc : memref<!tpu.dma_semaphore, #tpu.memory_space<semaphore_mem>>
        %dma_start3A_83 = arith.constant 0 : i32
        %dma_start3A_84 = tpu.memref_slice %arg3[%add3A_30, %dma_start3A_83] : memref<5120x64xi32, #tpu.memory_space<hbm>> -> memref<40x64xi32, #tpu.memory_space<hbm>>
        %dma_start3A_85 = arith.constant 0 : i32
        %dma_start3A_86 = tpu.memref_slice %arg3[%add3A_30, %dma_start3A_85] : memref<5120x64xi32, #tpu.memory_space<hbm>> -> memref<40x64xi32, #tpu.memory_space<hbm>>
        tpu.enqueue_dma source(%dma_start3A_86 : memref<40x64xi32, #tpu.memory_space<hbm>>) target(%arg7 : memref<40x64xi32, #tpu.memory_space<vmem>>) target_semaphore(%run_scoped3A : memref<!tpu.dma_semaphore, #tpu.memory_space<semaphore_mem>>)
        %dma_wait3A = arith.constant 0 : i32
        %dma_wait3A_87 = tpu.memref_slice %arg3[%add3A_30, %dma_wait3A] : memref<5120x64xi32, #tpu.memory_space<hbm>> -> memref<40x64xi32, #tpu.memory_space<hbm>>
        %dma_wait3A_88 = arith.constant 0 : i32
        %dma_wait3A_89 = tpu.memref_slice %arg3[%add3A_30, %dma_wait3A_88] : memref<5120x64xi32, #tpu.memory_space<hbm>> -> memref<40x64xi32, #tpu.memory_space<hbm>>
        tpu.wait_dma2 semaphore(%run_scoped3A : memref<!tpu.dma_semaphore, #tpu.memory_space<semaphore_mem>>) src(%dma_wait3A_89 : memref<40x64xi32, #tpu.memory_space<hbm>>) dst(%arg7 : memref<40x64xi32, #tpu.memory_space<vmem>>)
        tpu.yield
      }) : () -> ()
      "tpu.region"() ({
        %run_scoped3A = tpu.sem_alloc : memref<!tpu.dma_semaphore, #tpu.memory_space<semaphore_mem>>
        %dma_start3A_83 = arith.constant 0 : i32
        %dma_start3A_84 = tpu.memref_slice %arg4[%add3A_30, %dma_start3A_83] : memref<5120x64xi32, #tpu.memory_space<hbm>> -> memref<40x64xi32, #tpu.memory_space<hbm>>
        %dma_start3A_85 = arith.constant 0 : i32
        %dma_start3A_86 = tpu.memref_slice %arg4[%add3A_30, %dma_start3A_85] : memref<5120x64xi32, #tpu.memory_space<hbm>> -> memref<40x64xi32, #tpu.memory_space<hbm>>
        tpu.enqueue_dma source(%dma_start3A_86 : memref<40x64xi32, #tpu.memory_space<hbm>>) target(%arg8 : memref<40x64xi32, #tpu.memory_space<vmem>>) target_semaphore(%run_scoped3A : memref<!tpu.dma_semaphore, #tpu.memory_space<semaphore_mem>>)
        %dma_wait3A = arith.constant 0 : i32
        %dma_wait3A_87 = tpu.memref_slice %arg4[%add3A_30, %dma_wait3A] : memref<5120x64xi32, #tpu.memory_space<hbm>> -> memref<40x64xi32, #tpu.memory_space<hbm>>
        %dma_wait3A_88 = arith.constant 0 : i32
        %dma_wait3A_89 = tpu.memref_slice %arg4[%add3A_30, %dma_wait3A_88] : memref<5120x64xi32, #tpu.memory_space<hbm>> -> memref<40x64xi32, #tpu.memory_space<hbm>>
        tpu.wait_dma2 semaphore(%run_scoped3A : memref<!tpu.dma_semaphore, #tpu.memory_space<semaphore_mem>>) src(%dma_wait3A_89 : memref<40x64xi32, #tpu.memory_space<hbm>>) dst(%arg8 : memref<40x64xi32, #tpu.memory_space<vmem>>)
        tpu.yield
      }) : () -> ()
      %dma_start3A = arith.constant 0 : i32
      %dma_start3A_31 = arith.constant 0 : i32
      %dma_start3A_32 = arith.constant 0 : i32
      %dma_start3A_33 = arith.constant 0 : i32
      %dma_start3A_34 = tpu.memref_slice %arg9[%dma_start3A_31, %dma_start3A_32, %dma_start3A_33] : memref<4x64x128xf32, #tpu.memory_space<vmem>> -> memref<1x64x128xf32, #tpu.memory_space<vmem>>
      %dma_start3A_35 = tpu.memref_squeeze %dma_start3A_34 : memref<1x64x128xf32, #tpu.memory_space<vmem>> -> memref<64x128xf32, #tpu.memory_space<vmem>>
      %dma_start3A_36 = arith.constant 0 : i32
      %dma_start3A_37 = tpu.memref_slice %arg7[%dma_start3A, %dma_start3A_36] : memref<40x64xi32, #tpu.memory_space<vmem>> -> memref<1x64xi32, #tpu.memory_space<vmem>>
      %dma_start3A_38 = tpu.memref_squeeze %dma_start3A_37 : memref<1x64xi32, #tpu.memory_space<vmem>> -> memref<64xi32, #tpu.memory_space<vmem>>
      %dma_start3A_39 = arith.constant 0 : i32
      %dma_start3A_40 = arith.constant 0 : i32
      %dma_start3A_41 = tpu.memref_slice %arg2[%dma_start3A_39, %dma_start3A_40] : memref<10240x128xf32, #tpu.memory_space<hbm>> -> memref<10240x128xf32, #tpu.memory_space<hbm>>
      tpu.enqueue_indirect_dma source(%dma_start3A_41 : memref<10240x128xf32, #tpu.memory_space<hbm>>) target(%dma_start3A_35 : memref<64x128xf32, #tpu.memory_space<vmem>>) offsets(%dma_start3A_38 : memref<64xi32, #tpu.memory_space<vmem>>) semaphore(%arg11 : memref<!tpu.dma_semaphore, #tpu.memory_space<semaphore_mem>>)
      %dma_start3A_42 = arith.constant 1 : i32
      %dma_start3A_43 = arith.constant 1 : i32
      %dma_start3A_44 = arith.constant 0 : i32
      %dma_start3A_45 = arith.constant 0 : i32
      %dma_start3A_46 = tpu.memref_slice %arg9[%dma_start3A_43, %dma_start3A_44, %dma_start3A_45] : memref<4x64x128xf32, #tpu.memory_space<vmem>> -> memref<1x64x128xf32, #tpu.memory_space<vmem>>
      %dma_start3A_47 = tpu.memref_squeeze %dma_start3A_46 : memref<1x64x128xf32, #tpu.memory_space<vmem>> -> memref<64x128xf32, #tpu.memory_space<vmem>>
      %dma_start3A_48 = arith.constant 0 : i32
      %dma_start3A_49 = tpu.memref_slice %arg7[%dma_start3A_42, %dma_start3A_48] : memref<40x64xi32, #tpu.memory_space<vmem>> -> memref<1x64xi32, #tpu.memory_space<vmem>>
      %dma_start3A_50 = tpu.memref_squeeze %dma_start3A_49 : memref<1x64xi32, #tpu.memory_space<vmem>> -> memref<64xi32, #tpu.memory_space<vmem>>
      %dma_start3A_51 = arith.constant 0 : i32
      %dma_start3A_52 = arith.constant 0 : i32
      %dma_start3A_53 = tpu.memref_slice %arg2[%dma_start3A_51, %dma_start3A_52] : memref<10240x128xf32, #tpu.memory_space<hbm>> -> memref<10240x128xf32, #tpu.memory_space<hbm>>
      tpu.enqueue_indirect_dma source(%dma_start3A_53 : memref<10240x128xf32, #tpu.memory_space<hbm>>) target(%dma_start3A_47 : memref<64x128xf32, #tpu.memory_space<vmem>>) offsets(%dma_start3A_50 : memref<64xi32, #tpu.memory_space<vmem>>) semaphore(%arg11 : memref<!tpu.dma_semaphore, #tpu.memory_space<semaphore_mem>>)
      %dma_start3A_54 = arith.constant 2 : i32
      %dma_start3A_55 = arith.constant 2 : i32
      %dma_start3A_56 = arith.constant 0 : i32
      %dma_start3A_57 = arith.constant 0 : i32
      %dma_start3A_58 = tpu.memref_slice %arg9[%dma_start3A_55, %dma_start3A_56, %dma_start3A_57] : memref<4x64x128xf32, #tpu.memory_space<vmem>> -> memref<1x64x128xf32, #tpu.memory_space<vmem>>
      %dma_start3A_59 = tpu.memref_squeeze %dma_start3A_58 : memref<1x64x128xf32, #tpu.memory_space<vmem>> -> memref<64x128xf32, #tpu.memory_space<vmem>>
      %dma_start3A_60 = arith.constant 0 : i32
      %dma_start3A_61 = tpu.memref_slice %arg7[%dma_start3A_54, %dma_start3A_60] : memref<40x64xi32, #tpu.memory_space<vmem>> -> memref<1x64xi32, #tpu.memory_space<vmem>>
      %dma_start3A_62 = tpu.memref_squeeze %dma_start3A_61 : memref<1x64xi32, #tpu.memory_space<vmem>> -> memref<64xi32, #tpu.memory_space<vmem>>
      %dma_start3A_63 = arith.constant 0 : i32
      %dma_start3A_64 = arith.constant 0 : i32
      %dma_start3A_65 = tpu.memref_slice %arg2[%dma_start3A_63, %dma_start3A_64] : memref<10240x128xf32, #tpu.memory_space<hbm>> -> memref<10240x128xf32, #tpu.memory_space<hbm>>
      tpu.enqueue_indirect_dma source(%dma_start3A_65 : memref<10240x128xf32, #tpu.memory_space<hbm>>) target(%dma_start3A_59 : memref<64x128xf32, #tpu.memory_space<vmem>>) offsets(%dma_start3A_62 : memref<64xi32, #tpu.memory_space<vmem>>) semaphore(%arg11 : memref<!tpu.dma_semaphore, #tpu.memory_space<semaphore_mem>>)
      %dma_start3A_66 = arith.constant 3 : i32
      %dma_start3A_67 = arith.constant 3 : i32
      %dma_start3A_68 = arith.constant 0 : i32
      %dma_start3A_69 = arith.constant 0 : i32
      %dma_start3A_70 = tpu.memref_slice %arg9[%dma_start3A_67, %dma_start3A_68, %dma_start3A_69] : memref<4x64x128xf32, #tpu.memory_space<vmem>> -> memref<1x64x128xf32, #tpu.memory_space<vmem>>
      %dma_start3A_71 = tpu.memref_squeeze %dma_start3A_70 : memref<1x64x128xf32, #tpu.memory_space<vmem>> -> memref<64x128xf32, #tpu.memory_space<vmem>>
      %dma_start3A_72 = arith.constant 0 : i32
      %dma_start3A_73 = tpu.memref_slice %arg7[%dma_start3A_66, %dma_start3A_72] : memref<40x64xi32, #tpu.memory_space<vmem>> -> memref<1x64xi32, #tpu.memory_space<vmem>>
      %dma_start3A_74 = tpu.memref_squeeze %dma_start3A_73 : memref<1x64xi32, #tpu.memory_space<vmem>> -> memref<64xi32, #tpu.memory_space<vmem>>
      %dma_start3A_75 = arith.constant 0 : i32
      %dma_start3A_76 = arith.constant 0 : i32
      %dma_start3A_77 = tpu.memref_slice %arg2[%dma_start3A_75, %dma_start3A_76] : memref<10240x128xf32, #tpu.memory_space<hbm>> -> memref<10240x128xf32, #tpu.memory_space<hbm>>
      tpu.enqueue_indirect_dma source(%dma_start3A_77 : memref<10240x128xf32, #tpu.memory_space<hbm>>) target(%dma_start3A_71 : memref<64x128xf32, #tpu.memory_space<vmem>>) offsets(%dma_start3A_74 : memref<64xi32, #tpu.memory_space<vmem>>) semaphore(%arg11 : memref<!tpu.dma_semaphore, #tpu.memory_space<semaphore_mem>>)
      %scan3A = arith.constant 0 : i32
      %scan3A_78 = arith.constant 0 : i32
      %scan3A_79 = arith.constant 10 : i32
      %scan3A_80 = arith.addi %scan3A_78, %scan3A_79 : i32
      %scan3A_81 = arith.constant 1 : i32
      scf.for %scan3A_83 = %scan3A_78 to %scan3A_80 step %scan3A_81  : i32 {
        %mul3A_84 = arith.constant 4 : i32
        %mul3A_85 = arith.muli %scan3A_83, %mul3A_84 : i32
        %dma_wait3A = arith.constant 0 : i32
        %dma_wait3A_86 = arith.constant 0 : i32
        %dma_wait3A_87 = arith.constant 0 : i32
        %dma_wait3A_88 = tpu.memref_slice %arg9[%dma_wait3A, %dma_wait3A_86, %dma_wait3A_87] : memref<4x64x128xf32, #tpu.memory_space<vmem>> -> memref<1x64x128xf32, #tpu.memory_space<vmem>>
        %dma_wait3A_89 = tpu.memref_squeeze %dma_wait3A_88 : memref<1x64x128xf32, #tpu.memory_space<vmem>> -> memref<64x128xf32, #tpu.memory_space<vmem>>
        %dma_wait3A_90 = arith.constant 0 : i32
        %dma_wait3A_91 = arith.constant 0 : i32
        %dma_wait3A_92 = tpu.memref_slice %arg2[%dma_wait3A_90, %dma_wait3A_91] : memref<10240x128xf32, #tpu.memory_space<hbm>> -> memref<64x128xf32, #tpu.memory_space<hbm>>
        %dma_wait3A_93 = arith.constant 0 : i32
        %dma_wait3A_94 = arith.constant 0 : i32
        %dma_wait3A_95 = tpu.memref_slice %arg9[%dma_wait3A, %dma_wait3A_93, %dma_wait3A_94] : memref<4x64x128xf32, #tpu.memory_space<vmem>> -> memref<1x64x128xf32, #tpu.memory_space<vmem>>
        %dma_wait3A_96 = tpu.memref_squeeze %dma_wait3A_95 : memref<1x64x128xf32, #tpu.memory_space<vmem>> -> memref<64x128xf32, #tpu.memory_space<vmem>>
        %dma_wait3A_97 = arith.constant 0 : i32
        %dma_wait3A_98 = arith.constant 0 : i32
        %dma_wait3A_99 = tpu.memref_slice %arg2[%dma_wait3A_97, %dma_wait3A_98] : memref<10240x128xf32, #tpu.memory_space<hbm>> -> memref<64x128xf32, #tpu.memory_space<hbm>>
        tpu.wait_dma2 semaphore(%arg11 : memref<!tpu.dma_semaphore, #tpu.memory_space<semaphore_mem>>) src(%dma_wait3A_99 : memref<64x128xf32, #tpu.memory_space<hbm>>) dst(%dma_wait3A_96 : memref<64x128xf32, #tpu.memory_space<vmem>>)
        %add3A_100 = arith.constant 0 : i32
        %add3A_101 = arith.addi %mul3A_85, %add3A_100 : i32
        %dma_start3A_102 = arith.constant 0 : i32
        %dma_start3A_103 = arith.constant 0 : i32
        %dma_start3A_104 = arith.constant 0 : i32
        %dma_start3A_105 = tpu.memref_slice %arg9[%dma_start3A_102, %dma_start3A_103, %dma_start3A_104] : memref<4x64x128xf32, #tpu.memory_space<vmem>> -> memref<1x64x128xf32, #tpu.memory_space<vmem>>
        %dma_start3A_106 = tpu.memref_squeeze %dma_start3A_105 : memref<1x64x128xf32, #tpu.memory_space<vmem>> -> memref<64x128xf32, #tpu.memory_space<vmem>>
        %dma_start3A_107 = arith.constant 0 : i32
        %dma_start3A_108 = tpu.memref_slice %arg8[%add3A_101, %dma_start3A_107] : memref<40x64xi32, #tpu.memory_space<vmem>> -> memref<1x64xi32, #tpu.memory_space<vmem>>
        %dma_start3A_109 = tpu.memref_squeeze %dma_start3A_108 : memref<1x64xi32, #tpu.memory_space<vmem>> -> memref<64xi32, #tpu.memory_space<vmem>>
        %dma_start3A_110 = arith.constant 0 : i32
        %dma_start3A_111 = arith.constant 0 : i32
        %dma_start3A_112 = tpu.memref_slice %arg10[%dma_start3A_110, %dma_start3A_111] : memref<10240x128xf32, #tpu.memory_space<vmem_shared>> -> memref<10240x128xf32, #tpu.memory_space<vmem_shared>>
        tpu.enqueue_indirect_dma source(%dma_start3A_106 : memref<64x128xf32, #tpu.memory_space<vmem>>) target(%dma_start3A_112 : memref<10240x128xf32, #tpu.memory_space<vmem_shared>>) offsets(%dma_start3A_109 : memref<64xi32, #tpu.memory_space<vmem>>) semaphore(%arg12 : memref<!tpu.dma_semaphore, #tpu.memory_space<semaphore_mem>>) {add = true}
        %dma_wait3A_113 = arith.constant 0 : i32
        %dma_wait3A_114 = arith.constant 0 : i32
        %dma_wait3A_115 = arith.constant 0 : i32
        %dma_wait3A_116 = tpu.memref_slice %arg9[%dma_wait3A_113, %dma_wait3A_114, %dma_wait3A_115] : memref<4x64x128xf32, #tpu.memory_space<vmem>> -> memref<1x64x128xf32, #tpu.memory_space<vmem>>
        %dma_wait3A_117 = tpu.memref_squeeze %dma_wait3A_116 : memref<1x64x128xf32, #tpu.memory_space<vmem>> -> memref<64x128xf32, #tpu.memory_space<vmem>>
        %dma_wait3A_118 = arith.constant 0 : i32
        %dma_wait3A_119 = arith.constant 0 : i32
        %dma_wait3A_120 = tpu.memref_slice %arg10[%dma_wait3A_118, %dma_wait3A_119] : memref<10240x128xf32, #tpu.memory_space<vmem_shared>> -> memref<64x128xf32, #tpu.memory_space<vmem_shared>>
        %dma_wait3A_121 = arith.constant 0 : i32
        %dma_wait3A_122 = arith.constant 0 : i32
        %dma_wait3A_123 = tpu.memref_slice %arg10[%dma_wait3A_121, %dma_wait3A_122] : memref<10240x128xf32, #tpu.memory_space<vmem_shared>> -> memref<64x128xf32, #tpu.memory_space<vmem_shared>>
        %dma_wait3A_124 = arith.constant 0 : i32
        %dma_wait3A_125 = arith.constant 0 : i32
        %dma_wait3A_126 = tpu.memref_slice %arg9[%dma_wait3A_113, %dma_wait3A_124, %dma_wait3A_125] : memref<4x64x128xf32, #tpu.memory_space<vmem>> -> memref<1x64x128xf32, #tpu.memory_space<vmem>>
        %dma_wait3A_127 = tpu.memref_squeeze %dma_wait3A_126 : memref<1x64x128xf32, #tpu.memory_space<vmem>> -> memref<64x128xf32, #tpu.memory_space<vmem>>
        tpu.wait_dma2 semaphore(%arg12 : memref<!tpu.dma_semaphore, #tpu.memory_space<semaphore_mem>>) src(%dma_wait3A_127 : memref<64x128xf32, #tpu.memory_space<vmem>>) dst(%dma_wait3A_123 : memref<64x128xf32, #tpu.memory_space<vmem_shared>>)
        %add3A_128 = arith.constant 0 : i32
        %add3A_129 = arith.addi %mul3A_85, %add3A_128 : i32
        %add3A_130 = arith.constant 4 : i32
        %add3A_131 = arith.addi %add3A_129, %add3A_130 : i32
        %lt3A = arith.constant 40 : i32
        %lt3A_132 = arith.cmpi slt, %add3A_131, %lt3A : i32
        %convert_element_type3A = arith.extui %lt3A_132 : i1 to i32
        %cond3A = arith.constant 0 : i32
        %cond3A_133 = arith.cmpi ne, %convert_element_type3A, %cond3A : i32
        scf.if %cond3A_133 {
          %add3A_290 = arith.constant 0 : i32
          %add3A_291 = arith.addi %mul3A_85, %add3A_290 : i32
          %add3A_292 = arith.constant 4 : i32
          %add3A_293 = arith.addi %add3A_291, %add3A_292 : i32
          %dma_start3A_294 = arith.constant 0 : i32
          %dma_start3A_295 = arith.constant 0 : i32
          %dma_start3A_296 = arith.constant 0 : i32
          %dma_start3A_297 = tpu.memref_slice %arg9[%dma_start3A_294, %dma_start3A_295, %dma_start3A_296] : memref<4x64x128xf32, #tpu.memory_space<vmem>> -> memref<1x64x128xf32, #tpu.memory_space<vmem>>
          %dma_start3A_298 = tpu.memref_squeeze %dma_start3A_297 : memref<1x64x128xf32, #tpu.memory_space<vmem>> -> memref<64x128xf32, #tpu.memory_space<vmem>>
          %dma_start3A_299 = arith.constant 0 : i32
          %dma_start3A_300 = tpu.memref_slice %arg7[%add3A_293, %dma_start3A_299] : memref<40x64xi32, #tpu.memory_space<vmem>> -> memref<1x64xi32, #tpu.memory_space<vmem>>
          %dma_start3A_301 = tpu.memref_squeeze %dma_start3A_300 : memref<1x64xi32, #tpu.memory_space<vmem>> -> memref<64xi32, #tpu.memory_space<vmem>>
          %dma_start3A_302 = arith.constant 0 : i32
          %dma_start3A_303 = arith.constant 0 : i32
          %dma_start3A_304 = tpu.memref_slice %arg2[%dma_start3A_302, %dma_start3A_303] : memref<10240x128xf32, #tpu.memory_space<hbm>> -> memref<10240x128xf32, #tpu.memory_space<hbm>>
          tpu.enqueue_indirect_dma source(%dma_start3A_304 : memref<10240x128xf32, #tpu.memory_space<hbm>>) target(%dma_start3A_298 : memref<64x128xf32, #tpu.memory_space<vmem>>) offsets(%dma_start3A_301 : memref<64xi32, #tpu.memory_space<vmem>>) semaphore(%arg11 : memref<!tpu.dma_semaphore, #tpu.memory_space<semaphore_mem>>)
        } else {
        }
        %dma_wait3A_134 = arith.constant 1 : i32
        %dma_wait3A_135 = arith.constant 0 : i32
        %dma_wait3A_136 = arith.constant 0 : i32
        %dma_wait3A_137 = tpu.memref_slice %arg9[%dma_wait3A_134, %dma_wait3A_135, %dma_wait3A_136] : memref<4x64x128xf32, #tpu.memory_space<vmem>> -> memref<1x64x128xf32, #tpu.memory_space<vmem>>
        %dma_wait3A_138 = tpu.memref_squeeze %dma_wait3A_137 : memref<1x64x128xf32, #tpu.memory_space<vmem>> -> memref<64x128xf32, #tpu.memory_space<vmem>>
        %dma_wait3A_139 = arith.constant 0 : i32
        %dma_wait3A_140 = arith.constant 0 : i32
        %dma_wait3A_141 = tpu.memref_slice %arg2[%dma_wait3A_139, %dma_wait3A_140] : memref<10240x128xf32, #tpu.memory_space<hbm>> -> memref<64x128xf32, #tpu.memory_space<hbm>>
        %dma_wait3A_142 = arith.constant 0 : i32
        %dma_wait3A_143 = arith.constant 0 : i32
        %dma_wait3A_144 = tpu.memref_slice %arg9[%dma_wait3A_134, %dma_wait3A_142, %dma_wait3A_143] : memref<4x64x128xf32, #tpu.memory_space<vmem>> -> memref<1x64x128xf32, #tpu.memory_space<vmem>>
        %dma_wait3A_145 = tpu.memref_squeeze %dma_wait3A_144 : memref<1x64x128xf32, #tpu.memory_space<vmem>> -> memref<64x128xf32, #tpu.memory_space<vmem>>
        %dma_wait3A_146 = arith.constant 0 : i32
        %dma_wait3A_147 = arith.constant 0 : i32
        %dma_wait3A_148 = tpu.memref_slice %arg2[%dma_wait3A_146, %dma_wait3A_147] : memref<10240x128xf32, #tpu.memory_space<hbm>> -> memref<64x128xf32, #tpu.memory_space<hbm>>
        tpu.wait_dma2 semaphore(%arg11 : memref<!tpu.dma_semaphore, #tpu.memory_space<semaphore_mem>>) src(%dma_wait3A_148 : memref<64x128xf32, #tpu.memory_space<hbm>>) dst(%dma_wait3A_145 : memref<64x128xf32, #tpu.memory_space<vmem>>)
        %add3A_149 = arith.constant 1 : i32
        %add3A_150 = arith.addi %mul3A_85, %add3A_149 : i32
        %dma_start3A_151 = arith.constant 1 : i32
        %dma_start3A_152 = arith.constant 0 : i32
        %dma_start3A_153 = arith.constant 0 : i32
        %dma_start3A_154 = tpu.memref_slice %arg9[%dma_start3A_151, %dma_start3A_152, %dma_start3A_153] : memref<4x64x128xf32, #tpu.memory_space<vmem>> -> memref<1x64x128xf32, #tpu.memory_space<vmem>>
        %dma_start3A_155 = tpu.memref_squeeze %dma_start3A_154 : memref<1x64x128xf32, #tpu.memory_space<vmem>> -> memref<64x128xf32, #tpu.memory_space<vmem>>
        %dma_start3A_156 = arith.constant 0 : i32
        %dma_start3A_157 = tpu.memref_slice %arg8[%add3A_150, %dma_start3A_156] : memref<40x64xi32, #tpu.memory_space<vmem>> -> memref<1x64xi32, #tpu.memory_space<vmem>>
        %dma_start3A_158 = tpu.memref_squeeze %dma_start3A_157 : memref<1x64xi32, #tpu.memory_space<vmem>> -> memref<64xi32, #tpu.memory_space<vmem>>
        %dma_start3A_159 = arith.constant 0 : i32
        %dma_start3A_160 = arith.constant 0 : i32
        %dma_start3A_161 = tpu.memref_slice %arg10[%dma_start3A_159, %dma_start3A_160] : memref<10240x128xf32, #tpu.memory_space<vmem_shared>> -> memref<10240x128xf32, #tpu.memory_space<vmem_shared>>
        tpu.enqueue_indirect_dma source(%dma_start3A_155 : memref<64x128xf32, #tpu.memory_space<vmem>>) target(%dma_start3A_161 : memref<10240x128xf32, #tpu.memory_space<vmem_shared>>) offsets(%dma_start3A_158 : memref<64xi32, #tpu.memory_space<vmem>>) semaphore(%arg12 : memref<!tpu.dma_semaphore, #tpu.memory_space<semaphore_mem>>) {add = true}
        %dma_wait3A_162 = arith.constant 1 : i32
        %dma_wait3A_163 = arith.constant 0 : i32
        %dma_wait3A_164 = arith.constant 0 : i32
        %dma_wait3A_165 = tpu.memref_slice %arg9[%dma_wait3A_162, %dma_wait3A_163, %dma_wait3A_164] : memref<4x64x128xf32, #tpu.memory_space<vmem>> -> memref<1x64x128xf32, #tpu.memory_space<vmem>>
        %dma_wait3A_166 = tpu.memref_squeeze %dma_wait3A_165 : memref<1x64x128xf32, #tpu.memory_space<vmem>> -> memref<64x128xf32, #tpu.memory_space<vmem>>
        %dma_wait3A_167 = arith.constant 0 : i32
        %dma_wait3A_168 = arith.constant 0 : i32
        %dma_wait3A_169 = tpu.memref_slice %arg10[%dma_wait3A_167, %dma_wait3A_168] : memref<10240x128xf32, #tpu.memory_space<vmem_shared>> -> memref<64x128xf32, #tpu.memory_space<vmem_shared>>
        %dma_wait3A_170 = arith.constant 0 : i32
        %dma_wait3A_171 = arith.constant 0 : i32
        %dma_wait3A_172 = tpu.memref_slice %arg10[%dma_wait3A_170, %dma_wait3A_171] : memref<10240x128xf32, #tpu.memory_space<vmem_shared>> -> memref<64x128xf32, #tpu.memory_space<vmem_shared>>
        %dma_wait3A_173 = arith.constant 0 : i32
        %dma_wait3A_174 = arith.constant 0 : i32
        %dma_wait3A_175 = tpu.memref_slice %arg9[%dma_wait3A_162, %dma_wait3A_173, %dma_wait3A_174] : memref<4x64x128xf32, #tpu.memory_space<vmem>> -> memref<1x64x128xf32, #tpu.memory_space<vmem>>
        %dma_wait3A_176 = tpu.memref_squeeze %dma_wait3A_175 : memref<1x64x128xf32, #tpu.memory_space<vmem>> -> memref<64x128xf32, #tpu.memory_space<vmem>>
        tpu.wait_dma2 semaphore(%arg12 : memref<!tpu.dma_semaphore, #tpu.memory_space<semaphore_mem>>) src(%dma_wait3A_176 : memref<64x128xf32, #tpu.memory_space<vmem>>) dst(%dma_wait3A_172 : memref<64x128xf32, #tpu.memory_space<vmem_shared>>)
        %add3A_177 = arith.constant 1 : i32
        %add3A_178 = arith.addi %mul3A_85, %add3A_177 : i32
        %add3A_179 = arith.constant 4 : i32
        %add3A_180 = arith.addi %add3A_178, %add3A_179 : i32
        %lt3A_181 = arith.constant 40 : i32
        %lt3A_182 = arith.cmpi slt, %add3A_180, %lt3A_181 : i32
        %convert_element_type3A_183 = arith.extui %lt3A_182 : i1 to i32
        %cond3A_184 = arith.constant 0 : i32
        %cond3A_185 = arith.cmpi ne, %convert_element_type3A_183, %cond3A_184 : i32
        scf.if %cond3A_185 {
          %add3A_290 = arith.constant 1 : i32
          %add3A_291 = arith.addi %mul3A_85, %add3A_290 : i32
          %add3A_292 = arith.constant 4 : i32
          %add3A_293 = arith.addi %add3A_291, %add3A_292 : i32
          %dma_start3A_294 = arith.constant 1 : i32
          %dma_start3A_295 = arith.constant 0 : i32
          %dma_start3A_296 = arith.constant 0 : i32
          %dma_start3A_297 = tpu.memref_slice %arg9[%dma_start3A_294, %dma_start3A_295, %dma_start3A_296] : memref<4x64x128xf32, #tpu.memory_space<vmem>> -> memref<1x64x128xf32, #tpu.memory_space<vmem>>
          %dma_start3A_298 = tpu.memref_squeeze %dma_start3A_297 : memref<1x64x128xf32, #tpu.memory_space<vmem>> -> memref<64x128xf32, #tpu.memory_space<vmem>>
          %dma_start3A_299 = arith.constant 0 : i32
          %dma_start3A_300 = tpu.memref_slice %arg7[%add3A_293, %dma_start3A_299] : memref<40x64xi32, #tpu.memory_space<vmem>> -> memref<1x64xi32, #tpu.memory_space<vmem>>
          %dma_start3A_301 = tpu.memref_squeeze %dma_start3A_300 : memref<1x64xi32, #tpu.memory_space<vmem>> -> memref<64xi32, #tpu.memory_space<vmem>>
          %dma_start3A_302 = arith.constant 0 : i32
          %dma_start3A_303 = arith.constant 0 : i32
          %dma_start3A_304 = tpu.memref_slice %arg2[%dma_start3A_302, %dma_start3A_303] : memref<10240x128xf32, #tpu.memory_space<hbm>> -> memref<10240x128xf32, #tpu.memory_space<hbm>>
          tpu.enqueue_indirect_dma source(%dma_start3A_304 : memref<10240x128xf32, #tpu.memory_space<hbm>>) target(%dma_start3A_298 : memref<64x128xf32, #tpu.memory_space<vmem>>) offsets(%dma_start3A_301 : memref<64xi32, #tpu.memory_space<vmem>>) semaphore(%arg11 : memref<!tpu.dma_semaphore, #tpu.memory_space<semaphore_mem>>)
        } else {
        }
        %dma_wait3A_186 = arith.constant 2 : i32
        %dma_wait3A_187 = arith.constant 0 : i32
        %dma_wait3A_188 = arith.constant 0 : i32
        %dma_wait3A_189 = tpu.memref_slice %arg9[%dma_wait3A_186, %dma_wait3A_187, %dma_wait3A_188] : memref<4x64x128xf32, #tpu.memory_space<vmem>> -> memref<1x64x128xf32, #tpu.memory_space<vmem>>
        %dma_wait3A_190 = tpu.memref_squeeze %dma_wait3A_189 : memref<1x64x128xf32, #tpu.memory_space<vmem>> -> memref<64x128xf32, #tpu.memory_space<vmem>>
        %dma_wait3A_191 = arith.constant 0 : i32
        %dma_wait3A_192 = arith.constant 0 : i32
        %dma_wait3A_193 = tpu.memref_slice %arg2[%dma_wait3A_191, %dma_wait3A_192] : memref<10240x128xf32, #tpu.memory_space<hbm>> -> memref<64x128xf32, #tpu.memory_space<hbm>>
        %dma_wait3A_194 = arith.constant 0 : i32
        %dma_wait3A_195 = arith.constant 0 : i32
        %dma_wait3A_196 = tpu.memref_slice %arg9[%dma_wait3A_186, %dma_wait3A_194, %dma_wait3A_195] : memref<4x64x128xf32, #tpu.memory_space<vmem>> -> memref<1x64x128xf32, #tpu.memory_space<vmem>>
        %dma_wait3A_197 = tpu.memref_squeeze %dma_wait3A_196 : memref<1x64x128xf32, #tpu.memory_space<vmem>> -> memref<64x128xf32, #tpu.memory_space<vmem>>
        %dma_wait3A_198 = arith.constant 0 : i32
        %dma_wait3A_199 = arith.constant 0 : i32
        %dma_wait3A_200 = tpu.memref_slice %arg2[%dma_wait3A_198, %dma_wait3A_199] : memref<10240x128xf32, #tpu.memory_space<hbm>> -> memref<64x128xf32, #tpu.memory_space<hbm>>
        tpu.wait_dma2 semaphore(%arg11 : memref<!tpu.dma_semaphore, #tpu.memory_space<semaphore_mem>>) src(%dma_wait3A_200 : memref<64x128xf32, #tpu.memory_space<hbm>>) dst(%dma_wait3A_197 : memref<64x128xf32, #tpu.memory_space<vmem>>)
        %add3A_201 = arith.constant 2 : i32
        %add3A_202 = arith.addi %mul3A_85, %add3A_201 : i32
        %dma_start3A_203 = arith.constant 2 : i32
        %dma_start3A_204 = arith.constant 0 : i32
        %dma_start3A_205 = arith.constant 0 : i32
        %dma_start3A_206 = tpu.memref_slice %arg9[%dma_start3A_203, %dma_start3A_204, %dma_start3A_205] : memref<4x64x128xf32, #tpu.memory_space<vmem>> -> memref<1x64x128xf32, #tpu.memory_space<vmem>>
        %dma_start3A_207 = tpu.memref_squeeze %dma_start3A_206 : memref<1x64x128xf32, #tpu.memory_space<vmem>> -> memref<64x128xf32, #tpu.memory_space<vmem>>
        %dma_start3A_208 = arith.constant 0 : i32
        %dma_start3A_209 = tpu.memref_slice %arg8[%add3A_202, %dma_start3A_208] : memref<40x64xi32, #tpu.memory_space<vmem>> -> memref<1x64xi32, #tpu.memory_space<vmem>>
        %dma_start3A_210 = tpu.memref_squeeze %dma_start3A_209 : memref<1x64xi32, #tpu.memory_space<vmem>> -> memref<64xi32, #tpu.memory_space<vmem>>
        %dma_start3A_211 = arith.constant 0 : i32
        %dma_start3A_212 = arith.constant 0 : i32
        %dma_start3A_213 = tpu.memref_slice %arg10[%dma_start3A_211, %dma_start3A_212] : memref<10240x128xf32, #tpu.memory_space<vmem_shared>> -> memref<10240x128xf32, #tpu.memory_space<vmem_shared>>
        tpu.enqueue_indirect_dma source(%dma_start3A_207 : memref<64x128xf32, #tpu.memory_space<vmem>>) target(%dma_start3A_213 : memref<10240x128xf32, #tpu.memory_space<vmem_shared>>) offsets(%dma_start3A_210 : memref<64xi32, #tpu.memory_space<vmem>>) semaphore(%arg12 : memref<!tpu.dma_semaphore, #tpu.memory_space<semaphore_mem>>) {add = true}
        %dma_wait3A_214 = arith.constant 2 : i32
        %dma_wait3A_215 = arith.constant 0 : i32
        %dma_wait3A_216 = arith.constant 0 : i32
        %dma_wait3A_217 = tpu.memref_slice %arg9[%dma_wait3A_214, %dma_wait3A_215, %dma_wait3A_216] : memref<4x64x128xf32, #tpu.memory_space<vmem>> -> memref<1x64x128xf32, #tpu.memory_space<vmem>>
        %dma_wait3A_218 = tpu.memref_squeeze %dma_wait3A_217 : memref<1x64x128xf32, #tpu.memory_space<vmem>> -> memref<64x128xf32, #tpu.memory_space<vmem>>
        %dma_wait3A_219 = arith.constant 0 : i32
        %dma_wait3A_220 = arith.constant 0 : i32
        %dma_wait3A_221 = tpu.memref_slice %arg10[%dma_wait3A_219, %dma_wait3A_220] : memref<10240x128xf32, #tpu.memory_space<vmem_shared>> -> memref<64x128xf32, #tpu.memory_space<vmem_shared>>
        %dma_wait3A_222 = arith.constant 0 : i32
        %dma_wait3A_223 = arith.constant 0 : i32
        %dma_wait3A_224 = tpu.memref_slice %arg10[%dma_wait3A_222, %dma_wait3A_223] : memref<10240x128xf32, #tpu.memory_space<vmem_shared>> -> memref<64x128xf32, #tpu.memory_space<vmem_shared>>
        %dma_wait3A_225 = arith.constant 0 : i32
        %dma_wait3A_226 = arith.constant 0 : i32
        %dma_wait3A_227 = tpu.memref_slice %arg9[%dma_wait3A_214, %dma_wait3A_225, %dma_wait3A_226] : memref<4x64x128xf32, #tpu.memory_space<vmem>> -> memref<1x64x128xf32, #tpu.memory_space<vmem>>
        %dma_wait3A_228 = tpu.memref_squeeze %dma_wait3A_227 : memref<1x64x128xf32, #tpu.memory_space<vmem>> -> memref<64x128xf32, #tpu.memory_space<vmem>>
        tpu.wait_dma2 semaphore(%arg12 : memref<!tpu.dma_semaphore, #tpu.memory_space<semaphore_mem>>) src(%dma_wait3A_228 : memref<64x128xf32, #tpu.memory_space<vmem>>) dst(%dma_wait3A_224 : memref<64x128xf32, #tpu.memory_space<vmem_shared>>)
        %add3A_229 = arith.constant 2 : i32
        %add3A_230 = arith.addi %mul3A_85, %add3A_229 : i32
        %add3A_231 = arith.constant 4 : i32
        %add3A_232 = arith.addi %add3A_230, %add3A_231 : i32
        %lt3A_233 = arith.constant 40 : i32
        %lt3A_234 = arith.cmpi slt, %add3A_232, %lt3A_233 : i32
        %convert_element_type3A_235 = arith.extui %lt3A_234 : i1 to i32
        %cond3A_236 = arith.constant 0 : i32
        %cond3A_237 = arith.cmpi ne, %convert_element_type3A_235, %cond3A_236 : i32
        scf.if %cond3A_237 {
          %add3A_290 = arith.constant 2 : i32
          %add3A_291 = arith.addi %mul3A_85, %add3A_290 : i32
          %add3A_292 = arith.constant 4 : i32
          %add3A_293 = arith.addi %add3A_291, %add3A_292 : i32
          %dma_start3A_294 = arith.constant 2 : i32
          %dma_start3A_295 = arith.constant 0 : i32
          %dma_start3A_296 = arith.constant 0 : i32
          %dma_start3A_297 = tpu.memref_slice %arg9[%dma_start3A_294, %dma_start3A_295, %dma_start3A_296] : memref<4x64x128xf32, #tpu.memory_space<vmem>> -> memref<1x64x128xf32, #tpu.memory_space<vmem>>
          %dma_start3A_298 = tpu.memref_squeeze %dma_start3A_297 : memref<1x64x128xf32, #tpu.memory_space<vmem>> -> memref<64x128xf32, #tpu.memory_space<vmem>>
          %dma_start3A_299 = arith.constant 0 : i32
          %dma_start3A_300 = tpu.memref_slice %arg7[%add3A_293, %dma_start3A_299] : memref<40x64xi32, #tpu.memory_space<vmem>> -> memref<1x64xi32, #tpu.memory_space<vmem>>
          %dma_start3A_301 = tpu.memref_squeeze %dma_start3A_300 : memref<1x64xi32, #tpu.memory_space<vmem>> -> memref<64xi32, #tpu.memory_space<vmem>>
          %dma_start3A_302 = arith.constant 0 : i32
          %dma_start3A_303 = arith.constant 0 : i32
          %dma_start3A_304 = tpu.memref_slice %arg2[%dma_start3A_302, %dma_start3A_303] : memref<10240x128xf32, #tpu.memory_space<hbm>> -> memref<10240x128xf32, #tpu.memory_space<hbm>>
          tpu.enqueue_indirect_dma source(%dma_start3A_304 : memref<10240x128xf32, #tpu.memory_space<hbm>>) target(%dma_start3A_298 : memref<64x128xf32, #tpu.memory_space<vmem>>) offsets(%dma_start3A_301 : memref<64xi32, #tpu.memory_space<vmem>>) semaphore(%arg11 : memref<!tpu.dma_semaphore, #tpu.memory_space<semaphore_mem>>)
        } else {
        }
        %dma_wait3A_238 = arith.constant 3 : i32
        %dma_wait3A_239 = arith.constant 0 : i32
        %dma_wait3A_240 = arith.constant 0 : i32
        %dma_wait3A_241 = tpu.memref_slice %arg9[%dma_wait3A_238, %dma_wait3A_239, %dma_wait3A_240] : memref<4x64x128xf32, #tpu.memory_space<vmem>> -> memref<1x64x128xf32, #tpu.memory_space<vmem>>
        %dma_wait3A_242 = tpu.memref_squeeze %dma_wait3A_241 : memref<1x64x128xf32, #tpu.memory_space<vmem>> -> memref<64x128xf32, #tpu.memory_space<vmem>>
        %dma_wait3A_243 = arith.constant 0 : i32
        %dma_wait3A_244 = arith.constant 0 : i32
        %dma_wait3A_245 = tpu.memref_slice %arg2[%dma_wait3A_243, %dma_wait3A_244] : memref<10240x128xf32, #tpu.memory_space<hbm>> -> memref<64x128xf32, #tpu.memory_space<hbm>>
        %dma_wait3A_246 = arith.constant 0 : i32
        %dma_wait3A_247 = arith.constant 0 : i32
        %dma_wait3A_248 = tpu.memref_slice %arg9[%dma_wait3A_238, %dma_wait3A_246, %dma_wait3A_247] : memref<4x64x128xf32, #tpu.memory_space<vmem>> -> memref<1x64x128xf32, #tpu.memory_space<vmem>>
        %dma_wait3A_249 = tpu.memref_squeeze %dma_wait3A_248 : memref<1x64x128xf32, #tpu.memory_space<vmem>> -> memref<64x128xf32, #tpu.memory_space<vmem>>
        %dma_wait3A_250 = arith.constant 0 : i32
        %dma_wait3A_251 = arith.constant 0 : i32
        %dma_wait3A_252 = tpu.memref_slice %arg2[%dma_wait3A_250, %dma_wait3A_251] : memref<10240x128xf32, #tpu.memory_space<hbm>> -> memref<64x128xf32, #tpu.memory_space<hbm>>
        tpu.wait_dma2 semaphore(%arg11 : memref<!tpu.dma_semaphore, #tpu.memory_space<semaphore_mem>>) src(%dma_wait3A_252 : memref<64x128xf32, #tpu.memory_space<hbm>>) dst(%dma_wait3A_249 : memref<64x128xf32, #tpu.memory_space<vmem>>)
        %add3A_253 = arith.constant 3 : i32
        %add3A_254 = arith.addi %mul3A_85, %add3A_253 : i32
        %dma_start3A_255 = arith.constant 3 : i32
        %dma_start3A_256 = arith.constant 0 : i32
        %dma_start3A_257 = arith.constant 0 : i32
        %dma_start3A_258 = tpu.memref_slice %arg9[%dma_start3A_255, %dma_start3A_256, %dma_start3A_257] : memref<4x64x128xf32, #tpu.memory_space<vmem>> -> memref<1x64x128xf32, #tpu.memory_space<vmem>>
        %dma_start3A_259 = tpu.memref_squeeze %dma_start3A_258 : memref<1x64x128xf32, #tpu.memory_space<vmem>> -> memref<64x128xf32, #tpu.memory_space<vmem>>
        %dma_start3A_260 = arith.constant 0 : i32
        %dma_start3A_261 = tpu.memref_slice %arg8[%add3A_254, %dma_start3A_260] : memref<40x64xi32, #tpu.memory_space<vmem>> -> memref<1x64xi32, #tpu.memory_space<vmem>>
        %dma_start3A_262 = tpu.memref_squeeze %dma_start3A_261 : memref<1x64xi32, #tpu.memory_space<vmem>> -> memref<64xi32, #tpu.memory_space<vmem>>
        %dma_start3A_263 = arith.constant 0 : i32
        %dma_start3A_264 = arith.constant 0 : i32
        %dma_start3A_265 = tpu.memref_slice %arg10[%dma_start3A_263, %dma_start3A_264] : memref<10240x128xf32, #tpu.memory_space<vmem_shared>> -> memref<10240x128xf32, #tpu.memory_space<vmem_shared>>
        tpu.enqueue_indirect_dma source(%dma_start3A_259 : memref<64x128xf32, #tpu.memory_space<vmem>>) target(%dma_start3A_265 : memref<10240x128xf32, #tpu.memory_space<vmem_shared>>) offsets(%dma_start3A_262 : memref<64xi32, #tpu.memory_space<vmem>>) semaphore(%arg12 : memref<!tpu.dma_semaphore, #tpu.memory_space<semaphore_mem>>) {add = true}
        %dma_wait3A_266 = arith.constant 3 : i32
        %dma_wait3A_267 = arith.constant 0 : i32
        %dma_wait3A_268 = arith.constant 0 : i32
        %dma_wait3A_269 = tpu.memref_slice %arg9[%dma_wait3A_266, %dma_wait3A_267, %dma_wait3A_268] : memref<4x64x128xf32, #tpu.memory_space<vmem>> -> memref<1x64x128xf32, #tpu.memory_space<vmem>>
        %dma_wait3A_270 = tpu.memref_squeeze %dma_wait3A_269 : memref<1x64x128xf32, #tpu.memory_space<vmem>> -> memref<64x128xf32, #tpu.memory_space<vmem>>
        %dma_wait3A_271 = arith.constant 0 : i32
        %dma_wait3A_272 = arith.constant 0 : i32
        %dma_wait3A_273 = tpu.memref_slice %arg10[%dma_wait3A_271, %dma_wait3A_272] : memref<10240x128xf32, #tpu.memory_space<vmem_shared>> -> memref<64x128xf32, #tpu.memory_space<vmem_shared>>
        %dma_wait3A_274 = arith.constant 0 : i32
        %dma_wait3A_275 = arith.constant 0 : i32
        %dma_wait3A_276 = tpu.memref_slice %arg10[%dma_wait3A_274, %dma_wait3A_275] : memref<10240x128xf32, #tpu.memory_space<vmem_shared>> -> memref<64x128xf32, #tpu.memory_space<vmem_shared>>
        %dma_wait3A_277 = arith.constant 0 : i32
        %dma_wait3A_278 = arith.constant 0 : i32
        %dma_wait3A_279 = tpu.memref_slice %arg9[%dma_wait3A_266, %dma_wait3A_277, %dma_wait3A_278] : memref<4x64x128xf32, #tpu.memory_space<vmem>> -> memref<1x64x128xf32, #tpu.memory_space<vmem>>
        %dma_wait3A_280 = tpu.memref_squeeze %dma_wait3A_279 : memref<1x64x128xf32, #tpu.memory_space<vmem>> -> memref<64x128xf32, #tpu.memory_space<vmem>>
        tpu.wait_dma2 semaphore(%arg12 : memref<!tpu.dma_semaphore, #tpu.memory_space<semaphore_mem>>) src(%dma_wait3A_280 : memref<64x128xf32, #tpu.memory_space<vmem>>) dst(%dma_wait3A_276 : memref<64x128xf32, #tpu.memory_space<vmem_shared>>)
        %add3A_281 = arith.constant 3 : i32
        %add3A_282 = arith.addi %mul3A_85, %add3A_281 : i32
        %add3A_283 = arith.constant 4 : i32
        %add3A_284 = arith.addi %add3A_282, %add3A_283 : i32
        %lt3A_285 = arith.constant 40 : i32
        %lt3A_286 = arith.cmpi slt, %add3A_284, %lt3A_285 : i32
        %convert_element_type3A_287 = arith.extui %lt3A_286 : i1 to i32
        %cond3A_288 = arith.constant 0 : i32
        %cond3A_289 = arith.cmpi ne, %convert_element_type3A_287, %cond3A_288 : i32
        scf.if %cond3A_289 {
          %add3A_290 = arith.constant 3 : i32
          %add3A_291 = arith.addi %mul3A_85, %add3A_290 : i32
          %add3A_292 = arith.constant 4 : i32
          %add3A_293 = arith.addi %add3A_291, %add3A_292 : i32
          %dma_start3A_294 = arith.constant 3 : i32
          %dma_start3A_295 = arith.constant 0 : i32
          %dma_start3A_296 = arith.constant 0 : i32
          %dma_start3A_297 = tpu.memref_slice %arg9[%dma_start3A_294, %dma_start3A_295, %dma_start3A_296] : memref<4x64x128xf32, #tpu.memory_space<vmem>> -> memref<1x64x128xf32, #tpu.memory_space<vmem>>
          %dma_start3A_298 = tpu.memref_squeeze %dma_start3A_297 : memref<1x64x128xf32, #tpu.memory_space<vmem>> -> memref<64x128xf32, #tpu.memory_space<vmem>>
          %dma_start3A_299 = arith.constant 0 : i32
          %dma_start3A_300 = tpu.memref_slice %arg7[%add3A_293, %dma_start3A_299] : memref<40x64xi32, #tpu.memory_space<vmem>> -> memref<1x64xi32, #tpu.memory_space<vmem>>
          %dma_start3A_301 = tpu.memref_squeeze %dma_start3A_300 : memref<1x64xi32, #tpu.memory_space<vmem>> -> memref<64xi32, #tpu.memory_space<vmem>>
          %dma_start3A_302 = arith.constant 0 : i32
          %dma_start3A_303 = arith.constant 0 : i32
          %dma_start3A_304 = tpu.memref_slice %arg2[%dma_start3A_302, %dma_start3A_303] : memref<10240x128xf32, #tpu.memory_space<hbm>> -> memref<10240x128xf32, #tpu.memory_space<hbm>>
          tpu.enqueue_indirect_dma source(%dma_start3A_304 : memref<10240x128xf32, #tpu.memory_space<hbm>>) target(%dma_start3A_298 : memref<64x128xf32, #tpu.memory_space<vmem>>) offsets(%dma_start3A_301 : memref<64xi32, #tpu.memory_space<vmem>>) semaphore(%arg11 : memref<!tpu.dma_semaphore, #tpu.memory_space<semaphore_mem>>)
        } else {
        }
      }
      %scan3A_82 = arith.constant 10 : i32
    }
    %while3A_21 = arith.constant 1 : i32
    scf.for %while3A_27 = %while3A_19 to %while3A_15 step %while3A_21  : i32 {
      %mul3A_28 = arith.constant 40 : i32
      %mul3A_29 = arith.muli %while3A_27, %mul3A_28 : i32
      %add3A_30 = arith.addi %select_n3A_12, %mul3A_29 : i32
      "tpu.region"() ({
        %run_scoped3A = tpu.sem_alloc : memref<!tpu.dma_semaphore, #tpu.memory_space<semaphore_mem>>
        %dma_start3A_83 = arith.constant 0 : i32
        %dma_start3A_84 = tpu.memref_slice %arg3[%add3A_30, %dma_start3A_83] : memref<5120x64xi32, #tpu.memory_space<hbm>> -> memref<40x64xi32, #tpu.memory_space<hbm>>
        %dma_start3A_85 = arith.constant 0 : i32
        %dma_start3A_86 = tpu.memref_slice %arg3[%add3A_30, %dma_start3A_85] : memref<5120x64xi32, #tpu.memory_space<hbm>> -> memref<40x64xi32, #tpu.memory_space<hbm>>
        tpu.enqueue_dma source(%dma_start3A_86 : memref<40x64xi32, #tpu.memory_space<hbm>>) target(%arg7 : memref<40x64xi32, #tpu.memory_space<vmem>>) target_semaphore(%run_scoped3A : memref<!tpu.dma_semaphore, #tpu.memory_space<semaphore_mem>>)
        %dma_wait3A = arith.constant 0 : i32
        %dma_wait3A_87 = tpu.memref_slice %arg3[%add3A_30, %dma_wait3A] : memref<5120x64xi32, #tpu.memory_space<hbm>> -> memref<40x64xi32, #tpu.memory_space<hbm>>
        %dma_wait3A_88 = arith.constant 0 : i32
        %dma_wait3A_89 = tpu.memref_slice %arg3[%add3A_30, %dma_wait3A_88] : memref<5120x64xi32, #tpu.memory_space<hbm>> -> memref<40x64xi32, #tpu.memory_space<hbm>>
        tpu.wait_dma2 semaphore(%run_scoped3A : memref<!tpu.dma_semaphore, #tpu.memory_space<semaphore_mem>>) src(%dma_wait3A_89 : memref<40x64xi32, #tpu.memory_space<hbm>>) dst(%arg7 : memref<40x64xi32, #tpu.memory_space<vmem>>)
        tpu.yield
      }) : () -> ()
      "tpu.region"() ({
        %run_scoped3A = tpu.sem_alloc : memref<!tpu.dma_semaphore, #tpu.memory_space<semaphore_mem>>
        %dma_start3A_83 = arith.constant 0 : i32
        %dma_start3A_84 = tpu.memref_slice %arg4[%add3A_30, %dma_start3A_83] : memref<5120x64xi32, #tpu.memory_space<hbm>> -> memref<40x64xi32, #tpu.memory_space<hbm>>
        %dma_start3A_85 = arith.constant 0 : i32
        %dma_start3A_86 = tpu.memref_slice %arg4[%add3A_30, %dma_start3A_85] : memref<5120x64xi32, #tpu.memory_space<hbm>> -> memref<40x64xi32, #tpu.memory_space<hbm>>
        tpu.enqueue_dma source(%dma_start3A_86 : memref<40x64xi32, #tpu.memory_space<hbm>>) target(%arg8 : memref<40x64xi32, #tpu.memory_space<vmem>>) target_semaphore(%run_scoped3A : memref<!tpu.dma_semaphore, #tpu.memory_space<semaphore_mem>>)
        %dma_wait3A = arith.constant 0 : i32
        %dma_wait3A_87 = tpu.memref_slice %arg4[%add3A_30, %dma_wait3A] : memref<5120x64xi32, #tpu.memory_space<hbm>> -> memref<40x64xi32, #tpu.memory_space<hbm>>
        %dma_wait3A_88 = arith.constant 0 : i32
        %dma_wait3A_89 = tpu.memref_slice %arg4[%add3A_30, %dma_wait3A_88] : memref<5120x64xi32, #tpu.memory_space<hbm>> -> memref<40x64xi32, #tpu.memory_space<hbm>>
        tpu.wait_dma2 semaphore(%run_scoped3A : memref<!tpu.dma_semaphore, #tpu.memory_space<semaphore_mem>>) src(%dma_wait3A_89 : memref<40x64xi32, #tpu.memory_space<hbm>>) dst(%arg8 : memref<40x64xi32, #tpu.memory_space<vmem>>)
        tpu.yield
      }) : () -> ()
      %dma_start3A = arith.constant 0 : i32
      %dma_start3A_31 = arith.constant 0 : i32
      %dma_start3A_32 = arith.constant 0 : i32
      %dma_start3A_33 = arith.constant 0 : i32
      %dma_start3A_34 = tpu.memref_slice %arg9[%dma_start3A_31, %dma_start3A_32, %dma_start3A_33] : memref<4x64x128xf32, #tpu.memory_space<vmem>> -> memref<1x64x128xf32, #tpu.memory_space<vmem>>
      %dma_start3A_35 = tpu.memref_squeeze %dma_start3A_34 : memref<1x64x128xf32, #tpu.memory_space<vmem>> -> memref<64x128xf32, #tpu.memory_space<vmem>>
      %dma_start3A_36 = arith.constant 0 : i32
      %dma_start3A_37 = tpu.memref_slice %arg7[%dma_start3A, %dma_start3A_36] : memref<40x64xi32, #tpu.memory_space<vmem>> -> memref<1x64xi32, #tpu.memory_space<vmem>>
      %dma_start3A_38 = tpu.memref_squeeze %dma_start3A_37 : memref<1x64xi32, #tpu.memory_space<vmem>> -> memref<64xi32, #tpu.memory_space<vmem>>
      %dma_start3A_39 = arith.constant 0 : i32
      %dma_start3A_40 = arith.constant 0 : i32
      %dma_start3A_41 = tpu.memref_slice %arg2[%dma_start3A_39, %dma_start3A_40] : memref<10240x128xf32, #tpu.memory_space<hbm>> -> memref<10240x128xf32, #tpu.memory_space<hbm>>
      tpu.enqueue_indirect_dma source(%dma_start3A_41 : memref<10240x128xf32, #tpu.memory_space<hbm>>) target(%dma_start3A_35 : memref<64x128xf32, #tpu.memory_space<vmem>>) offsets(%dma_start3A_38 : memref<64xi32, #tpu.memory_space<vmem>>) semaphore(%arg11 : memref<!tpu.dma_semaphore, #tpu.memory_space<semaphore_mem>>)
      %dma_start3A_42 = arith.constant 1 : i32
      %dma_start3A_43 = arith.constant 1 : i32
      %dma_start3A_44 = arith.constant 0 : i32
      %dma_start3A_45 = arith.constant 0 : i32
      %dma_start3A_46 = tpu.memref_slice %arg9[%dma_start3A_43, %dma_start3A_44, %dma_start3A_45] : memref<4x64x128xf32, #tpu.memory_space<vmem>> -> memref<1x64x128xf32, #tpu.memory_space<vmem>>
      %dma_start3A_47 = tpu.memref_squeeze %dma_start3A_46 : memref<1x64x128xf32, #tpu.memory_space<vmem>> -> memref<64x128xf32, #tpu.memory_space<vmem>>
      %dma_start3A_48 = arith.constant 0 : i32
      %dma_start3A_49 = tpu.memref_slice %arg7[%dma_start3A_42, %dma_start3A_48] : memref<40x64xi32, #tpu.memory_space<vmem>> -> memref<1x64xi32, #tpu.memory_space<vmem>>
      %dma_start3A_50 = tpu.memref_squeeze %dma_start3A_49 : memref<1x64xi32, #tpu.memory_space<vmem>> -> memref<64xi32, #tpu.memory_space<vmem>>
      %dma_start3A_51 = arith.constant 0 : i32
      %dma_start3A_52 = arith.constant 0 : i32
      %dma_start3A_53 = tpu.memref_slice %arg2[%dma_start3A_51, %dma_start3A_52] : memref<10240x128xf32, #tpu.memory_space<hbm>> -> memref<10240x128xf32, #tpu.memory_space<hbm>>
      tpu.enqueue_indirect_dma source(%dma_start3A_53 : memref<10240x128xf32, #tpu.memory_space<hbm>>) target(%dma_start3A_47 : memref<64x128xf32, #tpu.memory_space<vmem>>) offsets(%dma_start3A_50 : memref<64xi32, #tpu.memory_space<vmem>>) semaphore(%arg11 : memref<!tpu.dma_semaphore, #tpu.memory_space<semaphore_mem>>)
      %dma_start3A_54 = arith.constant 2 : i32
      %dma_start3A_55 = arith.constant 2 : i32
      %dma_start3A_56 = arith.constant 0 : i32
      %dma_start3A_57 = arith.constant 0 : i32
      %dma_start3A_58 = tpu.memref_slice %arg9[%dma_start3A_55, %dma_start3A_56, %dma_start3A_57] : memref<4x64x128xf32, #tpu.memory_space<vmem>> -> memref<1x64x128xf32, #tpu.memory_space<vmem>>
      %dma_start3A_59 = tpu.memref_squeeze %dma_start3A_58 : memref<1x64x128xf32, #tpu.memory_space<vmem>> -> memref<64x128xf32, #tpu.memory_space<vmem>>
      %dma_start3A_60 = arith.constant 0 : i32
      %dma_start3A_61 = tpu.memref_slice %arg7[%dma_start3A_54, %dma_start3A_60] : memref<40x64xi32, #tpu.memory_space<vmem>> -> memref<1x64xi32, #tpu.memory_space<vmem>>
      %dma_start3A_62 = tpu.memref_squeeze %dma_start3A_61 : memref<1x64xi32, #tpu.memory_space<vmem>> -> memref<64xi32, #tpu.memory_space<vmem>>
      %dma_start3A_63 = arith.constant 0 : i32
      %dma_start3A_64 = arith.constant 0 : i32
      %dma_start3A_65 = tpu.memref_slice %arg2[%dma_start3A_63, %dma_start3A_64] : memref<10240x128xf32, #tpu.memory_space<hbm>> -> memref<10240x128xf32, #tpu.memory_space<hbm>>
      tpu.enqueue_indirect_dma source(%dma_start3A_65 : memref<10240x128xf32, #tpu.memory_space<hbm>>) target(%dma_start3A_59 : memref<64x128xf32, #tpu.memory_space<vmem>>) offsets(%dma_start3A_62 : memref<64xi32, #tpu.memory_space<vmem>>) semaphore(%arg11 : memref<!tpu.dma_semaphore, #tpu.memory_space<semaphore_mem>>)
      %dma_start3A_66 = arith.constant 3 : i32
      %dma_start3A_67 = arith.constant 3 : i32
      %dma_start3A_68 = arith.constant 0 : i32
      %dma_start3A_69 = arith.constant 0 : i32
      %dma_start3A_70 = tpu.memref_slice %arg9[%dma_start3A_67, %dma_start3A_68, %dma_start3A_69] : memref<4x64x128xf32, #tpu.memory_space<vmem>> -> memref<1x64x128xf32, #tpu.memory_space<vmem>>
      %dma_start3A_71 = tpu.memref_squeeze %dma_start3A_70 : memref<1x64x128xf32, #tpu.memory_space<vmem>> -> memref<64x128xf32, #tpu.memory_space<vmem>>
      %dma_start3A_72 = arith.constant 0 : i32
      %dma_start3A_73 = tpu.memref_slice %arg7[%dma_start3A_66, %dma_start3A_72] : memref<40x64xi32, #tpu.memory_space<vmem>> -> memref<1x64xi32, #tpu.memory_space<vmem>>
      %dma_start3A_74 = tpu.memref_squeeze %dma_start3A_73 : memref<1x64xi32, #tpu.memory_space<vmem>> -> memref<64xi32, #tpu.memory_space<vmem>>
      %dma_start3A_75 = arith.constant 0 : i32
      %dma_start3A_76 = arith.constant 0 : i32
      %dma_start3A_77 = tpu.memref_slice %arg2[%dma_start3A_75, %dma_start3A_76] : memref<10240x128xf32, #tpu.memory_space<hbm>> -> memref<10240x128xf32, #tpu.memory_space<hbm>>
      tpu.enqueue_indirect_dma source(%dma_start3A_77 : memref<10240x128xf32, #tpu.memory_space<hbm>>) target(%dma_start3A_71 : memref<64x128xf32, #tpu.memory_space<vmem>>) offsets(%dma_start3A_74 : memref<64xi32, #tpu.memory_space<vmem>>) semaphore(%arg11 : memref<!tpu.dma_semaphore, #tpu.memory_space<semaphore_mem>>)
      %scan3A = arith.constant 0 : i32
      %scan3A_78 = arith.constant 0 : i32
      %scan3A_79 = arith.constant 10 : i32
      %scan3A_80 = arith.addi %scan3A_78, %scan3A_79 : i32
      %scan3A_81 = arith.constant 1 : i32
      scf.for %scan3A_83 = %scan3A_78 to %scan3A_80 step %scan3A_81  : i32 {
        %mul3A_84 = arith.constant 4 : i32
        %mul3A_85 = arith.muli %scan3A_83, %mul3A_84 : i32
        %dma_wait3A = arith.constant 0 : i32
        %dma_wait3A_86 = arith.constant 0 : i32
        %dma_wait3A_87 = arith.constant 0 : i32
        %dma_wait3A_88 = tpu.memref_slice %arg9[%dma_wait3A, %dma_wait3A_86, %dma_wait3A_87] : memref<4x64x128xf32, #tpu.memory_space<vmem>> -> memref<1x64x128xf32, #tpu.memory_space<vmem>>
        %dma_wait3A_89 = tpu.memref_squeeze %dma_wait3A_88 : memref<1x64x128xf32, #tpu.memory_space<vmem>> -> memref<64x128xf32, #tpu.memory_space<vmem>>
        %dma_wait3A_90 = arith.constant 0 : i32
        %dma_wait3A_91 = arith.constant 0 : i32
        %dma_wait3A_92 = tpu.memref_slice %arg2[%dma_wait3A_90, %dma_wait3A_91] : memref<10240x128xf32, #tpu.memory_space<hbm>> -> memref<64x128xf32, #tpu.memory_space<hbm>>
        %dma_wait3A_93 = arith.constant 0 : i32
        %dma_wait3A_94 = arith.constant 0 : i32
        %dma_wait3A_95 = tpu.memref_slice %arg9[%dma_wait3A, %dma_wait3A_93, %dma_wait3A_94] : memref<4x64x128xf32, #tpu.memory_space<vmem>> -> memref<1x64x128xf32, #tpu.memory_space<vmem>>
        %dma_wait3A_96 = tpu.memref_squeeze %dma_wait3A_95 : memref<1x64x128xf32, #tpu.memory_space<vmem>> -> memref<64x128xf32, #tpu.memory_space<vmem>>
        %dma_wait3A_97 = arith.constant 0 : i32
        %dma_wait3A_98 = arith.constant 0 : i32
        %dma_wait3A_99 = tpu.memref_slice %arg2[%dma_wait3A_97, %dma_wait3A_98] : memref<10240x128xf32, #tpu.memory_space<hbm>> -> memref<64x128xf32, #tpu.memory_space<hbm>>
        tpu.wait_dma2 semaphore(%arg11 : memref<!tpu.dma_semaphore, #tpu.memory_space<semaphore_mem>>) src(%dma_wait3A_99 : memref<64x128xf32, #tpu.memory_space<hbm>>) dst(%dma_wait3A_96 : memref<64x128xf32, #tpu.memory_space<vmem>>)
        %add3A_100 = arith.constant 0 : i32
        %add3A_101 = arith.addi %mul3A_85, %add3A_100 : i32
        %dma_start3A_102 = arith.constant 0 : i32
        %dma_start3A_103 = arith.constant 0 : i32
        %dma_start3A_104 = arith.constant 0 : i32
        %dma_start3A_105 = tpu.memref_slice %arg9[%dma_start3A_102, %dma_start3A_103, %dma_start3A_104] : memref<4x64x128xf32, #tpu.memory_space<vmem>> -> memref<1x64x128xf32, #tpu.memory_space<vmem>>
        %dma_start3A_106 = tpu.memref_squeeze %dma_start3A_105 : memref<1x64x128xf32, #tpu.memory_space<vmem>> -> memref<64x128xf32, #tpu.memory_space<vmem>>
        %dma_start3A_107 = arith.constant 0 : i32
        %dma_start3A_108 = tpu.memref_slice %arg8[%add3A_101, %dma_start3A_107] : memref<40x64xi32, #tpu.memory_space<vmem>> -> memref<1x64xi32, #tpu.memory_space<vmem>>
        %dma_start3A_109 = tpu.memref_squeeze %dma_start3A_108 : memref<1x64xi32, #tpu.memory_space<vmem>> -> memref<64xi32, #tpu.memory_space<vmem>>
        %dma_start3A_110 = arith.constant 0 : i32
        %dma_start3A_111 = arith.constant 0 : i32
        %dma_start3A_112 = tpu.memref_slice %arg10[%dma_start3A_110, %dma_start3A_111] : memref<10240x128xf32, #tpu.memory_space<vmem_shared>> -> memref<10240x128xf32, #tpu.memory_space<vmem_shared>>
        tpu.enqueue_indirect_dma source(%dma_start3A_106 : memref<64x128xf32, #tpu.memory_space<vmem>>) target(%dma_start3A_112 : memref<10240x128xf32, #tpu.memory_space<vmem_shared>>) offsets(%dma_start3A_109 : memref<64xi32, #tpu.memory_space<vmem>>) semaphore(%arg12 : memref<!tpu.dma_semaphore, #tpu.memory_space<semaphore_mem>>) {add = true}
        %dma_wait3A_113 = arith.constant 0 : i32
        %dma_wait3A_114 = arith.constant 0 : i32
        %dma_wait3A_115 = arith.constant 0 : i32
        %dma_wait3A_116 = tpu.memref_slice %arg9[%dma_wait3A_113, %dma_wait3A_114, %dma_wait3A_115] : memref<4x64x128xf32, #tpu.memory_space<vmem>> -> memref<1x64x128xf32, #tpu.memory_space<vmem>>
        %dma_wait3A_117 = tpu.memref_squeeze %dma_wait3A_116 : memref<1x64x128xf32, #tpu.memory_space<vmem>> -> memref<64x128xf32, #tpu.memory_space<vmem>>
        %dma_wait3A_118 = arith.constant 0 : i32
        %dma_wait3A_119 = arith.constant 0 : i32
        %dma_wait3A_120 = tpu.memref_slice %arg10[%dma_wait3A_118, %dma_wait3A_119] : memref<10240x128xf32, #tpu.memory_space<vmem_shared>> -> memref<64x128xf32, #tpu.memory_space<vmem_shared>>
        %dma_wait3A_121 = arith.constant 0 : i32
        %dma_wait3A_122 = arith.constant 0 : i32
        %dma_wait3A_123 = tpu.memref_slice %arg10[%dma_wait3A_121, %dma_wait3A_122] : memref<10240x128xf32, #tpu.memory_space<vmem_shared>> -> memref<64x128xf32, #tpu.memory_space<vmem_shared>>
        %dma_wait3A_124 = arith.constant 0 : i32
        %dma_wait3A_125 = arith.constant 0 : i32
        %dma_wait3A_126 = tpu.memref_slice %arg9[%dma_wait3A_113, %dma_wait3A_124, %dma_wait3A_125] : memref<4x64x128xf32, #tpu.memory_space<vmem>> -> memref<1x64x128xf32, #tpu.memory_space<vmem>>
        %dma_wait3A_127 = tpu.memref_squeeze %dma_wait3A_126 : memref<1x64x128xf32, #tpu.memory_space<vmem>> -> memref<64x128xf32, #tpu.memory_space<vmem>>
        tpu.wait_dma2 semaphore(%arg12 : memref<!tpu.dma_semaphore, #tpu.memory_space<semaphore_mem>>) src(%dma_wait3A_127 : memref<64x128xf32, #tpu.memory_space<vmem>>) dst(%dma_wait3A_123 : memref<64x128xf32, #tpu.memory_space<vmem_shared>>)
        %add3A_128 = arith.constant 0 : i32
        %add3A_129 = arith.addi %mul3A_85, %add3A_128 : i32
        %add3A_130 = arith.constant 4 : i32
        %add3A_131 = arith.addi %add3A_129, %add3A_130 : i32
        %lt3A = arith.constant 40 : i32
        %lt3A_132 = arith.cmpi slt, %add3A_131, %lt3A : i32
        %convert_element_type3A = arith.extui %lt3A_132 : i1 to i32
        %cond3A = arith.constant 0 : i32
        %cond3A_133 = arith.cmpi ne, %convert_element_type3A, %cond3A : i32
        scf.if %cond3A_133 {
          %add3A_290 = arith.constant 0 : i32
          %add3A_291 = arith.addi %mul3A_85, %add3A_290 : i32
          %add3A_292 = arith.constant 4 : i32
          %add3A_293 = arith.addi %add3A_291, %add3A_292 : i32
          %dma_start3A_294 = arith.constant 0 : i32
          %dma_start3A_295 = arith.constant 0 : i32
          %dma_start3A_296 = arith.constant 0 : i32
          %dma_start3A_297 = tpu.memref_slice %arg9[%dma_start3A_294, %dma_start3A_295, %dma_start3A_296] : memref<4x64x128xf32, #tpu.memory_space<vmem>> -> memref<1x64x128xf32, #tpu.memory_space<vmem>>
          %dma_start3A_298 = tpu.memref_squeeze %dma_start3A_297 : memref<1x64x128xf32, #tpu.memory_space<vmem>> -> memref<64x128xf32, #tpu.memory_space<vmem>>
          %dma_start3A_299 = arith.constant 0 : i32
          %dma_start3A_300 = tpu.memref_slice %arg7[%add3A_293, %dma_start3A_299] : memref<40x64xi32, #tpu.memory_space<vmem>> -> memref<1x64xi32, #tpu.memory_space<vmem>>
          %dma_start3A_301 = tpu.memref_squeeze %dma_start3A_300 : memref<1x64xi32, #tpu.memory_space<vmem>> -> memref<64xi32, #tpu.memory_space<vmem>>
          %dma_start3A_302 = arith.constant 0 : i32
          %dma_start3A_303 = arith.constant 0 : i32
          %dma_start3A_304 = tpu.memref_slice %arg2[%dma_start3A_302, %dma_start3A_303] : memref<10240x128xf32, #tpu.memory_space<hbm>> -> memref<10240x128xf32, #tpu.memory_space<hbm>>
          tpu.enqueue_indirect_dma source(%dma_start3A_304 : memref<10240x128xf32, #tpu.memory_space<hbm>>) target(%dma_start3A_298 : memref<64x128xf32, #tpu.memory_space<vmem>>) offsets(%dma_start3A_301 : memref<64xi32, #tpu.memory_space<vmem>>) semaphore(%arg11 : memref<!tpu.dma_semaphore, #tpu.memory_space<semaphore_mem>>)
        } else {
        }
        %dma_wait3A_134 = arith.constant 1 : i32
        %dma_wait3A_135 = arith.constant 0 : i32
        %dma_wait3A_136 = arith.constant 0 : i32
        %dma_wait3A_137 = tpu.memref_slice %arg9[%dma_wait3A_134, %dma_wait3A_135, %dma_wait3A_136] : memref<4x64x128xf32, #tpu.memory_space<vmem>> -> memref<1x64x128xf32, #tpu.memory_space<vmem>>
        %dma_wait3A_138 = tpu.memref_squeeze %dma_wait3A_137 : memref<1x64x128xf32, #tpu.memory_space<vmem>> -> memref<64x128xf32, #tpu.memory_space<vmem>>
        %dma_wait3A_139 = arith.constant 0 : i32
        %dma_wait3A_140 = arith.constant 0 : i32
        %dma_wait3A_141 = tpu.memref_slice %arg2[%dma_wait3A_139, %dma_wait3A_140] : memref<10240x128xf32, #tpu.memory_space<hbm>> -> memref<64x128xf32, #tpu.memory_space<hbm>>
        %dma_wait3A_142 = arith.constant 0 : i32
        %dma_wait3A_143 = arith.constant 0 : i32
        %dma_wait3A_144 = tpu.memref_slice %arg9[%dma_wait3A_134, %dma_wait3A_142, %dma_wait3A_143] : memref<4x64x128xf32, #tpu.memory_space<vmem>> -> memref<1x64x128xf32, #tpu.memory_space<vmem>>
        %dma_wait3A_145 = tpu.memref_squeeze %dma_wait3A_144 : memref<1x64x128xf32, #tpu.memory_space<vmem>> -> memref<64x128xf32, #tpu.memory_space<vmem>>
        %dma_wait3A_146 = arith.constant 0 : i32
        %dma_wait3A_147 = arith.constant 0 : i32
        %dma_wait3A_148 = tpu.memref_slice %arg2[%dma_wait3A_146, %dma_wait3A_147] : memref<10240x128xf32, #tpu.memory_space<hbm>> -> memref<64x128xf32, #tpu.memory_space<hbm>>
        tpu.wait_dma2 semaphore(%arg11 : memref<!tpu.dma_semaphore, #tpu.memory_space<semaphore_mem>>) src(%dma_wait3A_148 : memref<64x128xf32, #tpu.memory_space<hbm>>) dst(%dma_wait3A_145 : memref<64x128xf32, #tpu.memory_space<vmem>>)
        %add3A_149 = arith.constant 1 : i32
        %add3A_150 = arith.addi %mul3A_85, %add3A_149 : i32
        %dma_start3A_151 = arith.constant 1 : i32
        %dma_start3A_152 = arith.constant 0 : i32
        %dma_start3A_153 = arith.constant 0 : i32
        %dma_start3A_154 = tpu.memref_slice %arg9[%dma_start3A_151, %dma_start3A_152, %dma_start3A_153] : memref<4x64x128xf32, #tpu.memory_space<vmem>> -> memref<1x64x128xf32, #tpu.memory_space<vmem>>
        %dma_start3A_155 = tpu.memref_squeeze %dma_start3A_154 : memref<1x64x128xf32, #tpu.memory_space<vmem>> -> memref<64x128xf32, #tpu.memory_space<vmem>>
        %dma_start3A_156 = arith.constant 0 : i32
        %dma_start3A_157 = tpu.memref_slice %arg8[%add3A_150, %dma_start3A_156] : memref<40x64xi32, #tpu.memory_space<vmem>> -> memref<1x64xi32, #tpu.memory_space<vmem>>
        %dma_start3A_158 = tpu.memref_squeeze %dma_start3A_157 : memref<1x64xi32, #tpu.memory_space<vmem>> -> memref<64xi32, #tpu.memory_space<vmem>>
        %dma_start3A_159 = arith.constant 0 : i32
        %dma_start3A_160 = arith.constant 0 : i32
        %dma_start3A_161 = tpu.memref_slice %arg10[%dma_start3A_159, %dma_start3A_160] : memref<10240x128xf32, #tpu.memory_space<vmem_shared>> -> memref<10240x128xf32, #tpu.memory_space<vmem_shared>>
        tpu.enqueue_indirect_dma source(%dma_start3A_155 : memref<64x128xf32, #tpu.memory_space<vmem>>) target(%dma_start3A_161 : memref<10240x128xf32, #tpu.memory_space<vmem_shared>>) offsets(%dma_start3A_158 : memref<64xi32, #tpu.memory_space<vmem>>) semaphore(%arg12 : memref<!tpu.dma_semaphore, #tpu.memory_space<semaphore_mem>>) {add = true}
        %dma_wait3A_162 = arith.constant 1 : i32
        %dma_wait3A_163 = arith.constant 0 : i32
        %dma_wait3A_164 = arith.constant 0 : i32
        %dma_wait3A_165 = tpu.memref_slice %arg9[%dma_wait3A_162, %dma_wait3A_163, %dma_wait3A_164] : memref<4x64x128xf32, #tpu.memory_space<vmem>> -> memref<1x64x128xf32, #tpu.memory_space<vmem>>
        %dma_wait3A_166 = tpu.memref_squeeze %dma_wait3A_165 : memref<1x64x128xf32, #tpu.memory_space<vmem>> -> memref<64x128xf32, #tpu.memory_space<vmem>>
        %dma_wait3A_167 = arith.constant 0 : i32
        %dma_wait3A_168 = arith.constant 0 : i32
        %dma_wait3A_169 = tpu.memref_slice %arg10[%dma_wait3A_167, %dma_wait3A_168] : memref<10240x128xf32, #tpu.memory_space<vmem_shared>> -> memref<64x128xf32, #tpu.memory_space<vmem_shared>>
        %dma_wait3A_170 = arith.constant 0 : i32
        %dma_wait3A_171 = arith.constant 0 : i32
        %dma_wait3A_172 = tpu.memref_slice %arg10[%dma_wait3A_170, %dma_wait3A_171] : memref<10240x128xf32, #tpu.memory_space<vmem_shared>> -> memref<64x128xf32, #tpu.memory_space<vmem_shared>>
        %dma_wait3A_173 = arith.constant 0 : i32
        %dma_wait3A_174 = arith.constant 0 : i32
        %dma_wait3A_175 = tpu.memref_slice %arg9[%dma_wait3A_162, %dma_wait3A_173, %dma_wait3A_174] : memref<4x64x128xf32, #tpu.memory_space<vmem>> -> memref<1x64x128xf32, #tpu.memory_space<vmem>>
        %dma_wait3A_176 = tpu.memref_squeeze %dma_wait3A_175 : memref<1x64x128xf32, #tpu.memory_space<vmem>> -> memref<64x128xf32, #tpu.memory_space<vmem>>
        tpu.wait_dma2 semaphore(%arg12 : memref<!tpu.dma_semaphore, #tpu.memory_space<semaphore_mem>>) src(%dma_wait3A_176 : memref<64x128xf32, #tpu.memory_space<vmem>>) dst(%dma_wait3A_172 : memref<64x128xf32, #tpu.memory_space<vmem_shared>>)
        %add3A_177 = arith.constant 1 : i32
        %add3A_178 = arith.addi %mul3A_85, %add3A_177 : i32
        %add3A_179 = arith.constant 4 : i32
        %add3A_180 = arith.addi %add3A_178, %add3A_179 : i32
        %lt3A_181 = arith.constant 40 : i32
        %lt3A_182 = arith.cmpi slt, %add3A_180, %lt3A_181 : i32
        %convert_element_type3A_183 = arith.extui %lt3A_182 : i1 to i32
        %cond3A_184 = arith.constant 0 : i32
        %cond3A_185 = arith.cmpi ne, %convert_element_type3A_183, %cond3A_184 : i32
        scf.if %cond3A_185 {
          %add3A_290 = arith.constant 1 : i32
          %add3A_291 = arith.addi %mul3A_85, %add3A_290 : i32
          %add3A_292 = arith.constant 4 : i32
          %add3A_293 = arith.addi %add3A_291, %add3A_292 : i32
          %dma_start3A_294 = arith.constant 1 : i32
          %dma_start3A_295 = arith.constant 0 : i32
          %dma_start3A_296 = arith.constant 0 : i32
          %dma_start3A_297 = tpu.memref_slice %arg9[%dma_start3A_294, %dma_start3A_295, %dma_start3A_296] : memref<4x64x128xf32, #tpu.memory_space<vmem>> -> memref<1x64x128xf32, #tpu.memory_space<vmem>>
          %dma_start3A_298 = tpu.memref_squeeze %dma_start3A_297 : memref<1x64x128xf32, #tpu.memory_space<vmem>> -> memref<64x128xf32, #tpu.memory_space<vmem>>
          %dma_start3A_299 = arith.constant 0 : i32
          %dma_start3A_300 = tpu.memref_slice %arg7[%add3A_293, %dma_start3A_299] : memref<40x64xi32, #tpu.memory_space<vmem>> -> memref<1x64xi32, #tpu.memory_space<vmem>>
          %dma_start3A_301 = tpu.memref_squeeze %dma_start3A_300 : memref<1x64xi32, #tpu.memory_space<vmem>> -> memref<64xi32, #tpu.memory_space<vmem>>
          %dma_start3A_302 = arith.constant 0 : i32
          %dma_start3A_303 = arith.constant 0 : i32
          %dma_start3A_304 = tpu.memref_slice %arg2[%dma_start3A_302, %dma_start3A_303] : memref<10240x128xf32, #tpu.memory_space<hbm>> -> memref<10240x128xf32, #tpu.memory_space<hbm>>
          tpu.enqueue_indirect_dma source(%dma_start3A_304 : memref<10240x128xf32, #tpu.memory_space<hbm>>) target(%dma_start3A_298 : memref<64x128xf32, #tpu.memory_space<vmem>>) offsets(%dma_start3A_301 : memref<64xi32, #tpu.memory_space<vmem>>) semaphore(%arg11 : memref<!tpu.dma_semaphore, #tpu.memory_space<semaphore_mem>>)
        } else {
        }
        %dma_wait3A_186 = arith.constant 2 : i32
        %dma_wait3A_187 = arith.constant 0 : i32
        %dma_wait3A_188 = arith.constant 0 : i32
        %dma_wait3A_189 = tpu.memref_slice %arg9[%dma_wait3A_186, %dma_wait3A_187, %dma_wait3A_188] : memref<4x64x128xf32, #tpu.memory_space<vmem>> -> memref<1x64x128xf32, #tpu.memory_space<vmem>>
        %dma_wait3A_190 = tpu.memref_squeeze %dma_wait3A_189 : memref<1x64x128xf32, #tpu.memory_space<vmem>> -> memref<64x128xf32, #tpu.memory_space<vmem>>
        %dma_wait3A_191 = arith.constant 0 : i32
        %dma_wait3A_192 = arith.constant 0 : i32
        %dma_wait3A_193 = tpu.memref_slice %arg2[%dma_wait3A_191, %dma_wait3A_192] : memref<10240x128xf32, #tpu.memory_space<hbm>> -> memref<64x128xf32, #tpu.memory_space<hbm>>
        %dma_wait3A_194 = arith.constant 0 : i32
        %dma_wait3A_195 = arith.constant 0 : i32
        %dma_wait3A_196 = tpu.memref_slice %arg9[%dma_wait3A_186, %dma_wait3A_194, %dma_wait3A_195] : memref<4x64x128xf32, #tpu.memory_space<vmem>> -> memref<1x64x128xf32, #tpu.memory_space<vmem>>
        %dma_wait3A_197 = tpu.memref_squeeze %dma_wait3A_196 : memref<1x64x128xf32, #tpu.memory_space<vmem>> -> memref<64x128xf32, #tpu.memory_space<vmem>>
        %dma_wait3A_198 = arith.constant 0 : i32
        %dma_wait3A_199 = arith.constant 0 : i32
        %dma_wait3A_200 = tpu.memref_slice %arg2[%dma_wait3A_198, %dma_wait3A_199] : memref<10240x128xf32, #tpu.memory_space<hbm>> -> memref<64x128xf32, #tpu.memory_space<hbm>>
        tpu.wait_dma2 semaphore(%arg11 : memref<!tpu.dma_semaphore, #tpu.memory_space<semaphore_mem>>) src(%dma_wait3A_200 : memref<64x128xf32, #tpu.memory_space<hbm>>) dst(%dma_wait3A_197 : memref<64x128xf32, #tpu.memory_space<vmem>>)
        %add3A_201 = arith.constant 2 : i32
        %add3A_202 = arith.addi %mul3A_85, %add3A_201 : i32
        %dma_start3A_203 = arith.constant 2 : i32
        %dma_start3A_204 = arith.constant 0 : i32
        %dma_start3A_205 = arith.constant 0 : i32
        %dma_start3A_206 = tpu.memref_slice %arg9[%dma_start3A_203, %dma_start3A_204, %dma_start3A_205] : memref<4x64x128xf32, #tpu.memory_space<vmem>> -> memref<1x64x128xf32, #tpu.memory_space<vmem>>
        %dma_start3A_207 = tpu.memref_squeeze %dma_start3A_206 : memref<1x64x128xf32, #tpu.memory_space<vmem>> -> memref<64x128xf32, #tpu.memory_space<vmem>>
        %dma_start3A_208 = arith.constant 0 : i32
        %dma_start3A_209 = tpu.memref_slice %arg8[%add3A_202, %dma_start3A_208] : memref<40x64xi32, #tpu.memory_space<vmem>> -> memref<1x64xi32, #tpu.memory_space<vmem>>
        %dma_start3A_210 = tpu.memref_squeeze %dma_start3A_209 : memref<1x64xi32, #tpu.memory_space<vmem>> -> memref<64xi32, #tpu.memory_space<vmem>>
        %dma_start3A_211 = arith.constant 0 : i32
        %dma_start3A_212 = arith.constant 0 : i32
        %dma_start3A_213 = tpu.memref_slice %arg10[%dma_start3A_211, %dma_start3A_212] : memref<10240x128xf32, #tpu.memory_space<vmem_shared>> -> memref<10240x128xf32, #tpu.memory_space<vmem_shared>>
        tpu.enqueue_indirect_dma source(%dma_start3A_207 : memref<64x128xf32, #tpu.memory_space<vmem>>) target(%dma_start3A_213 : memref<10240x128xf32, #tpu.memory_space<vmem_shared>>) offsets(%dma_start3A_210 : memref<64xi32, #tpu.memory_space<vmem>>) semaphore(%arg12 : memref<!tpu.dma_semaphore, #tpu.memory_space<semaphore_mem>>) {add = true}
        %dma_wait3A_214 = arith.constant 2 : i32
        %dma_wait3A_215 = arith.constant 0 : i32
        %dma_wait3A_216 = arith.constant 0 : i32
        %dma_wait3A_217 = tpu.memref_slice %arg9[%dma_wait3A_214, %dma_wait3A_215, %dma_wait3A_216] : memref<4x64x128xf32, #tpu.memory_space<vmem>> -> memref<1x64x128xf32, #tpu.memory_space<vmem>>
        %dma_wait3A_218 = tpu.memref_squeeze %dma_wait3A_217 : memref<1x64x128xf32, #tpu.memory_space<vmem>> -> memref<64x128xf32, #tpu.memory_space<vmem>>
        %dma_wait3A_219 = arith.constant 0 : i32
        %dma_wait3A_220 = arith.constant 0 : i32
        %dma_wait3A_221 = tpu.memref_slice %arg10[%dma_wait3A_219, %dma_wait3A_220] : memref<10240x128xf32, #tpu.memory_space<vmem_shared>> -> memref<64x128xf32, #tpu.memory_space<vmem_shared>>
        %dma_wait3A_222 = arith.constant 0 : i32
        %dma_wait3A_223 = arith.constant 0 : i32
        %dma_wait3A_224 = tpu.memref_slice %arg10[%dma_wait3A_222, %dma_wait3A_223] : memref<10240x128xf32, #tpu.memory_space<vmem_shared>> -> memref<64x128xf32, #tpu.memory_space<vmem_shared>>
        %dma_wait3A_225 = arith.constant 0 : i32
        %dma_wait3A_226 = arith.constant 0 : i32
        %dma_wait3A_227 = tpu.memref_slice %arg9[%dma_wait3A_214, %dma_wait3A_225, %dma_wait3A_226] : memref<4x64x128xf32, #tpu.memory_space<vmem>> -> memref<1x64x128xf32, #tpu.memory_space<vmem>>
        %dma_wait3A_228 = tpu.memref_squeeze %dma_wait3A_227 : memref<1x64x128xf32, #tpu.memory_space<vmem>> -> memref<64x128xf32, #tpu.memory_space<vmem>>
        tpu.wait_dma2 semaphore(%arg12 : memref<!tpu.dma_semaphore, #tpu.memory_space<semaphore_mem>>) src(%dma_wait3A_228 : memref<64x128xf32, #tpu.memory_space<vmem>>) dst(%dma_wait3A_224 : memref<64x128xf32, #tpu.memory_space<vmem_shared>>)
        %add3A_229 = arith.constant 2 : i32
        %add3A_230 = arith.addi %mul3A_85, %add3A_229 : i32
        %add3A_231 = arith.constant 4 : i32
        %add3A_232 = arith.addi %add3A_230, %add3A_231 : i32
        %lt3A_233 = arith.constant 40 : i32
        %lt3A_234 = arith.cmpi slt, %add3A_232, %lt3A_233 : i32
        %convert_element_type3A_235 = arith.extui %lt3A_234 : i1 to i32
        %cond3A_236 = arith.constant 0 : i32
        %cond3A_237 = arith.cmpi ne, %convert_element_type3A_235, %cond3A_236 : i32
        scf.if %cond3A_237 {
          %add3A_290 = arith.constant 2 : i32
          %add3A_291 = arith.addi %mul3A_85, %add3A_290 : i32
          %add3A_292 = arith.constant 4 : i32
          %add3A_293 = arith.addi %add3A_291, %add3A_292 : i32
          %dma_start3A_294 = arith.constant 2 : i32
          %dma_start3A_295 = arith.constant 0 : i32
          %dma_start3A_296 = arith.constant 0 : i32
          %dma_start3A_297 = tpu.memref_slice %arg9[%dma_start3A_294, %dma_start3A_295, %dma_start3A_296] : memref<4x64x128xf32, #tpu.memory_space<vmem>> -> memref<1x64x128xf32, #tpu.memory_space<vmem>>
          %dma_start3A_298 = tpu.memref_squeeze %dma_start3A_297 : memref<1x64x128xf32, #tpu.memory_space<vmem>> -> memref<64x128xf32, #tpu.memory_space<vmem>>
          %dma_start3A_299 = arith.constant 0 : i32
          %dma_start3A_300 = tpu.memref_slice %arg7[%add3A_293, %dma_start3A_299] : memref<40x64xi32, #tpu.memory_space<vmem>> -> memref<1x64xi32, #tpu.memory_space<vmem>>
          %dma_start3A_301 = tpu.memref_squeeze %dma_start3A_300 : memref<1x64xi32, #tpu.memory_space<vmem>> -> memref<64xi32, #tpu.memory_space<vmem>>
          %dma_start3A_302 = arith.constant 0 : i32
          %dma_start3A_303 = arith.constant 0 : i32
          %dma_start3A_304 = tpu.memref_slice %arg2[%dma_start3A_302, %dma_start3A_303] : memref<10240x128xf32, #tpu.memory_space<hbm>> -> memref<10240x128xf32, #tpu.memory_space<hbm>>
          tpu.enqueue_indirect_dma source(%dma_start3A_304 : memref<10240x128xf32, #tpu.memory_space<hbm>>) target(%dma_start3A_298 : memref<64x128xf32, #tpu.memory_space<vmem>>) offsets(%dma_start3A_301 : memref<64xi32, #tpu.memory_space<vmem>>) semaphore(%arg11 : memref<!tpu.dma_semaphore, #tpu.memory_space<semaphore_mem>>)
        } else {
        }
        %dma_wait3A_238 = arith.constant 3 : i32
        %dma_wait3A_239 = arith.constant 0 : i32
        %dma_wait3A_240 = arith.constant 0 : i32
        %dma_wait3A_241 = tpu.memref_slice %arg9[%dma_wait3A_238, %dma_wait3A_239, %dma_wait3A_240] : memref<4x64x128xf32, #tpu.memory_space<vmem>> -> memref<1x64x128xf32, #tpu.memory_space<vmem>>
        %dma_wait3A_242 = tpu.memref_squeeze %dma_wait3A_241 : memref<1x64x128xf32, #tpu.memory_space<vmem>> -> memref<64x128xf32, #tpu.memory_space<vmem>>
        %dma_wait3A_243 = arith.constant 0 : i32
        %dma_wait3A_244 = arith.constant 0 : i32
        %dma_wait3A_245 = tpu.memref_slice %arg2[%dma_wait3A_243, %dma_wait3A_244] : memref<10240x128xf32, #tpu.memory_space<hbm>> -> memref<64x128xf32, #tpu.memory_space<hbm>>
        %dma_wait3A_246 = arith.constant 0 : i32
        %dma_wait3A_247 = arith.constant 0 : i32
        %dma_wait3A_248 = tpu.memref_slice %arg9[%dma_wait3A_238, %dma_wait3A_246, %dma_wait3A_247] : memref<4x64x128xf32, #tpu.memory_space<vmem>> -> memref<1x64x128xf32, #tpu.memory_space<vmem>>
        %dma_wait3A_249 = tpu.memref_squeeze %dma_wait3A_248 : memref<1x64x128xf32, #tpu.memory_space<vmem>> -> memref<64x128xf32, #tpu.memory_space<vmem>>
        %dma_wait3A_250 = arith.constant 0 : i32
        %dma_wait3A_251 = arith.constant 0 : i32
        %dma_wait3A_252 = tpu.memref_slice %arg2[%dma_wait3A_250, %dma_wait3A_251] : memref<10240x128xf32, #tpu.memory_space<hbm>> -> memref<64x128xf32, #tpu.memory_space<hbm>>
        tpu.wait_dma2 semaphore(%arg11 : memref<!tpu.dma_semaphore, #tpu.memory_space<semaphore_mem>>) src(%dma_wait3A_252 : memref<64x128xf32, #tpu.memory_space<hbm>>) dst(%dma_wait3A_249 : memref<64x128xf32, #tpu.memory_space<vmem>>)
        %add3A_253 = arith.constant 3 : i32
        %add3A_254 = arith.addi %mul3A_85, %add3A_253 : i32
        %dma_start3A_255 = arith.constant 3 : i32
        %dma_start3A_256 = arith.constant 0 : i32
        %dma_start3A_257 = arith.constant 0 : i32
        %dma_start3A_258 = tpu.memref_slice %arg9[%dma_start3A_255, %dma_start3A_256, %dma_start3A_257] : memref<4x64x128xf32, #tpu.memory_space<vmem>> -> memref<1x64x128xf32, #tpu.memory_space<vmem>>
        %dma_start3A_259 = tpu.memref_squeeze %dma_start3A_258 : memref<1x64x128xf32, #tpu.memory_space<vmem>> -> memref<64x128xf32, #tpu.memory_space<vmem>>
        %dma_start3A_260 = arith.constant 0 : i32
        %dma_start3A_261 = tpu.memref_slice %arg8[%add3A_254, %dma_start3A_260] : memref<40x64xi32, #tpu.memory_space<vmem>> -> memref<1x64xi32, #tpu.memory_space<vmem>>
        %dma_start3A_262 = tpu.memref_squeeze %dma_start3A_261 : memref<1x64xi32, #tpu.memory_space<vmem>> -> memref<64xi32, #tpu.memory_space<vmem>>
        %dma_start3A_263 = arith.constant 0 : i32
        %dma_start3A_264 = arith.constant 0 : i32
        %dma_start3A_265 = tpu.memref_slice %arg10[%dma_start3A_263, %dma_start3A_264] : memref<10240x128xf32, #tpu.memory_space<vmem_shared>> -> memref<10240x128xf32, #tpu.memory_space<vmem_shared>>
        tpu.enqueue_indirect_dma source(%dma_start3A_259 : memref<64x128xf32, #tpu.memory_space<vmem>>) target(%dma_start3A_265 : memref<10240x128xf32, #tpu.memory_space<vmem_shared>>) offsets(%dma_start3A_262 : memref<64xi32, #tpu.memory_space<vmem>>) semaphore(%arg12 : memref<!tpu.dma_semaphore, #tpu.memory_space<semaphore_mem>>) {add = true}
        %dma_wait3A_266 = arith.constant 3 : i32
        %dma_wait3A_267 = arith.constant 0 : i32
        %dma_wait3A_268 = arith.constant 0 : i32
        %dma_wait3A_269 = tpu.memref_slice %arg9[%dma_wait3A_266, %dma_wait3A_267, %dma_wait3A_268] : memref<4x64x128xf32, #tpu.memory_space<vmem>> -> memref<1x64x128xf32, #tpu.memory_space<vmem>>
        %dma_wait3A_270 = tpu.memref_squeeze %dma_wait3A_269 : memref<1x64x128xf32, #tpu.memory_space<vmem>> -> memref<64x128xf32, #tpu.memory_space<vmem>>
        %dma_wait3A_271 = arith.constant 0 : i32
        %dma_wait3A_272 = arith.constant 0 : i32
        %dma_wait3A_273 = tpu.memref_slice %arg10[%dma_wait3A_271, %dma_wait3A_272] : memref<10240x128xf32, #tpu.memory_space<vmem_shared>> -> memref<64x128xf32, #tpu.memory_space<vmem_shared>>
        %dma_wait3A_274 = arith.constant 0 : i32
        %dma_wait3A_275 = arith.constant 0 : i32
        %dma_wait3A_276 = tpu.memref_slice %arg10[%dma_wait3A_274, %dma_wait3A_275] : memref<10240x128xf32, #tpu.memory_space<vmem_shared>> -> memref<64x128xf32, #tpu.memory_space<vmem_shared>>
        %dma_wait3A_277 = arith.constant 0 : i32
        %dma_wait3A_278 = arith.constant 0 : i32
        %dma_wait3A_279 = tpu.memref_slice %arg9[%dma_wait3A_266, %dma_wait3A_277, %dma_wait3A_278] : memref<4x64x128xf32, #tpu.memory_space<vmem>> -> memref<1x64x128xf32, #tpu.memory_space<vmem>>
        %dma_wait3A_280 = tpu.memref_squeeze %dma_wait3A_279 : memref<1x64x128xf32, #tpu.memory_space<vmem>> -> memref<64x128xf32, #tpu.memory_space<vmem>>
        tpu.wait_dma2 semaphore(%arg12 : memref<!tpu.dma_semaphore, #tpu.memory_space<semaphore_mem>>) src(%dma_wait3A_280 : memref<64x128xf32, #tpu.memory_space<vmem>>) dst(%dma_wait3A_276 : memref<64x128xf32, #tpu.memory_space<vmem_shared>>)
        %add3A_281 = arith.constant 3 : i32
        %add3A_282 = arith.addi %mul3A_85, %add3A_281 : i32
        %add3A_283 = arith.constant 4 : i32
        %add3A_284 = arith.addi %add3A_282, %add3A_283 : i32
        %lt3A_285 = arith.constant 40 : i32
        %lt3A_286 = arith.cmpi slt, %add3A_284, %lt3A_285 : i32
        %convert_element_type3A_287 = arith.extui %lt3A_286 : i1 to i32
        %cond3A_288 = arith.constant 0 : i32
        %cond3A_289 = arith.cmpi ne, %convert_element_type3A_287, %cond3A_288 : i32
        scf.if %cond3A_289 {
          %add3A_290 = arith.constant 3 : i32
          %add3A_291 = arith.addi %mul3A_85, %add3A_290 : i32
          %add3A_292 = arith.constant 4 : i32
          %add3A_293 = arith.addi %add3A_291, %add3A_292 : i32
          %dma_start3A_294 = arith.constant 3 : i32
          %dma_start3A_295 = arith.constant 0 : i32
          %dma_start3A_296 = arith.constant 0 : i32
          %dma_start3A_297 = tpu.memref_slice %arg9[%dma_start3A_294, %dma_start3A_295, %dma_start3A_296] : memref<4x64x128xf32, #tpu.memory_space<vmem>> -> memref<1x64x128xf32, #tpu.memory_space<vmem>>
          %dma_start3A_298 = tpu.memref_squeeze %dma_start3A_297 : memref<1x64x128xf32, #tpu.memory_space<vmem>> -> memref<64x128xf32, #tpu.memory_space<vmem>>
          %dma_start3A_299 = arith.constant 0 : i32
          %dma_start3A_300 = tpu.memref_slice %arg7[%add3A_293, %dma_start3A_299] : memref<40x64xi32, #tpu.memory_space<vmem>> -> memref<1x64xi32, #tpu.memory_space<vmem>>
          %dma_start3A_301 = tpu.memref_squeeze %dma_start3A_300 : memref<1x64xi32, #tpu.memory_space<vmem>> -> memref<64xi32, #tpu.memory_space<vmem>>
          %dma_start3A_302 = arith.constant 0 : i32
          %dma_start3A_303 = arith.constant 0 : i32
          %dma_start3A_304 = tpu.memref_slice %arg2[%dma_start3A_302, %dma_start3A_303] : memref<10240x128xf32, #tpu.memory_space<hbm>> -> memref<10240x128xf32, #tpu.memory_space<hbm>>
          tpu.enqueue_indirect_dma source(%dma_start3A_304 : memref<10240x128xf32, #tpu.memory_space<hbm>>) target(%dma_start3A_298 : memref<64x128xf32, #tpu.memory_space<vmem>>) offsets(%dma_start3A_301 : memref<64xi32, #tpu.memory_space<vmem>>) semaphore(%arg11 : memref<!tpu.dma_semaphore, #tpu.memory_space<semaphore_mem>>)
        } else {
        }
      }
      %scan3A_82 = arith.constant 10 : i32
    }
    %barrier3A_22 = arith.constant 0 : index
    tpu.barrier barrier_id(%barrier3A_22)
    %mul3A_23 = arith.constant 640 : i32
    %mul3A_24 = arith.muli %arg1, %mul3A_23 : i32
    %mul3A_25 = arith.constant 640 : i32
    %mul3A_26 = arith.muli %arg1, %mul3A_25 : i32
    "tpu.region"() ({
      %run_scoped3A = tpu.sem_alloc : memref<!tpu.dma_semaphore, #tpu.memory_space<semaphore_mem>>
      %dma_start3A = arith.constant 0 : i32
      %dma_start3A_27 = tpu.memref_slice %arg6[%arg0, %mul3A_26, %dma_start3A] : memref<2x10240x128xf32, #tpu.memory_space<hbm>> -> memref<1x640x128xf32, #tpu.memory_space<hbm>>
      %dma_start3A_28 = tpu.memref_squeeze %dma_start3A_27 : memref<1x640x128xf32, #tpu.memory_space<hbm>> -> memref<640x128xf32, #tpu.memory_space<hbm>>
      %dma_start3A_29 = arith.constant 0 : i32
      %dma_start3A_30 = tpu.memref_slice %arg10[%mul3A_24, %dma_start3A_29] : memref<10240x128xf32, #tpu.memory_space<vmem_shared>> -> memref<640x128xf32, #tpu.memory_space<vmem_shared>>
      tpu.enqueue_dma source(%dma_start3A_30 : memref<640x128xf32, #tpu.memory_space<vmem_shared>>) target(%dma_start3A_28 : memref<640x128xf32, #tpu.memory_space<hbm>>) target_semaphore(%run_scoped3A : memref<!tpu.dma_semaphore, #tpu.memory_space<semaphore_mem>>)
      %dma_wait3A = arith.constant 0 : i32
      %dma_wait3A_31 = tpu.memref_slice %arg6[%arg0, %mul3A_26, %dma_wait3A] : memref<2x10240x128xf32, #tpu.memory_space<hbm>> -> memref<1x640x128xf32, #tpu.memory_space<hbm>>
      %dma_wait3A_32 = tpu.memref_squeeze %dma_wait3A_31 : memref<1x640x128xf32, #tpu.memory_space<hbm>> -> memref<640x128xf32, #tpu.memory_space<hbm>>
      %dma_wait3A_33 = arith.constant 0 : i32
      %dma_wait3A_34 = tpu.memref_slice %arg10[%mul3A_24, %dma_wait3A_33] : memref<10240x128xf32, #tpu.memory_space<vmem_shared>> -> memref<640x128xf32, #tpu.memory_space<vmem_shared>>
      tpu.wait_dma2 semaphore(%run_scoped3A : memref<!tpu.dma_semaphore, #tpu.memory_space<semaphore_mem>>) src(%dma_wait3A_34 : memref<640x128xf32, #tpu.memory_space<vmem_shared>>) dst(%dma_wait3A_32 : memref<640x128xf32, #tpu.memory_space<hbm>>)
      tpu.yield
    }) : () -> ()
    return
  }
}

#map = affine_map<(d0, d1) -> (0)>
#map1 = affine_map<(d0, d1) -> (0, 0)>
module attributes {stable_mosaic.version = 14 : i64} {
  func.func @_sc_a_body(%arg0: i32, %arg1: i32, %arg2: memref<10240xi32, #tpu.memory_space<hbm>>, %arg3: memref<100000x128xf32, #tpu.memory_space<hbm>>, %arg4: memref<5120x64xi32, #tpu.memory_space<hbm>>, %arg5: memref<10240xf32, #tpu.memory_space<hbm>>, %arg6: memref<10240x128xf32, #tpu.memory_space<hbm>>, %arg7: memref<327680xf32, #tpu.memory_space<hbm>>, %arg8: memref<320xi32, #tpu.memory_space<vmem>>, %arg9: memref<80x128xf32, #tpu.memory_space<vmem>>, %arg10: memref<160x64xi32, #tpu.memory_space<vmem>>, %arg11: memref<10240xf32, #tpu.memory_space<vmem>>, %arg12: memref<!tpu.dma_semaphore, #tpu.memory_space<semaphore_mem>>) attributes {dimension_semantics = [#tpu.dimension_semantics<core_parallel>, #tpu.dimension_semantics<subcore_parallel>], iteration_bounds = array<i64: 2, 16>, scalar_prefetch = 0 : i64, scratch_operands = 5 : i64, tpu.core_type = #tpu.core_type<sc_vector_subcore>, window_params = [{transform_indices = #map}, {transform_indices = #map1}, {transform_indices = #map1}, {transform_indices = #map}, {transform_indices = #map1}, {transform_indices = #map}]} {
    %mul3A = arith.constant 2 : i32
    %mul3A_0 = arith.muli %arg1, %mul3A : i32
    %add3A = arith.addi %mul3A_0, %arg0 : i32
    %mul3A_1 = arith.constant 320 : i32
    %mul3A_2 = arith.muli %add3A, %mul3A_1 : i32
    "tpu.region"() ({
      %run_scoped3A = tpu.sem_alloc : memref<!tpu.dma_semaphore, #tpu.memory_space<semaphore_mem>>
      %dma_start3A_67 = tpu.memref_slice %arg2[%mul3A_2] : memref<10240xi32, #tpu.memory_space<hbm>> -> memref<320xi32, #tpu.memory_space<hbm>>
      %dma_start3A_68 = tpu.memref_slice %arg2[%mul3A_2] : memref<10240xi32, #tpu.memory_space<hbm>> -> memref<320xi32, #tpu.memory_space<hbm>>
      tpu.enqueue_dma source(%dma_start3A_68 : memref<320xi32, #tpu.memory_space<hbm>>) target(%arg8 : memref<320xi32, #tpu.memory_space<vmem>>) target_semaphore(%run_scoped3A : memref<!tpu.dma_semaphore, #tpu.memory_space<semaphore_mem>>)
      %dma_wait3A_69 = tpu.memref_slice %arg2[%mul3A_2] : memref<10240xi32, #tpu.memory_space<hbm>> -> memref<320xi32, #tpu.memory_space<hbm>>
      %dma_wait3A_70 = tpu.memref_slice %arg2[%mul3A_2] : memref<10240xi32, #tpu.memory_space<hbm>> -> memref<320xi32, #tpu.memory_space<hbm>>
      tpu.wait_dma2 semaphore(%run_scoped3A : memref<!tpu.dma_semaphore, #tpu.memory_space<semaphore_mem>>) src(%dma_wait3A_70 : memref<320xi32, #tpu.memory_space<hbm>>) dst(%arg8 : memref<320xi32, #tpu.memory_space<vmem>>)
      tpu.yield
    }) : () -> ()
    %dma_start3A = arith.constant 0 : i32
    %dma_start3A_3 = tpu.memref_slice %arg8[%dma_start3A] : memref<320xi32, #tpu.memory_space<vmem>> -> memref<80xi32, #tpu.memory_space<vmem>>
    %dma_start3A_4 = arith.constant 0 : i32
    %dma_start3A_5 = arith.constant 0 : i32
    %dma_start3A_6 = tpu.memref_slice %arg3[%dma_start3A_4, %dma_start3A_5] : memref<100000x128xf32, #tpu.memory_space<hbm>> -> memref<100000x128xf32, #tpu.memory_space<hbm>>
    tpu.enqueue_indirect_dma source(%dma_start3A_6 : memref<100000x128xf32, #tpu.memory_space<hbm>>) target(%arg9 : memref<80x128xf32, #tpu.memory_space<vmem>>) offsets(%dma_start3A_3 : memref<80xi32, #tpu.memory_space<vmem>>) semaphore(%arg12 : memref<!tpu.dma_semaphore, #tpu.memory_space<semaphore_mem>>)
    %dma_wait3A = arith.constant 0 : i32
    %dma_wait3A_7 = tpu.memref_slice %arg8[%dma_wait3A] : memref<320xi32, #tpu.memory_space<vmem>> -> memref<80xi32, #tpu.memory_space<vmem>>
    %dma_wait3A_8 = arith.constant 0 : i32
    %dma_wait3A_9 = arith.constant 0 : i32
    %dma_wait3A_10 = tpu.memref_slice %arg3[%dma_wait3A_8, %dma_wait3A_9] : memref<100000x128xf32, #tpu.memory_space<hbm>> -> memref<100000x128xf32, #tpu.memory_space<hbm>>
    tpu.wait_indirect_dma semaphore(%arg12 : memref<!tpu.dma_semaphore, #tpu.memory_space<semaphore_mem>>) src(%dma_wait3A_10 : memref<100000x128xf32, #tpu.memory_space<hbm>>) dst(%arg9 : memref<80x128xf32, #tpu.memory_space<vmem>>)
    %mul3A_11 = arith.constant 320 : i32
    %mul3A_12 = arith.muli %add3A, %mul3A_11 : i32
    %add3A_13 = arith.constant 0 : i32
    %add3A_14 = arith.addi %mul3A_12, %add3A_13 : i32
    "tpu.region"() ({
      %run_scoped3A = tpu.sem_alloc : memref<!tpu.dma_semaphore, #tpu.memory_space<semaphore_mem>>
      %dma_start3A_67 = arith.constant 0 : i32
      %dma_start3A_68 = tpu.memref_slice %arg6[%add3A_14, %dma_start3A_67] : memref<10240x128xf32, #tpu.memory_space<hbm>> -> memref<80x128xf32, #tpu.memory_space<hbm>>
      %dma_start3A_69 = arith.constant 0 : i32
      %dma_start3A_70 = tpu.memref_slice %arg6[%add3A_14, %dma_start3A_69] : memref<10240x128xf32, #tpu.memory_space<hbm>> -> memref<80x128xf32, #tpu.memory_space<hbm>>
      tpu.enqueue_dma source(%arg9 : memref<80x128xf32, #tpu.memory_space<vmem>>) target(%dma_start3A_70 : memref<80x128xf32, #tpu.memory_space<hbm>>) target_semaphore(%run_scoped3A : memref<!tpu.dma_semaphore, #tpu.memory_space<semaphore_mem>>)
      %dma_wait3A_71 = arith.constant 0 : i32
      %dma_wait3A_72 = tpu.memref_slice %arg6[%add3A_14, %dma_wait3A_71] : memref<10240x128xf32, #tpu.memory_space<hbm>> -> memref<80x128xf32, #tpu.memory_space<hbm>>
      %dma_wait3A_73 = arith.constant 0 : i32
      %dma_wait3A_74 = tpu.memref_slice %arg6[%add3A_14, %dma_wait3A_73] : memref<10240x128xf32, #tpu.memory_space<hbm>> -> memref<80x128xf32, #tpu.memory_space<hbm>>
      tpu.wait_dma2 semaphore(%run_scoped3A : memref<!tpu.dma_semaphore, #tpu.memory_space<semaphore_mem>>) src(%arg9 : memref<80x128xf32, #tpu.memory_space<vmem>>) dst(%dma_wait3A_74 : memref<80x128xf32, #tpu.memory_space<hbm>>)
      tpu.yield
    }) : () -> ()
    %dma_start3A_15 = arith.constant 80 : i32
    %dma_start3A_16 = tpu.memref_slice %arg8[%dma_start3A_15] : memref<320xi32, #tpu.memory_space<vmem>> -> memref<80xi32, #tpu.memory_space<vmem>>
    %dma_start3A_17 = arith.constant 0 : i32
    %dma_start3A_18 = arith.constant 0 : i32
    %dma_start3A_19 = tpu.memref_slice %arg3[%dma_start3A_17, %dma_start3A_18] : memref<100000x128xf32, #tpu.memory_space<hbm>> -> memref<100000x128xf32, #tpu.memory_space<hbm>>
    tpu.enqueue_indirect_dma source(%dma_start3A_19 : memref<100000x128xf32, #tpu.memory_space<hbm>>) target(%arg9 : memref<80x128xf32, #tpu.memory_space<vmem>>) offsets(%dma_start3A_16 : memref<80xi32, #tpu.memory_space<vmem>>) semaphore(%arg12 : memref<!tpu.dma_semaphore, #tpu.memory_space<semaphore_mem>>)
    %dma_wait3A_20 = arith.constant 80 : i32
    %dma_wait3A_21 = tpu.memref_slice %arg8[%dma_wait3A_20] : memref<320xi32, #tpu.memory_space<vmem>> -> memref<80xi32, #tpu.memory_space<vmem>>
    %dma_wait3A_22 = arith.constant 0 : i32
    %dma_wait3A_23 = arith.constant 0 : i32
    %dma_wait3A_24 = tpu.memref_slice %arg3[%dma_wait3A_22, %dma_wait3A_23] : memref<100000x128xf32, #tpu.memory_space<hbm>> -> memref<100000x128xf32, #tpu.memory_space<hbm>>
    tpu.wait_indirect_dma semaphore(%arg12 : memref<!tpu.dma_semaphore, #tpu.memory_space<semaphore_mem>>) src(%dma_wait3A_24 : memref<100000x128xf32, #tpu.memory_space<hbm>>) dst(%arg9 : memref<80x128xf32, #tpu.memory_space<vmem>>)
    %mul3A_25 = arith.constant 320 : i32
    %mul3A_26 = arith.muli %add3A, %mul3A_25 : i32
    %add3A_27 = arith.constant 80 : i32
    %add3A_28 = arith.addi %mul3A_26, %add3A_27 : i32
    "tpu.region"() ({
      %run_scoped3A = tpu.sem_alloc : memref<!tpu.dma_semaphore, #tpu.memory_space<semaphore_mem>>
      %dma_start3A_67 = arith.constant 0 : i32
      %dma_start3A_68 = tpu.memref_slice %arg6[%add3A_28, %dma_start3A_67] : memref<10240x128xf32, #tpu.memory_space<hbm>> -> memref<80x128xf32, #tpu.memory_space<hbm>>
      %dma_start3A_69 = arith.constant 0 : i32
      %dma_start3A_70 = tpu.memref_slice %arg6[%add3A_28, %dma_start3A_69] : memref<10240x128xf32, #tpu.memory_space<hbm>> -> memref<80x128xf32, #tpu.memory_space<hbm>>
      tpu.enqueue_dma source(%arg9 : memref<80x128xf32, #tpu.memory_space<vmem>>) target(%dma_start3A_70 : memref<80x128xf32, #tpu.memory_space<hbm>>) target_semaphore(%run_scoped3A : memref<!tpu.dma_semaphore, #tpu.memory_space<semaphore_mem>>)
      %dma_wait3A_71 = arith.constant 0 : i32
      %dma_wait3A_72 = tpu.memref_slice %arg6[%add3A_28, %dma_wait3A_71] : memref<10240x128xf32, #tpu.memory_space<hbm>> -> memref<80x128xf32, #tpu.memory_space<hbm>>
      %dma_wait3A_73 = arith.constant 0 : i32
      %dma_wait3A_74 = tpu.memref_slice %arg6[%add3A_28, %dma_wait3A_73] : memref<10240x128xf32, #tpu.memory_space<hbm>> -> memref<80x128xf32, #tpu.memory_space<hbm>>
      tpu.wait_dma2 semaphore(%run_scoped3A : memref<!tpu.dma_semaphore, #tpu.memory_space<semaphore_mem>>) src(%arg9 : memref<80x128xf32, #tpu.memory_space<vmem>>) dst(%dma_wait3A_74 : memref<80x128xf32, #tpu.memory_space<hbm>>)
      tpu.yield
    }) : () -> ()
    %dma_start3A_29 = arith.constant 160 : i32
    %dma_start3A_30 = tpu.memref_slice %arg8[%dma_start3A_29] : memref<320xi32, #tpu.memory_space<vmem>> -> memref<80xi32, #tpu.memory_space<vmem>>
    %dma_start3A_31 = arith.constant 0 : i32
    %dma_start3A_32 = arith.constant 0 : i32
    %dma_start3A_33 = tpu.memref_slice %arg3[%dma_start3A_31, %dma_start3A_32] : memref<100000x128xf32, #tpu.memory_space<hbm>> -> memref<100000x128xf32, #tpu.memory_space<hbm>>
    tpu.enqueue_indirect_dma source(%dma_start3A_33 : memref<100000x128xf32, #tpu.memory_space<hbm>>) target(%arg9 : memref<80x128xf32, #tpu.memory_space<vmem>>) offsets(%dma_start3A_30 : memref<80xi32, #tpu.memory_space<vmem>>) semaphore(%arg12 : memref<!tpu.dma_semaphore, #tpu.memory_space<semaphore_mem>>)
    %dma_wait3A_34 = arith.constant 160 : i32
    %dma_wait3A_35 = tpu.memref_slice %arg8[%dma_wait3A_34] : memref<320xi32, #tpu.memory_space<vmem>> -> memref<80xi32, #tpu.memory_space<vmem>>
    %dma_wait3A_36 = arith.constant 0 : i32
    %dma_wait3A_37 = arith.constant 0 : i32
    %dma_wait3A_38 = tpu.memref_slice %arg3[%dma_wait3A_36, %dma_wait3A_37] : memref<100000x128xf32, #tpu.memory_space<hbm>> -> memref<100000x128xf32, #tpu.memory_space<hbm>>
    tpu.wait_indirect_dma semaphore(%arg12 : memref<!tpu.dma_semaphore, #tpu.memory_space<semaphore_mem>>) src(%dma_wait3A_38 : memref<100000x128xf32, #tpu.memory_space<hbm>>) dst(%arg9 : memref<80x128xf32, #tpu.memory_space<vmem>>)
    %mul3A_39 = arith.constant 320 : i32
    %mul3A_40 = arith.muli %add3A, %mul3A_39 : i32
    %add3A_41 = arith.constant 160 : i32
    %add3A_42 = arith.addi %mul3A_40, %add3A_41 : i32
    "tpu.region"() ({
      %run_scoped3A = tpu.sem_alloc : memref<!tpu.dma_semaphore, #tpu.memory_space<semaphore_mem>>
      %dma_start3A_67 = arith.constant 0 : i32
      %dma_start3A_68 = tpu.memref_slice %arg6[%add3A_42, %dma_start3A_67] : memref<10240x128xf32, #tpu.memory_space<hbm>> -> memref<80x128xf32, #tpu.memory_space<hbm>>
      %dma_start3A_69 = arith.constant 0 : i32
      %dma_start3A_70 = tpu.memref_slice %arg6[%add3A_42, %dma_start3A_69] : memref<10240x128xf32, #tpu.memory_space<hbm>> -> memref<80x128xf32, #tpu.memory_space<hbm>>
      tpu.enqueue_dma source(%arg9 : memref<80x128xf32, #tpu.memory_space<vmem>>) target(%dma_start3A_70 : memref<80x128xf32, #tpu.memory_space<hbm>>) target_semaphore(%run_scoped3A : memref<!tpu.dma_semaphore, #tpu.memory_space<semaphore_mem>>)
      %dma_wait3A_71 = arith.constant 0 : i32
      %dma_wait3A_72 = tpu.memref_slice %arg6[%add3A_42, %dma_wait3A_71] : memref<10240x128xf32, #tpu.memory_space<hbm>> -> memref<80x128xf32, #tpu.memory_space<hbm>>
      %dma_wait3A_73 = arith.constant 0 : i32
      %dma_wait3A_74 = tpu.memref_slice %arg6[%add3A_42, %dma_wait3A_73] : memref<10240x128xf32, #tpu.memory_space<hbm>> -> memref<80x128xf32, #tpu.memory_space<hbm>>
      tpu.wait_dma2 semaphore(%run_scoped3A : memref<!tpu.dma_semaphore, #tpu.memory_space<semaphore_mem>>) src(%arg9 : memref<80x128xf32, #tpu.memory_space<vmem>>) dst(%dma_wait3A_74 : memref<80x128xf32, #tpu.memory_space<hbm>>)
      tpu.yield
    }) : () -> ()
    %dma_start3A_43 = arith.constant 240 : i32
    %dma_start3A_44 = tpu.memref_slice %arg8[%dma_start3A_43] : memref<320xi32, #tpu.memory_space<vmem>> -> memref<80xi32, #tpu.memory_space<vmem>>
    %dma_start3A_45 = arith.constant 0 : i32
    %dma_start3A_46 = arith.constant 0 : i32
    %dma_start3A_47 = tpu.memref_slice %arg3[%dma_start3A_45, %dma_start3A_46] : memref<100000x128xf32, #tpu.memory_space<hbm>> -> memref<100000x128xf32, #tpu.memory_space<hbm>>
    tpu.enqueue_indirect_dma source(%dma_start3A_47 : memref<100000x128xf32, #tpu.memory_space<hbm>>) target(%arg9 : memref<80x128xf32, #tpu.memory_space<vmem>>) offsets(%dma_start3A_44 : memref<80xi32, #tpu.memory_space<vmem>>) semaphore(%arg12 : memref<!tpu.dma_semaphore, #tpu.memory_space<semaphore_mem>>)
    %dma_wait3A_48 = arith.constant 240 : i32
    %dma_wait3A_49 = tpu.memref_slice %arg8[%dma_wait3A_48] : memref<320xi32, #tpu.memory_space<vmem>> -> memref<80xi32, #tpu.memory_space<vmem>>
    %dma_wait3A_50 = arith.constant 0 : i32
    %dma_wait3A_51 = arith.constant 0 : i32
    %dma_wait3A_52 = tpu.memref_slice %arg3[%dma_wait3A_50, %dma_wait3A_51] : memref<100000x128xf32, #tpu.memory_space<hbm>> -> memref<100000x128xf32, #tpu.memory_space<hbm>>
    tpu.wait_indirect_dma semaphore(%arg12 : memref<!tpu.dma_semaphore, #tpu.memory_space<semaphore_mem>>) src(%dma_wait3A_52 : memref<100000x128xf32, #tpu.memory_space<hbm>>) dst(%arg9 : memref<80x128xf32, #tpu.memory_space<vmem>>)
    %mul3A_53 = arith.constant 320 : i32
    %mul3A_54 = arith.muli %add3A, %mul3A_53 : i32
    %add3A_55 = arith.constant 240 : i32
    %add3A_56 = arith.addi %mul3A_54, %add3A_55 : i32
    "tpu.region"() ({
      %run_scoped3A = tpu.sem_alloc : memref<!tpu.dma_semaphore, #tpu.memory_space<semaphore_mem>>
      %dma_start3A_67 = arith.constant 0 : i32
      %dma_start3A_68 = tpu.memref_slice %arg6[%add3A_56, %dma_start3A_67] : memref<10240x128xf32, #tpu.memory_space<hbm>> -> memref<80x128xf32, #tpu.memory_space<hbm>>
      %dma_start3A_69 = arith.constant 0 : i32
      %dma_start3A_70 = tpu.memref_slice %arg6[%add3A_56, %dma_start3A_69] : memref<10240x128xf32, #tpu.memory_space<hbm>> -> memref<80x128xf32, #tpu.memory_space<hbm>>
      tpu.enqueue_dma source(%arg9 : memref<80x128xf32, #tpu.memory_space<vmem>>) target(%dma_start3A_70 : memref<80x128xf32, #tpu.memory_space<hbm>>) target_semaphore(%run_scoped3A : memref<!tpu.dma_semaphore, #tpu.memory_space<semaphore_mem>>)
      %dma_wait3A_71 = arith.constant 0 : i32
      %dma_wait3A_72 = tpu.memref_slice %arg6[%add3A_56, %dma_wait3A_71] : memref<10240x128xf32, #tpu.memory_space<hbm>> -> memref<80x128xf32, #tpu.memory_space<hbm>>
      %dma_wait3A_73 = arith.constant 0 : i32
      %dma_wait3A_74 = tpu.memref_slice %arg6[%add3A_56, %dma_wait3A_73] : memref<10240x128xf32, #tpu.memory_space<hbm>> -> memref<80x128xf32, #tpu.memory_space<hbm>>
      tpu.wait_dma2 semaphore(%run_scoped3A : memref<!tpu.dma_semaphore, #tpu.memory_space<semaphore_mem>>) src(%arg9 : memref<80x128xf32, #tpu.memory_space<vmem>>) dst(%dma_wait3A_74 : memref<80x128xf32, #tpu.memory_space<hbm>>)
      tpu.yield
    }) : () -> ()
    "tpu.region"() ({
      %run_scoped3A = tpu.sem_alloc : memref<!tpu.dma_semaphore, #tpu.memory_space<semaphore_mem>>
      tpu.enqueue_dma source(%arg5 : memref<10240xf32, #tpu.memory_space<hbm>>) target(%arg11 : memref<10240xf32, #tpu.memory_space<vmem>>) target_semaphore(%run_scoped3A : memref<!tpu.dma_semaphore, #tpu.memory_space<semaphore_mem>>)
      tpu.wait_dma2 semaphore(%run_scoped3A : memref<!tpu.dma_semaphore, #tpu.memory_space<semaphore_mem>>) src(%arg5 : memref<10240xf32, #tpu.memory_space<hbm>>) dst(%arg11 : memref<10240xf32, #tpu.memory_space<vmem>>)
      tpu.yield
    }) : () -> ()
    %mul3A_57 = arith.constant 160 : i32
    %mul3A_58 = arith.muli %add3A, %mul3A_57 : i32
    "tpu.region"() ({
      %run_scoped3A = tpu.sem_alloc : memref<!tpu.dma_semaphore, #tpu.memory_space<semaphore_mem>>
      %dma_start3A_67 = arith.constant 0 : i32
      %dma_start3A_68 = tpu.memref_slice %arg4[%mul3A_58, %dma_start3A_67] : memref<5120x64xi32, #tpu.memory_space<hbm>> -> memref<160x64xi32, #tpu.memory_space<hbm>>
      %dma_start3A_69 = arith.constant 0 : i32
      %dma_start3A_70 = tpu.memref_slice %arg4[%mul3A_58, %dma_start3A_69] : memref<5120x64xi32, #tpu.memory_space<hbm>> -> memref<160x64xi32, #tpu.memory_space<hbm>>
      tpu.enqueue_dma source(%dma_start3A_70 : memref<160x64xi32, #tpu.memory_space<hbm>>) target(%arg10 : memref<160x64xi32, #tpu.memory_space<vmem>>) target_semaphore(%run_scoped3A : memref<!tpu.dma_semaphore, #tpu.memory_space<semaphore_mem>>)
      %dma_wait3A_71 = arith.constant 0 : i32
      %dma_wait3A_72 = tpu.memref_slice %arg4[%mul3A_58, %dma_wait3A_71] : memref<5120x64xi32, #tpu.memory_space<hbm>> -> memref<160x64xi32, #tpu.memory_space<hbm>>
      %dma_wait3A_73 = arith.constant 0 : i32
      %dma_wait3A_74 = tpu.memref_slice %arg4[%mul3A_58, %dma_wait3A_73] : memref<5120x64xi32, #tpu.memory_space<hbm>> -> memref<160x64xi32, #tpu.memory_space<hbm>>
      tpu.wait_dma2 semaphore(%run_scoped3A : memref<!tpu.dma_semaphore, #tpu.memory_space<semaphore_mem>>) src(%dma_wait3A_74 : memref<160x64xi32, #tpu.memory_space<hbm>>) dst(%arg10 : memref<160x64xi32, #tpu.memory_space<vmem>>)
      tpu.yield
    }) : () -> ()
    %broadcast_in_dim3A = arith.constant 1.000000e+00 : f32
    %broadcast_in_dim3A_59 = vector.broadcast %broadcast_in_dim3A : f32 to vector<16xf32>
    %scan3A = arith.constant 0 : i32
    %scan3A_60 = arith.constant 0 : i32
    %scan3A_61 = arith.constant 640 : i32
    %scan3A_62 = arith.addi %scan3A_60, %scan3A_61 : i32
    %scan3A_63 = arith.constant 1 : i32
    scf.for %scan3A_67 = %scan3A_60 to %scan3A_62 step %scan3A_63  : i32 {
      %jit3A = arith.constant 4 : i32
      %div3A = arith.divsi %scan3A_67, %jit3A : i32
      %sign3A = arith.constant 0 : i32
      %sign3A_68 = arith.cmpi sgt, %scan3A_67, %sign3A : i32
      %sign3A_69 = arith.extui %sign3A_68 : i1 to i32
      %sign3A_70 = arith.constant 0 : i32
      %sign3A_71 = arith.cmpi slt, %scan3A_67, %sign3A_70 : i32
      %sign3A_72 = arith.extui %sign3A_71 : i1 to i32
      %sign3A_73 = arith.subi %sign3A_69, %sign3A_72 : i32
      %sign3A_74 = arith.constant 0 : i32
      %sign3A_75 = arith.cmpi sgt, %jit3A, %sign3A_74 : i32
      %sign3A_76 = arith.extui %sign3A_75 : i1 to i32
      %sign3A_77 = arith.constant 0 : i32
      %sign3A_78 = arith.cmpi slt, %jit3A, %sign3A_77 : i32
      %sign3A_79 = arith.extui %sign3A_78 : i1 to i32
      %sign3A_80 = arith.subi %sign3A_76, %sign3A_79 : i32
      %ne3A = arith.cmpi ne, %sign3A_73, %sign3A_80 : i32
      %rem3A = arith.remsi %scan3A_67, %jit3A : i32
      %ne3A_81 = arith.constant 0 : i32
      %ne3A_82 = arith.cmpi ne, %rem3A, %ne3A_81 : i32
      %and3A = arith.andi %ne3A, %ne3A_82 : i1
      %sub3A = arith.constant 1 : i32
      %sub3A_83 = arith.subi %div3A, %sub3A : i32
      %select_n3A = arith.select %and3A, %sub3A_83, %div3A : i32
      %jit3A_84 = arith.constant 4 : i32
      %eq3A = arith.constant 0 : i32
      %eq3A_85 = arith.cmpi eq, %jit3A_84, %eq3A : i32
      %jit3A_86 = arith.constant 1 : i32
      %select_n3A_87 = arith.select %eq3A_85, %jit3A_86, %jit3A_84 : i32
      %rem3A_88 = arith.remsi %scan3A_67, %select_n3A_87 : i32
      %ne3A_89 = arith.constant 0 : i32
      %ne3A_90 = arith.cmpi ne, %rem3A_88, %ne3A_89 : i32
      %lt3A = arith.constant 0 : i32
      %lt3A_91 = arith.cmpi slt, %rem3A_88, %lt3A : i32
      %lt3A_92 = arith.constant 0 : i32
      %lt3A_93 = arith.cmpi slt, %select_n3A_87, %lt3A_92 : i32
      %ne3A_94 = arith.xori %lt3A_91, %lt3A_93 : i1
      %and3A_95 = arith.andi %ne3A_94, %ne3A_90 : i1
      %add3A_96 = arith.addi %rem3A_88, %select_n3A_87 : i32
      %select_n3A_97 = arith.select %and3A_95, %add3A_96, %rem3A_88 : i32
      %mul3A_98 = arith.constant 16 : i32
      %mul3A_99 = arith.muli %select_n3A_97, %mul3A_98 : i32
      %get3A = arith.index_cast %select_n3A : i32 to index
      %get3A_100 = arith.index_cast %mul3A_99 : i32 to index
      %get3A_101 = tpu.vector_load %arg10[%get3A, %get3A_100] {strides = array<i32>} : memref<160x64xi32, #tpu.memory_space<vmem>>, vector<16xi32>,
      tpu.vector_store_idx %arg11[%get3A_101], %broadcast_in_dim3A_59 {add = true} : memref<10240xf32, #tpu.memory_space<vmem>>[vector<16xi32>], vector<16xf32>,
    }
    %scan3A_64 = arith.constant 640 : i32
    %mul3A_65 = arith.constant 10240 : i32
    %mul3A_66 = arith.muli %add3A, %mul3A_65 : i32
    "tpu.region"() ({
      %run_scoped3A = tpu.sem_alloc : memref<!tpu.dma_semaphore, #tpu.memory_space<semaphore_mem>>
      %dma_start3A_67 = tpu.memref_slice %arg7[%mul3A_66] : memref<327680xf32, #tpu.memory_space<hbm>> -> memref<10240xf32, #tpu.memory_space<hbm>>
      %dma_start3A_68 = tpu.memref_slice %arg7[%mul3A_66] : memref<327680xf32, #tpu.memory_space<hbm>> -> memref<10240xf32, #tpu.memory_space<hbm>>
      tpu.enqueue_dma source(%arg11 : memref<10240xf32, #tpu.memory_space<vmem>>) target(%dma_start3A_68 : memref<10240xf32, #tpu.memory_space<hbm>>) target_semaphore(%run_scoped3A : memref<!tpu.dma_semaphore, #tpu.memory_space<semaphore_mem>>)
      %dma_wait3A_69 = tpu.memref_slice %arg7[%mul3A_66] : memref<327680xf32, #tpu.memory_space<hbm>> -> memref<10240xf32, #tpu.memory_space<hbm>>
      %dma_wait3A_70 = tpu.memref_slice %arg7[%mul3A_66] : memref<327680xf32, #tpu.memory_space<hbm>> -> memref<10240xf32, #tpu.memory_space<hbm>>
      tpu.wait_dma2 semaphore(%run_scoped3A : memref<!tpu.dma_semaphore, #tpu.memory_space<semaphore_mem>>) src(%arg11 : memref<10240xf32, #tpu.memory_space<vmem>>) dst(%dma_wait3A_70 : memref<10240xf32, #tpu.memory_space<hbm>>)
      tpu.yield
    }) : () -> ()
    return
  }
}

#map = affine_map<(d0, d1) -> (0, 0)>
#map1 = affine_map<(d0, d1) -> (0, 0, 0)>
module attributes {stable_mosaic.version = 14 : i64} {
  func.func @_sc_edge_body(%arg0: i32, %arg1: i32, %arg2: memref<10240x128xf32, #tpu.memory_space<hbm>>, %arg3: memref<5120x64xi32, #tpu.memory_space<hbm>>, %arg4: memref<5120x64xi32, #tpu.memory_space<hbm>>, %arg5: memref<10240x128xf32, #tpu.memory_space<hbm>>, %arg6: memref<2x10240x128xf32, #tpu.memory_space<hbm>>, %arg7: memref<40x64xi32, #tpu.memory_space<vmem>>, %arg8: memref<40x64xi32, #tpu.memory_space<vmem>>, %arg9: memref<4x64x128xf32, #tpu.memory_space<vmem>>, %arg10: memref<10240x128xf32, #tpu.memory_space<vmem_shared>>, %arg11: memref<!tpu.dma_semaphore, #tpu.memory_space<semaphore_mem>>, %arg12: memref<!tpu.dma_semaphore, #tpu.memory_space<semaphore_mem>>) attributes {dimension_semantics = [#tpu.dimension_semantics<core_parallel>, #tpu.dimension_semantics<subcore_parallel>], iteration_bounds = array<i64: 2, 16>, scalar_prefetch = 0 : i64, scratch_operands = 6 : i64, tpu.core_type = #tpu.core_type<sc_vector_subcore>, window_params = [{transform_indices = #map}, {transform_indices = #map}, {transform_indices = #map}, {transform_indices = #map}, {transform_indices = #map1}]} {
    %mul3A = arith.constant 640 : i32
    %mul3A_0 = arith.muli %arg1, %mul3A : i32
    %mul3A_1 = arith.constant 640 : i32
    %mul3A_2 = arith.muli %arg1, %mul3A_1 : i32
    "tpu.region"() ({
      %run_scoped3A = tpu.sem_alloc : memref<!tpu.dma_semaphore, #tpu.memory_space<semaphore_mem>>
      %dma_start3A = arith.constant 0 : i32
      %dma_start3A_27 = tpu.memref_slice %arg10[%mul3A_2, %dma_start3A] : memref<10240x128xf32, #tpu.memory_space<vmem_shared>> -> memref<640x128xf32, #tpu.memory_space<vmem_shared>>
      %dma_start3A_28 = arith.constant 0 : i32
      %dma_start3A_29 = tpu.memref_slice %arg5[%mul3A_0, %dma_start3A_28] : memref<10240x128xf32, #tpu.memory_space<hbm>> -> memref<640x128xf32, #tpu.memory_space<hbm>>
      tpu.enqueue_dma source(%dma_start3A_29 : memref<640x128xf32, #tpu.memory_space<hbm>>) target(%dma_start3A_27 : memref<640x128xf32, #tpu.memory_space<vmem_shared>>) target_semaphore(%run_scoped3A : memref<!tpu.dma_semaphore, #tpu.memory_space<semaphore_mem>>)
      %dma_wait3A = arith.constant 0 : i32
      %dma_wait3A_30 = tpu.memref_slice %arg10[%mul3A_2, %dma_wait3A] : memref<10240x128xf32, #tpu.memory_space<vmem_shared>> -> memref<640x128xf32, #tpu.memory_space<vmem_shared>>
      %dma_wait3A_31 = arith.constant 0 : i32
      %dma_wait3A_32 = tpu.memref_slice %arg5[%mul3A_0, %dma_wait3A_31] : memref<10240x128xf32, #tpu.memory_space<hbm>> -> memref<640x128xf32, #tpu.memory_space<hbm>>
      tpu.wait_dma2 semaphore(%run_scoped3A : memref<!tpu.dma_semaphore, #tpu.memory_space<semaphore_mem>>) src(%dma_wait3A_32 : memref<640x128xf32, #tpu.memory_space<hbm>>) dst(%dma_wait3A_30 : memref<640x128xf32, #tpu.memory_space<vmem_shared>>)
      tpu.yield
    }) : () -> ()
    %barrier3A = arith.constant 0 : index
    tpu.barrier barrier_id(%barrier3A)
    %eq3A = arith.constant 1 : i32
    %eq3A_3 = arith.cmpi eq, %arg0, %eq3A : i32
    %jit3A = arith.constant 7 : i32
    %jit3A_4 = arith.constant 1 : i32
    %select_n3A = arith.select %eq3A_3, %jit3A, %jit3A_4 : i32
    %eq3A_5 = arith.constant 1 : i32
    %eq3A_6 = arith.cmpi eq, %arg0, %eq3A_5 : i32
    %mul3A_7 = arith.constant 280 : i32
    %mul3A_8 = arith.muli %arg1, %mul3A_7 : i32
    %mul3A_9 = arith.constant 40 : i32
    %mul3A_10 = arith.muli %arg1, %mul3A_9 : i32
    %add3A = arith.constant 4480 : i32
    %add3A_11 = arith.addi %add3A, %mul3A_10 : i32
    %select_n3A_12 = arith.select %eq3A_6, %mul3A_8, %add3A_11 : i32
    %while3A = arith.constant 0 : i32
    %while3A_13 = arith.constant 0 : i32
    %while3A_14 = arith.subi %select_n3A, %while3A_13 : i32
    %while3A_15 = arith.addi %while3A_13, %while3A_14 : i32
    %while3A_16 = arith.constant 1 : i32
    %while3A_17 = arith.divsi %while3A_14, %while3A_16 : i32
    %while3A_18 = arith.muli %while3A_17, %while3A_16 : i32
    %while3A_19 = arith.addi %while3A_13, %while3A_18 : i32
    %while3A_20 = arith.constant 1 : i32
    scf.for %while3A_27 = %while3A_13 to %while3A_19 step %while3A_20  : i32 {
      %mul3A_28 = arith.constant 40 : i32
      %mul3A_29 = arith.muli %while3A_27, %mul3A_28 : i32
      %add3A_30 = arith.addi %select_n3A_12, %mul3A_29 : i32
      "tpu.region"() ({
        %run_scoped3A = tpu.sem_alloc : memref<!tpu.dma_semaphore, #tpu.memory_space<semaphore_mem>>
        %dma_start3A_83 = arith.constant 0 : i32
        %dma_start3A_84 = tpu.memref_slice %arg3[%add3A_30, %dma_start3A_83] : memref<5120x64xi32, #tpu.memory_space<hbm>> -> memref<40x64xi32, #tpu.memory_space<hbm>>
        %dma_start3A_85 = arith.constant 0 : i32
        %dma_start3A_86 = tpu.memref_slice %arg3[%add3A_30, %dma_start3A_85] : memref<5120x64xi32, #tpu.memory_space<hbm>> -> memref<40x64xi32, #tpu.memory_space<hbm>>
        tpu.enqueue_dma source(%dma_start3A_86 : memref<40x64xi32, #tpu.memory_space<hbm>>) target(%arg7 : memref<40x64xi32, #tpu.memory_space<vmem>>) target_semaphore(%run_scoped3A : memref<!tpu.dma_semaphore, #tpu.memory_space<semaphore_mem>>)
        %dma_wait3A = arith.constant 0 : i32
        %dma_wait3A_87 = tpu.memref_slice %arg3[%add3A_30, %dma_wait3A] : memref<5120x64xi32, #tpu.memory_space<hbm>> -> memref<40x64xi32, #tpu.memory_space<hbm>>
        %dma_wait3A_88 = arith.constant 0 : i32
        %dma_wait3A_89 = tpu.memref_slice %arg3[%add3A_30, %dma_wait3A_88] : memref<5120x64xi32, #tpu.memory_space<hbm>> -> memref<40x64xi32, #tpu.memory_space<hbm>>
        tpu.wait_dma2 semaphore(%run_scoped3A : memref<!tpu.dma_semaphore, #tpu.memory_space<semaphore_mem>>) src(%dma_wait3A_89 : memref<40x64xi32, #tpu.memory_space<hbm>>) dst(%arg7 : memref<40x64xi32, #tpu.memory_space<vmem>>)
        tpu.yield
      }) : () -> ()
      "tpu.region"() ({
        %run_scoped3A = tpu.sem_alloc : memref<!tpu.dma_semaphore, #tpu.memory_space<semaphore_mem>>
        %dma_start3A_83 = arith.constant 0 : i32
        %dma_start3A_84 = tpu.memref_slice %arg4[%add3A_30, %dma_start3A_83] : memref<5120x64xi32, #tpu.memory_space<hbm>> -> memref<40x64xi32, #tpu.memory_space<hbm>>
        %dma_start3A_85 = arith.constant 0 : i32
        %dma_start3A_86 = tpu.memref_slice %arg4[%add3A_30, %dma_start3A_85] : memref<5120x64xi32, #tpu.memory_space<hbm>> -> memref<40x64xi32, #tpu.memory_space<hbm>>
        tpu.enqueue_dma source(%dma_start3A_86 : memref<40x64xi32, #tpu.memory_space<hbm>>) target(%arg8 : memref<40x64xi32, #tpu.memory_space<vmem>>) target_semaphore(%run_scoped3A : memref<!tpu.dma_semaphore, #tpu.memory_space<semaphore_mem>>)
        %dma_wait3A = arith.constant 0 : i32
        %dma_wait3A_87 = tpu.memref_slice %arg4[%add3A_30, %dma_wait3A] : memref<5120x64xi32, #tpu.memory_space<hbm>> -> memref<40x64xi32, #tpu.memory_space<hbm>>
        %dma_wait3A_88 = arith.constant 0 : i32
        %dma_wait3A_89 = tpu.memref_slice %arg4[%add3A_30, %dma_wait3A_88] : memref<5120x64xi32, #tpu.memory_space<hbm>> -> memref<40x64xi32, #tpu.memory_space<hbm>>
        tpu.wait_dma2 semaphore(%run_scoped3A : memref<!tpu.dma_semaphore, #tpu.memory_space<semaphore_mem>>) src(%dma_wait3A_89 : memref<40x64xi32, #tpu.memory_space<hbm>>) dst(%arg8 : memref<40x64xi32, #tpu.memory_space<vmem>>)
        tpu.yield
      }) : () -> ()
      %dma_start3A = arith.constant 0 : i32
      %dma_start3A_31 = arith.constant 0 : i32
      %dma_start3A_32 = arith.constant 0 : i32
      %dma_start3A_33 = arith.constant 0 : i32
      %dma_start3A_34 = tpu.memref_slice %arg9[%dma_start3A_31, %dma_start3A_32, %dma_start3A_33] : memref<4x64x128xf32, #tpu.memory_space<vmem>> -> memref<1x64x128xf32, #tpu.memory_space<vmem>>
      %dma_start3A_35 = tpu.memref_squeeze %dma_start3A_34 : memref<1x64x128xf32, #tpu.memory_space<vmem>> -> memref<64x128xf32, #tpu.memory_space<vmem>>
      %dma_start3A_36 = arith.constant 0 : i32
      %dma_start3A_37 = tpu.memref_slice %arg7[%dma_start3A, %dma_start3A_36] : memref<40x64xi32, #tpu.memory_space<vmem>> -> memref<1x64xi32, #tpu.memory_space<vmem>>
      %dma_start3A_38 = tpu.memref_squeeze %dma_start3A_37 : memref<1x64xi32, #tpu.memory_space<vmem>> -> memref<64xi32, #tpu.memory_space<vmem>>
      %dma_start3A_39 = arith.constant 0 : i32
      %dma_start3A_40 = arith.constant 0 : i32
      %dma_start3A_41 = tpu.memref_slice %arg2[%dma_start3A_39, %dma_start3A_40] : memref<10240x128xf32, #tpu.memory_space<hbm>> -> memref<10240x128xf32, #tpu.memory_space<hbm>>
      tpu.enqueue_indirect_dma source(%dma_start3A_41 : memref<10240x128xf32, #tpu.memory_space<hbm>>) target(%dma_start3A_35 : memref<64x128xf32, #tpu.memory_space<vmem>>) offsets(%dma_start3A_38 : memref<64xi32, #tpu.memory_space<vmem>>) semaphore(%arg11 : memref<!tpu.dma_semaphore, #tpu.memory_space<semaphore_mem>>)
      %dma_start3A_42 = arith.constant 1 : i32
      %dma_start3A_43 = arith.constant 1 : i32
      %dma_start3A_44 = arith.constant 0 : i32
      %dma_start3A_45 = arith.constant 0 : i32
      %dma_start3A_46 = tpu.memref_slice %arg9[%dma_start3A_43, %dma_start3A_44, %dma_start3A_45] : memref<4x64x128xf32, #tpu.memory_space<vmem>> -> memref<1x64x128xf32, #tpu.memory_space<vmem>>
      %dma_start3A_47 = tpu.memref_squeeze %dma_start3A_46 : memref<1x64x128xf32, #tpu.memory_space<vmem>> -> memref<64x128xf32, #tpu.memory_space<vmem>>
      %dma_start3A_48 = arith.constant 0 : i32
      %dma_start3A_49 = tpu.memref_slice %arg7[%dma_start3A_42, %dma_start3A_48] : memref<40x64xi32, #tpu.memory_space<vmem>> -> memref<1x64xi32, #tpu.memory_space<vmem>>
      %dma_start3A_50 = tpu.memref_squeeze %dma_start3A_49 : memref<1x64xi32, #tpu.memory_space<vmem>> -> memref<64xi32, #tpu.memory_space<vmem>>
      %dma_start3A_51 = arith.constant 0 : i32
      %dma_start3A_52 = arith.constant 0 : i32
      %dma_start3A_53 = tpu.memref_slice %arg2[%dma_start3A_51, %dma_start3A_52] : memref<10240x128xf32, #tpu.memory_space<hbm>> -> memref<10240x128xf32, #tpu.memory_space<hbm>>
      tpu.enqueue_indirect_dma source(%dma_start3A_53 : memref<10240x128xf32, #tpu.memory_space<hbm>>) target(%dma_start3A_47 : memref<64x128xf32, #tpu.memory_space<vmem>>) offsets(%dma_start3A_50 : memref<64xi32, #tpu.memory_space<vmem>>) semaphore(%arg11 : memref<!tpu.dma_semaphore, #tpu.memory_space<semaphore_mem>>)
      %dma_start3A_54 = arith.constant 2 : i32
      %dma_start3A_55 = arith.constant 2 : i32
      %dma_start3A_56 = arith.constant 0 : i32
      %dma_start3A_57 = arith.constant 0 : i32
      %dma_start3A_58 = tpu.memref_slice %arg9[%dma_start3A_55, %dma_start3A_56, %dma_start3A_57] : memref<4x64x128xf32, #tpu.memory_space<vmem>> -> memref<1x64x128xf32, #tpu.memory_space<vmem>>
      %dma_start3A_59 = tpu.memref_squeeze %dma_start3A_58 : memref<1x64x128xf32, #tpu.memory_space<vmem>> -> memref<64x128xf32, #tpu.memory_space<vmem>>
      %dma_start3A_60 = arith.constant 0 : i32
      %dma_start3A_61 = tpu.memref_slice %arg7[%dma_start3A_54, %dma_start3A_60] : memref<40x64xi32, #tpu.memory_space<vmem>> -> memref<1x64xi32, #tpu.memory_space<vmem>>
      %dma_start3A_62 = tpu.memref_squeeze %dma_start3A_61 : memref<1x64xi32, #tpu.memory_space<vmem>> -> memref<64xi32, #tpu.memory_space<vmem>>
      %dma_start3A_63 = arith.constant 0 : i32
      %dma_start3A_64 = arith.constant 0 : i32
      %dma_start3A_65 = tpu.memref_slice %arg2[%dma_start3A_63, %dma_start3A_64] : memref<10240x128xf32, #tpu.memory_space<hbm>> -> memref<10240x128xf32, #tpu.memory_space<hbm>>
      tpu.enqueue_indirect_dma source(%dma_start3A_65 : memref<10240x128xf32, #tpu.memory_space<hbm>>) target(%dma_start3A_59 : memref<64x128xf32, #tpu.memory_space<vmem>>) offsets(%dma_start3A_62 : memref<64xi32, #tpu.memory_space<vmem>>) semaphore(%arg11 : memref<!tpu.dma_semaphore, #tpu.memory_space<semaphore_mem>>)
      %dma_start3A_66 = arith.constant 3 : i32
      %dma_start3A_67 = arith.constant 3 : i32
      %dma_start3A_68 = arith.constant 0 : i32
      %dma_start3A_69 = arith.constant 0 : i32
      %dma_start3A_70 = tpu.memref_slice %arg9[%dma_start3A_67, %dma_start3A_68, %dma_start3A_69] : memref<4x64x128xf32, #tpu.memory_space<vmem>> -> memref<1x64x128xf32, #tpu.memory_space<vmem>>
      %dma_start3A_71 = tpu.memref_squeeze %dma_start3A_70 : memref<1x64x128xf32, #tpu.memory_space<vmem>> -> memref<64x128xf32, #tpu.memory_space<vmem>>
      %dma_start3A_72 = arith.constant 0 : i32
      %dma_start3A_73 = tpu.memref_slice %arg7[%dma_start3A_66, %dma_start3A_72] : memref<40x64xi32, #tpu.memory_space<vmem>> -> memref<1x64xi32, #tpu.memory_space<vmem>>
      %dma_start3A_74 = tpu.memref_squeeze %dma_start3A_73 : memref<1x64xi32, #tpu.memory_space<vmem>> -> memref<64xi32, #tpu.memory_space<vmem>>
      %dma_start3A_75 = arith.constant 0 : i32
      %dma_start3A_76 = arith.constant 0 : i32
      %dma_start3A_77 = tpu.memref_slice %arg2[%dma_start3A_75, %dma_start3A_76] : memref<10240x128xf32, #tpu.memory_space<hbm>> -> memref<10240x128xf32, #tpu.memory_space<hbm>>
      tpu.enqueue_indirect_dma source(%dma_start3A_77 : memref<10240x128xf32, #tpu.memory_space<hbm>>) target(%dma_start3A_71 : memref<64x128xf32, #tpu.memory_space<vmem>>) offsets(%dma_start3A_74 : memref<64xi32, #tpu.memory_space<vmem>>) semaphore(%arg11 : memref<!tpu.dma_semaphore, #tpu.memory_space<semaphore_mem>>)
      %scan3A = arith.constant 0 : i32
      %scan3A_78 = arith.constant 0 : i32
      %scan3A_79 = arith.constant 10 : i32
      %scan3A_80 = arith.addi %scan3A_78, %scan3A_79 : i32
      %scan3A_81 = arith.constant 1 : i32
      scf.for %scan3A_83 = %scan3A_78 to %scan3A_80 step %scan3A_81  : i32 {
        %mul3A_84 = arith.constant 4 : i32
        %mul3A_85 = arith.muli %scan3A_83, %mul3A_84 : i32
        %dma_wait3A = arith.constant 0 : i32
        %dma_wait3A_86 = arith.constant 0 : i32
        %dma_wait3A_87 = arith.constant 0 : i32
        %dma_wait3A_88 = tpu.memref_slice %arg9[%dma_wait3A, %dma_wait3A_86, %dma_wait3A_87] : memref<4x64x128xf32, #tpu.memory_space<vmem>> -> memref<1x64x128xf32, #tpu.memory_space<vmem>>
        %dma_wait3A_89 = tpu.memref_squeeze %dma_wait3A_88 : memref<1x64x128xf32, #tpu.memory_space<vmem>> -> memref<64x128xf32, #tpu.memory_space<vmem>>
        %dma_wait3A_90 = arith.constant 0 : i32
        %dma_wait3A_91 = arith.constant 0 : i32
        %dma_wait3A_92 = tpu.memref_slice %arg2[%dma_wait3A_90, %dma_wait3A_91] : memref<10240x128xf32, #tpu.memory_space<hbm>> -> memref<64x128xf32, #tpu.memory_space<hbm>>
        %dma_wait3A_93 = arith.constant 0 : i32
        %dma_wait3A_94 = arith.constant 0 : i32
        %dma_wait3A_95 = tpu.memref_slice %arg9[%dma_wait3A, %dma_wait3A_93, %dma_wait3A_94] : memref<4x64x128xf32, #tpu.memory_space<vmem>> -> memref<1x64x128xf32, #tpu.memory_space<vmem>>
        %dma_wait3A_96 = tpu.memref_squeeze %dma_wait3A_95 : memref<1x64x128xf32, #tpu.memory_space<vmem>> -> memref<64x128xf32, #tpu.memory_space<vmem>>
        %dma_wait3A_97 = arith.constant 0 : i32
        %dma_wait3A_98 = arith.constant 0 : i32
        %dma_wait3A_99 = tpu.memref_slice %arg2[%dma_wait3A_97, %dma_wait3A_98] : memref<10240x128xf32, #tpu.memory_space<hbm>> -> memref<64x128xf32, #tpu.memory_space<hbm>>
        tpu.wait_dma2 semaphore(%arg11 : memref<!tpu.dma_semaphore, #tpu.memory_space<semaphore_mem>>) src(%dma_wait3A_99 : memref<64x128xf32, #tpu.memory_space<hbm>>) dst(%dma_wait3A_96 : memref<64x128xf32, #tpu.memory_space<vmem>>)
        %add3A_100 = arith.constant 0 : i32
        %add3A_101 = arith.addi %mul3A_85, %add3A_100 : i32
        %dma_start3A_102 = arith.constant 0 : i32
        %dma_start3A_103 = arith.constant 0 : i32
        %dma_start3A_104 = arith.constant 0 : i32
        %dma_start3A_105 = tpu.memref_slice %arg9[%dma_start3A_102, %dma_start3A_103, %dma_start3A_104] : memref<4x64x128xf32, #tpu.memory_space<vmem>> -> memref<1x64x128xf32, #tpu.memory_space<vmem>>
        %dma_start3A_106 = tpu.memref_squeeze %dma_start3A_105 : memref<1x64x128xf32, #tpu.memory_space<vmem>> -> memref<64x128xf32, #tpu.memory_space<vmem>>
        %dma_start3A_107 = arith.constant 0 : i32
        %dma_start3A_108 = tpu.memref_slice %arg8[%add3A_101, %dma_start3A_107] : memref<40x64xi32, #tpu.memory_space<vmem>> -> memref<1x64xi32, #tpu.memory_space<vmem>>
        %dma_start3A_109 = tpu.memref_squeeze %dma_start3A_108 : memref<1x64xi32, #tpu.memory_space<vmem>> -> memref<64xi32, #tpu.memory_space<vmem>>
        %dma_start3A_110 = arith.constant 0 : i32
        %dma_start3A_111 = arith.constant 0 : i32
        %dma_start3A_112 = tpu.memref_slice %arg10[%dma_start3A_110, %dma_start3A_111] : memref<10240x128xf32, #tpu.memory_space<vmem_shared>> -> memref<10240x128xf32, #tpu.memory_space<vmem_shared>>
        tpu.enqueue_indirect_dma source(%dma_start3A_106 : memref<64x128xf32, #tpu.memory_space<vmem>>) target(%dma_start3A_112 : memref<10240x128xf32, #tpu.memory_space<vmem_shared>>) offsets(%dma_start3A_109 : memref<64xi32, #tpu.memory_space<vmem>>) semaphore(%arg12 : memref<!tpu.dma_semaphore, #tpu.memory_space<semaphore_mem>>) {add = true}
        %dma_wait3A_113 = arith.constant 0 : i32
        %dma_wait3A_114 = arith.constant 0 : i32
        %dma_wait3A_115 = arith.constant 0 : i32
        %dma_wait3A_116 = tpu.memref_slice %arg9[%dma_wait3A_113, %dma_wait3A_114, %dma_wait3A_115] : memref<4x64x128xf32, #tpu.memory_space<vmem>> -> memref<1x64x128xf32, #tpu.memory_space<vmem>>
        %dma_wait3A_117 = tpu.memref_squeeze %dma_wait3A_116 : memref<1x64x128xf32, #tpu.memory_space<vmem>> -> memref<64x128xf32, #tpu.memory_space<vmem>>
        %dma_wait3A_118 = arith.constant 0 : i32
        %dma_wait3A_119 = arith.constant 0 : i32
        %dma_wait3A_120 = tpu.memref_slice %arg10[%dma_wait3A_118, %dma_wait3A_119] : memref<10240x128xf32, #tpu.memory_space<vmem_shared>> -> memref<64x128xf32, #tpu.memory_space<vmem_shared>>
        %dma_wait3A_121 = arith.constant 0 : i32
        %dma_wait3A_122 = arith.constant 0 : i32
        %dma_wait3A_123 = tpu.memref_slice %arg10[%dma_wait3A_121, %dma_wait3A_122] : memref<10240x128xf32, #tpu.memory_space<vmem_shared>> -> memref<64x128xf32, #tpu.memory_space<vmem_shared>>
        %dma_wait3A_124 = arith.constant 0 : i32
        %dma_wait3A_125 = arith.constant 0 : i32
        %dma_wait3A_126 = tpu.memref_slice %arg9[%dma_wait3A_113, %dma_wait3A_124, %dma_wait3A_125] : memref<4x64x128xf32, #tpu.memory_space<vmem>> -> memref<1x64x128xf32, #tpu.memory_space<vmem>>
        %dma_wait3A_127 = tpu.memref_squeeze %dma_wait3A_126 : memref<1x64x128xf32, #tpu.memory_space<vmem>> -> memref<64x128xf32, #tpu.memory_space<vmem>>
        tpu.wait_dma2 semaphore(%arg12 : memref<!tpu.dma_semaphore, #tpu.memory_space<semaphore_mem>>) src(%dma_wait3A_127 : memref<64x128xf32, #tpu.memory_space<vmem>>) dst(%dma_wait3A_123 : memref<64x128xf32, #tpu.memory_space<vmem_shared>>)
        %add3A_128 = arith.constant 0 : i32
        %add3A_129 = arith.addi %mul3A_85, %add3A_128 : i32
        %add3A_130 = arith.constant 4 : i32
        %add3A_131 = arith.addi %add3A_129, %add3A_130 : i32
        %lt3A = arith.constant 40 : i32
        %lt3A_132 = arith.cmpi slt, %add3A_131, %lt3A : i32
        %convert_element_type3A = arith.extui %lt3A_132 : i1 to i32
        %cond3A = arith.constant 0 : i32
        %cond3A_133 = arith.cmpi ne, %convert_element_type3A, %cond3A : i32
        scf.if %cond3A_133 {
          %add3A_290 = arith.constant 0 : i32
          %add3A_291 = arith.addi %mul3A_85, %add3A_290 : i32
          %add3A_292 = arith.constant 4 : i32
          %add3A_293 = arith.addi %add3A_291, %add3A_292 : i32
          %dma_start3A_294 = arith.constant 0 : i32
          %dma_start3A_295 = arith.constant 0 : i32
          %dma_start3A_296 = arith.constant 0 : i32
          %dma_start3A_297 = tpu.memref_slice %arg9[%dma_start3A_294, %dma_start3A_295, %dma_start3A_296] : memref<4x64x128xf32, #tpu.memory_space<vmem>> -> memref<1x64x128xf32, #tpu.memory_space<vmem>>
          %dma_start3A_298 = tpu.memref_squeeze %dma_start3A_297 : memref<1x64x128xf32, #tpu.memory_space<vmem>> -> memref<64x128xf32, #tpu.memory_space<vmem>>
          %dma_start3A_299 = arith.constant 0 : i32
          %dma_start3A_300 = tpu.memref_slice %arg7[%add3A_293, %dma_start3A_299] : memref<40x64xi32, #tpu.memory_space<vmem>> -> memref<1x64xi32, #tpu.memory_space<vmem>>
          %dma_start3A_301 = tpu.memref_squeeze %dma_start3A_300 : memref<1x64xi32, #tpu.memory_space<vmem>> -> memref<64xi32, #tpu.memory_space<vmem>>
          %dma_start3A_302 = arith.constant 0 : i32
          %dma_start3A_303 = arith.constant 0 : i32
          %dma_start3A_304 = tpu.memref_slice %arg2[%dma_start3A_302, %dma_start3A_303] : memref<10240x128xf32, #tpu.memory_space<hbm>> -> memref<10240x128xf32, #tpu.memory_space<hbm>>
          tpu.enqueue_indirect_dma source(%dma_start3A_304 : memref<10240x128xf32, #tpu.memory_space<hbm>>) target(%dma_start3A_298 : memref<64x128xf32, #tpu.memory_space<vmem>>) offsets(%dma_start3A_301 : memref<64xi32, #tpu.memory_space<vmem>>) semaphore(%arg11 : memref<!tpu.dma_semaphore, #tpu.memory_space<semaphore_mem>>)
        } else {
        }
        %dma_wait3A_134 = arith.constant 1 : i32
        %dma_wait3A_135 = arith.constant 0 : i32
        %dma_wait3A_136 = arith.constant 0 : i32
        %dma_wait3A_137 = tpu.memref_slice %arg9[%dma_wait3A_134, %dma_wait3A_135, %dma_wait3A_136] : memref<4x64x128xf32, #tpu.memory_space<vmem>> -> memref<1x64x128xf32, #tpu.memory_space<vmem>>
        %dma_wait3A_138 = tpu.memref_squeeze %dma_wait3A_137 : memref<1x64x128xf32, #tpu.memory_space<vmem>> -> memref<64x128xf32, #tpu.memory_space<vmem>>
        %dma_wait3A_139 = arith.constant 0 : i32
        %dma_wait3A_140 = arith.constant 0 : i32
        %dma_wait3A_141 = tpu.memref_slice %arg2[%dma_wait3A_139, %dma_wait3A_140] : memref<10240x128xf32, #tpu.memory_space<hbm>> -> memref<64x128xf32, #tpu.memory_space<hbm>>
        %dma_wait3A_142 = arith.constant 0 : i32
        %dma_wait3A_143 = arith.constant 0 : i32
        %dma_wait3A_144 = tpu.memref_slice %arg9[%dma_wait3A_134, %dma_wait3A_142, %dma_wait3A_143] : memref<4x64x128xf32, #tpu.memory_space<vmem>> -> memref<1x64x128xf32, #tpu.memory_space<vmem>>
        %dma_wait3A_145 = tpu.memref_squeeze %dma_wait3A_144 : memref<1x64x128xf32, #tpu.memory_space<vmem>> -> memref<64x128xf32, #tpu.memory_space<vmem>>
        %dma_wait3A_146 = arith.constant 0 : i32
        %dma_wait3A_147 = arith.constant 0 : i32
        %dma_wait3A_148 = tpu.memref_slice %arg2[%dma_wait3A_146, %dma_wait3A_147] : memref<10240x128xf32, #tpu.memory_space<hbm>> -> memref<64x128xf32, #tpu.memory_space<hbm>>
        tpu.wait_dma2 semaphore(%arg11 : memref<!tpu.dma_semaphore, #tpu.memory_space<semaphore_mem>>) src(%dma_wait3A_148 : memref<64x128xf32, #tpu.memory_space<hbm>>) dst(%dma_wait3A_145 : memref<64x128xf32, #tpu.memory_space<vmem>>)
        %add3A_149 = arith.constant 1 : i32
        %add3A_150 = arith.addi %mul3A_85, %add3A_149 : i32
        %dma_start3A_151 = arith.constant 1 : i32
        %dma_start3A_152 = arith.constant 0 : i32
        %dma_start3A_153 = arith.constant 0 : i32
        %dma_start3A_154 = tpu.memref_slice %arg9[%dma_start3A_151, %dma_start3A_152, %dma_start3A_153] : memref<4x64x128xf32, #tpu.memory_space<vmem>> -> memref<1x64x128xf32, #tpu.memory_space<vmem>>
        %dma_start3A_155 = tpu.memref_squeeze %dma_start3A_154 : memref<1x64x128xf32, #tpu.memory_space<vmem>> -> memref<64x128xf32, #tpu.memory_space<vmem>>
        %dma_start3A_156 = arith.constant 0 : i32
        %dma_start3A_157 = tpu.memref_slice %arg8[%add3A_150, %dma_start3A_156] : memref<40x64xi32, #tpu.memory_space<vmem>> -> memref<1x64xi32, #tpu.memory_space<vmem>>
        %dma_start3A_158 = tpu.memref_squeeze %dma_start3A_157 : memref<1x64xi32, #tpu.memory_space<vmem>> -> memref<64xi32, #tpu.memory_space<vmem>>
        %dma_start3A_159 = arith.constant 0 : i32
        %dma_start3A_160 = arith.constant 0 : i32
        %dma_start3A_161 = tpu.memref_slice %arg10[%dma_start3A_159, %dma_start3A_160] : memref<10240x128xf32, #tpu.memory_space<vmem_shared>> -> memref<10240x128xf32, #tpu.memory_space<vmem_shared>>
        tpu.enqueue_indirect_dma source(%dma_start3A_155 : memref<64x128xf32, #tpu.memory_space<vmem>>) target(%dma_start3A_161 : memref<10240x128xf32, #tpu.memory_space<vmem_shared>>) offsets(%dma_start3A_158 : memref<64xi32, #tpu.memory_space<vmem>>) semaphore(%arg12 : memref<!tpu.dma_semaphore, #tpu.memory_space<semaphore_mem>>) {add = true}
        %dma_wait3A_162 = arith.constant 1 : i32
        %dma_wait3A_163 = arith.constant 0 : i32
        %dma_wait3A_164 = arith.constant 0 : i32
        %dma_wait3A_165 = tpu.memref_slice %arg9[%dma_wait3A_162, %dma_wait3A_163, %dma_wait3A_164] : memref<4x64x128xf32, #tpu.memory_space<vmem>> -> memref<1x64x128xf32, #tpu.memory_space<vmem>>
        %dma_wait3A_166 = tpu.memref_squeeze %dma_wait3A_165 : memref<1x64x128xf32, #tpu.memory_space<vmem>> -> memref<64x128xf32, #tpu.memory_space<vmem>>
        %dma_wait3A_167 = arith.constant 0 : i32
        %dma_wait3A_168 = arith.constant 0 : i32
        %dma_wait3A_169 = tpu.memref_slice %arg10[%dma_wait3A_167, %dma_wait3A_168] : memref<10240x128xf32, #tpu.memory_space<vmem_shared>> -> memref<64x128xf32, #tpu.memory_space<vmem_shared>>
        %dma_wait3A_170 = arith.constant 0 : i32
        %dma_wait3A_171 = arith.constant 0 : i32
        %dma_wait3A_172 = tpu.memref_slice %arg10[%dma_wait3A_170, %dma_wait3A_171] : memref<10240x128xf32, #tpu.memory_space<vmem_shared>> -> memref<64x128xf32, #tpu.memory_space<vmem_shared>>
        %dma_wait3A_173 = arith.constant 0 : i32
        %dma_wait3A_174 = arith.constant 0 : i32
        %dma_wait3A_175 = tpu.memref_slice %arg9[%dma_wait3A_162, %dma_wait3A_173, %dma_wait3A_174] : memref<4x64x128xf32, #tpu.memory_space<vmem>> -> memref<1x64x128xf32, #tpu.memory_space<vmem>>
        %dma_wait3A_176 = tpu.memref_squeeze %dma_wait3A_175 : memref<1x64x128xf32, #tpu.memory_space<vmem>> -> memref<64x128xf32, #tpu.memory_space<vmem>>
        tpu.wait_dma2 semaphore(%arg12 : memref<!tpu.dma_semaphore, #tpu.memory_space<semaphore_mem>>) src(%dma_wait3A_176 : memref<64x128xf32, #tpu.memory_space<vmem>>) dst(%dma_wait3A_172 : memref<64x128xf32, #tpu.memory_space<vmem_shared>>)
        %add3A_177 = arith.constant 1 : i32
        %add3A_178 = arith.addi %mul3A_85, %add3A_177 : i32
        %add3A_179 = arith.constant 4 : i32
        %add3A_180 = arith.addi %add3A_178, %add3A_179 : i32
        %lt3A_181 = arith.constant 40 : i32
        %lt3A_182 = arith.cmpi slt, %add3A_180, %lt3A_181 : i32
        %convert_element_type3A_183 = arith.extui %lt3A_182 : i1 to i32
        %cond3A_184 = arith.constant 0 : i32
        %cond3A_185 = arith.cmpi ne, %convert_element_type3A_183, %cond3A_184 : i32
        scf.if %cond3A_185 {
          %add3A_290 = arith.constant 1 : i32
          %add3A_291 = arith.addi %mul3A_85, %add3A_290 : i32
          %add3A_292 = arith.constant 4 : i32
          %add3A_293 = arith.addi %add3A_291, %add3A_292 : i32
          %dma_start3A_294 = arith.constant 1 : i32
          %dma_start3A_295 = arith.constant 0 : i32
          %dma_start3A_296 = arith.constant 0 : i32
          %dma_start3A_297 = tpu.memref_slice %arg9[%dma_start3A_294, %dma_start3A_295, %dma_start3A_296] : memref<4x64x128xf32, #tpu.memory_space<vmem>> -> memref<1x64x128xf32, #tpu.memory_space<vmem>>
          %dma_start3A_298 = tpu.memref_squeeze %dma_start3A_297 : memref<1x64x128xf32, #tpu.memory_space<vmem>> -> memref<64x128xf32, #tpu.memory_space<vmem>>
          %dma_start3A_299 = arith.constant 0 : i32
          %dma_start3A_300 = tpu.memref_slice %arg7[%add3A_293, %dma_start3A_299] : memref<40x64xi32, #tpu.memory_space<vmem>> -> memref<1x64xi32, #tpu.memory_space<vmem>>
          %dma_start3A_301 = tpu.memref_squeeze %dma_start3A_300 : memref<1x64xi32, #tpu.memory_space<vmem>> -> memref<64xi32, #tpu.memory_space<vmem>>
          %dma_start3A_302 = arith.constant 0 : i32
          %dma_start3A_303 = arith.constant 0 : i32
          %dma_start3A_304 = tpu.memref_slice %arg2[%dma_start3A_302, %dma_start3A_303] : memref<10240x128xf32, #tpu.memory_space<hbm>> -> memref<10240x128xf32, #tpu.memory_space<hbm>>
          tpu.enqueue_indirect_dma source(%dma_start3A_304 : memref<10240x128xf32, #tpu.memory_space<hbm>>) target(%dma_start3A_298 : memref<64x128xf32, #tpu.memory_space<vmem>>) offsets(%dma_start3A_301 : memref<64xi32, #tpu.memory_space<vmem>>) semaphore(%arg11 : memref<!tpu.dma_semaphore, #tpu.memory_space<semaphore_mem>>)
        } else {
        }
        %dma_wait3A_186 = arith.constant 2 : i32
        %dma_wait3A_187 = arith.constant 0 : i32
        %dma_wait3A_188 = arith.constant 0 : i32
        %dma_wait3A_189 = tpu.memref_slice %arg9[%dma_wait3A_186, %dma_wait3A_187, %dma_wait3A_188] : memref<4x64x128xf32, #tpu.memory_space<vmem>> -> memref<1x64x128xf32, #tpu.memory_space<vmem>>
        %dma_wait3A_190 = tpu.memref_squeeze %dma_wait3A_189 : memref<1x64x128xf32, #tpu.memory_space<vmem>> -> memref<64x128xf32, #tpu.memory_space<vmem>>
        %dma_wait3A_191 = arith.constant 0 : i32
        %dma_wait3A_192 = arith.constant 0 : i32
        %dma_wait3A_193 = tpu.memref_slice %arg2[%dma_wait3A_191, %dma_wait3A_192] : memref<10240x128xf32, #tpu.memory_space<hbm>> -> memref<64x128xf32, #tpu.memory_space<hbm>>
        %dma_wait3A_194 = arith.constant 0 : i32
        %dma_wait3A_195 = arith.constant 0 : i32
        %dma_wait3A_196 = tpu.memref_slice %arg9[%dma_wait3A_186, %dma_wait3A_194, %dma_wait3A_195] : memref<4x64x128xf32, #tpu.memory_space<vmem>> -> memref<1x64x128xf32, #tpu.memory_space<vmem>>
        %dma_wait3A_197 = tpu.memref_squeeze %dma_wait3A_196 : memref<1x64x128xf32, #tpu.memory_space<vmem>> -> memref<64x128xf32, #tpu.memory_space<vmem>>
        %dma_wait3A_198 = arith.constant 0 : i32
        %dma_wait3A_199 = arith.constant 0 : i32
        %dma_wait3A_200 = tpu.memref_slice %arg2[%dma_wait3A_198, %dma_wait3A_199] : memref<10240x128xf32, #tpu.memory_space<hbm>> -> memref<64x128xf32, #tpu.memory_space<hbm>>
        tpu.wait_dma2 semaphore(%arg11 : memref<!tpu.dma_semaphore, #tpu.memory_space<semaphore_mem>>) src(%dma_wait3A_200 : memref<64x128xf32, #tpu.memory_space<hbm>>) dst(%dma_wait3A_197 : memref<64x128xf32, #tpu.memory_space<vmem>>)
        %add3A_201 = arith.constant 2 : i32
        %add3A_202 = arith.addi %mul3A_85, %add3A_201 : i32
        %dma_start3A_203 = arith.constant 2 : i32
        %dma_start3A_204 = arith.constant 0 : i32
        %dma_start3A_205 = arith.constant 0 : i32
        %dma_start3A_206 = tpu.memref_slice %arg9[%dma_start3A_203, %dma_start3A_204, %dma_start3A_205] : memref<4x64x128xf32, #tpu.memory_space<vmem>> -> memref<1x64x128xf32, #tpu.memory_space<vmem>>
        %dma_start3A_207 = tpu.memref_squeeze %dma_start3A_206 : memref<1x64x128xf32, #tpu.memory_space<vmem>> -> memref<64x128xf32, #tpu.memory_space<vmem>>
        %dma_start3A_208 = arith.constant 0 : i32
        %dma_start3A_209 = tpu.memref_slice %arg8[%add3A_202, %dma_start3A_208] : memref<40x64xi32, #tpu.memory_space<vmem>> -> memref<1x64xi32, #tpu.memory_space<vmem>>
        %dma_start3A_210 = tpu.memref_squeeze %dma_start3A_209 : memref<1x64xi32, #tpu.memory_space<vmem>> -> memref<64xi32, #tpu.memory_space<vmem>>
        %dma_start3A_211 = arith.constant 0 : i32
        %dma_start3A_212 = arith.constant 0 : i32
        %dma_start3A_213 = tpu.memref_slice %arg10[%dma_start3A_211, %dma_start3A_212] : memref<10240x128xf32, #tpu.memory_space<vmem_shared>> -> memref<10240x128xf32, #tpu.memory_space<vmem_shared>>
        tpu.enqueue_indirect_dma source(%dma_start3A_207 : memref<64x128xf32, #tpu.memory_space<vmem>>) target(%dma_start3A_213 : memref<10240x128xf32, #tpu.memory_space<vmem_shared>>) offsets(%dma_start3A_210 : memref<64xi32, #tpu.memory_space<vmem>>) semaphore(%arg12 : memref<!tpu.dma_semaphore, #tpu.memory_space<semaphore_mem>>) {add = true}
        %dma_wait3A_214 = arith.constant 2 : i32
        %dma_wait3A_215 = arith.constant 0 : i32
        %dma_wait3A_216 = arith.constant 0 : i32
        %dma_wait3A_217 = tpu.memref_slice %arg9[%dma_wait3A_214, %dma_wait3A_215, %dma_wait3A_216] : memref<4x64x128xf32, #tpu.memory_space<vmem>> -> memref<1x64x128xf32, #tpu.memory_space<vmem>>
        %dma_wait3A_218 = tpu.memref_squeeze %dma_wait3A_217 : memref<1x64x128xf32, #tpu.memory_space<vmem>> -> memref<64x128xf32, #tpu.memory_space<vmem>>
        %dma_wait3A_219 = arith.constant 0 : i32
        %dma_wait3A_220 = arith.constant 0 : i32
        %dma_wait3A_221 = tpu.memref_slice %arg10[%dma_wait3A_219, %dma_wait3A_220] : memref<10240x128xf32, #tpu.memory_space<vmem_shared>> -> memref<64x128xf32, #tpu.memory_space<vmem_shared>>
        %dma_wait3A_222 = arith.constant 0 : i32
        %dma_wait3A_223 = arith.constant 0 : i32
        %dma_wait3A_224 = tpu.memref_slice %arg10[%dma_wait3A_222, %dma_wait3A_223] : memref<10240x128xf32, #tpu.memory_space<vmem_shared>> -> memref<64x128xf32, #tpu.memory_space<vmem_shared>>
        %dma_wait3A_225 = arith.constant 0 : i32
        %dma_wait3A_226 = arith.constant 0 : i32
        %dma_wait3A_227 = tpu.memref_slice %arg9[%dma_wait3A_214, %dma_wait3A_225, %dma_wait3A_226] : memref<4x64x128xf32, #tpu.memory_space<vmem>> -> memref<1x64x128xf32, #tpu.memory_space<vmem>>
        %dma_wait3A_228 = tpu.memref_squeeze %dma_wait3A_227 : memref<1x64x128xf32, #tpu.memory_space<vmem>> -> memref<64x128xf32, #tpu.memory_space<vmem>>
        tpu.wait_dma2 semaphore(%arg12 : memref<!tpu.dma_semaphore, #tpu.memory_space<semaphore_mem>>) src(%dma_wait3A_228 : memref<64x128xf32, #tpu.memory_space<vmem>>) dst(%dma_wait3A_224 : memref<64x128xf32, #tpu.memory_space<vmem_shared>>)
        %add3A_229 = arith.constant 2 : i32
        %add3A_230 = arith.addi %mul3A_85, %add3A_229 : i32
        %add3A_231 = arith.constant 4 : i32
        %add3A_232 = arith.addi %add3A_230, %add3A_231 : i32
        %lt3A_233 = arith.constant 40 : i32
        %lt3A_234 = arith.cmpi slt, %add3A_232, %lt3A_233 : i32
        %convert_element_type3A_235 = arith.extui %lt3A_234 : i1 to i32
        %cond3A_236 = arith.constant 0 : i32
        %cond3A_237 = arith.cmpi ne, %convert_element_type3A_235, %cond3A_236 : i32
        scf.if %cond3A_237 {
          %add3A_290 = arith.constant 2 : i32
          %add3A_291 = arith.addi %mul3A_85, %add3A_290 : i32
          %add3A_292 = arith.constant 4 : i32
          %add3A_293 = arith.addi %add3A_291, %add3A_292 : i32
          %dma_start3A_294 = arith.constant 2 : i32
          %dma_start3A_295 = arith.constant 0 : i32
          %dma_start3A_296 = arith.constant 0 : i32
          %dma_start3A_297 = tpu.memref_slice %arg9[%dma_start3A_294, %dma_start3A_295, %dma_start3A_296] : memref<4x64x128xf32, #tpu.memory_space<vmem>> -> memref<1x64x128xf32, #tpu.memory_space<vmem>>
          %dma_start3A_298 = tpu.memref_squeeze %dma_start3A_297 : memref<1x64x128xf32, #tpu.memory_space<vmem>> -> memref<64x128xf32, #tpu.memory_space<vmem>>
          %dma_start3A_299 = arith.constant 0 : i32
          %dma_start3A_300 = tpu.memref_slice %arg7[%add3A_293, %dma_start3A_299] : memref<40x64xi32, #tpu.memory_space<vmem>> -> memref<1x64xi32, #tpu.memory_space<vmem>>
          %dma_start3A_301 = tpu.memref_squeeze %dma_start3A_300 : memref<1x64xi32, #tpu.memory_space<vmem>> -> memref<64xi32, #tpu.memory_space<vmem>>
          %dma_start3A_302 = arith.constant 0 : i32
          %dma_start3A_303 = arith.constant 0 : i32
          %dma_start3A_304 = tpu.memref_slice %arg2[%dma_start3A_302, %dma_start3A_303] : memref<10240x128xf32, #tpu.memory_space<hbm>> -> memref<10240x128xf32, #tpu.memory_space<hbm>>
          tpu.enqueue_indirect_dma source(%dma_start3A_304 : memref<10240x128xf32, #tpu.memory_space<hbm>>) target(%dma_start3A_298 : memref<64x128xf32, #tpu.memory_space<vmem>>) offsets(%dma_start3A_301 : memref<64xi32, #tpu.memory_space<vmem>>) semaphore(%arg11 : memref<!tpu.dma_semaphore, #tpu.memory_space<semaphore_mem>>)
        } else {
        }
        %dma_wait3A_238 = arith.constant 3 : i32
        %dma_wait3A_239 = arith.constant 0 : i32
        %dma_wait3A_240 = arith.constant 0 : i32
        %dma_wait3A_241 = tpu.memref_slice %arg9[%dma_wait3A_238, %dma_wait3A_239, %dma_wait3A_240] : memref<4x64x128xf32, #tpu.memory_space<vmem>> -> memref<1x64x128xf32, #tpu.memory_space<vmem>>
        %dma_wait3A_242 = tpu.memref_squeeze %dma_wait3A_241 : memref<1x64x128xf32, #tpu.memory_space<vmem>> -> memref<64x128xf32, #tpu.memory_space<vmem>>
        %dma_wait3A_243 = arith.constant 0 : i32
        %dma_wait3A_244 = arith.constant 0 : i32
        %dma_wait3A_245 = tpu.memref_slice %arg2[%dma_wait3A_243, %dma_wait3A_244] : memref<10240x128xf32, #tpu.memory_space<hbm>> -> memref<64x128xf32, #tpu.memory_space<hbm>>
        %dma_wait3A_246 = arith.constant 0 : i32
        %dma_wait3A_247 = arith.constant 0 : i32
        %dma_wait3A_248 = tpu.memref_slice %arg9[%dma_wait3A_238, %dma_wait3A_246, %dma_wait3A_247] : memref<4x64x128xf32, #tpu.memory_space<vmem>> -> memref<1x64x128xf32, #tpu.memory_space<vmem>>
        %dma_wait3A_249 = tpu.memref_squeeze %dma_wait3A_248 : memref<1x64x128xf32, #tpu.memory_space<vmem>> -> memref<64x128xf32, #tpu.memory_space<vmem>>
        %dma_wait3A_250 = arith.constant 0 : i32
        %dma_wait3A_251 = arith.constant 0 : i32
        %dma_wait3A_252 = tpu.memref_slice %arg2[%dma_wait3A_250, %dma_wait3A_251] : memref<10240x128xf32, #tpu.memory_space<hbm>> -> memref<64x128xf32, #tpu.memory_space<hbm>>
        tpu.wait_dma2 semaphore(%arg11 : memref<!tpu.dma_semaphore, #tpu.memory_space<semaphore_mem>>) src(%dma_wait3A_252 : memref<64x128xf32, #tpu.memory_space<hbm>>) dst(%dma_wait3A_249 : memref<64x128xf32, #tpu.memory_space<vmem>>)
        %add3A_253 = arith.constant 3 : i32
        %add3A_254 = arith.addi %mul3A_85, %add3A_253 : i32
        %dma_start3A_255 = arith.constant 3 : i32
        %dma_start3A_256 = arith.constant 0 : i32
        %dma_start3A_257 = arith.constant 0 : i32
        %dma_start3A_258 = tpu.memref_slice %arg9[%dma_start3A_255, %dma_start3A_256, %dma_start3A_257] : memref<4x64x128xf32, #tpu.memory_space<vmem>> -> memref<1x64x128xf32, #tpu.memory_space<vmem>>
        %dma_start3A_259 = tpu.memref_squeeze %dma_start3A_258 : memref<1x64x128xf32, #tpu.memory_space<vmem>> -> memref<64x128xf32, #tpu.memory_space<vmem>>
        %dma_start3A_260 = arith.constant 0 : i32
        %dma_start3A_261 = tpu.memref_slice %arg8[%add3A_254, %dma_start3A_260] : memref<40x64xi32, #tpu.memory_space<vmem>> -> memref<1x64xi32, #tpu.memory_space<vmem>>
        %dma_start3A_262 = tpu.memref_squeeze %dma_start3A_261 : memref<1x64xi32, #tpu.memory_space<vmem>> -> memref<64xi32, #tpu.memory_space<vmem>>
        %dma_start3A_263 = arith.constant 0 : i32
        %dma_start3A_264 = arith.constant 0 : i32
        %dma_start3A_265 = tpu.memref_slice %arg10[%dma_start3A_263, %dma_start3A_264] : memref<10240x128xf32, #tpu.memory_space<vmem_shared>> -> memref<10240x128xf32, #tpu.memory_space<vmem_shared>>
        tpu.enqueue_indirect_dma source(%dma_start3A_259 : memref<64x128xf32, #tpu.memory_space<vmem>>) target(%dma_start3A_265 : memref<10240x128xf32, #tpu.memory_space<vmem_shared>>) offsets(%dma_start3A_262 : memref<64xi32, #tpu.memory_space<vmem>>) semaphore(%arg12 : memref<!tpu.dma_semaphore, #tpu.memory_space<semaphore_mem>>) {add = true}
        %dma_wait3A_266 = arith.constant 3 : i32
        %dma_wait3A_267 = arith.constant 0 : i32
        %dma_wait3A_268 = arith.constant 0 : i32
        %dma_wait3A_269 = tpu.memref_slice %arg9[%dma_wait3A_266, %dma_wait3A_267, %dma_wait3A_268] : memref<4x64x128xf32, #tpu.memory_space<vmem>> -> memref<1x64x128xf32, #tpu.memory_space<vmem>>
        %dma_wait3A_270 = tpu.memref_squeeze %dma_wait3A_269 : memref<1x64x128xf32, #tpu.memory_space<vmem>> -> memref<64x128xf32, #tpu.memory_space<vmem>>
        %dma_wait3A_271 = arith.constant 0 : i32
        %dma_wait3A_272 = arith.constant 0 : i32
        %dma_wait3A_273 = tpu.memref_slice %arg10[%dma_wait3A_271, %dma_wait3A_272] : memref<10240x128xf32, #tpu.memory_space<vmem_shared>> -> memref<64x128xf32, #tpu.memory_space<vmem_shared>>
        %dma_wait3A_274 = arith.constant 0 : i32
        %dma_wait3A_275 = arith.constant 0 : i32
        %dma_wait3A_276 = tpu.memref_slice %arg10[%dma_wait3A_274, %dma_wait3A_275] : memref<10240x128xf32, #tpu.memory_space<vmem_shared>> -> memref<64x128xf32, #tpu.memory_space<vmem_shared>>
        %dma_wait3A_277 = arith.constant 0 : i32
        %dma_wait3A_278 = arith.constant 0 : i32
        %dma_wait3A_279 = tpu.memref_slice %arg9[%dma_wait3A_266, %dma_wait3A_277, %dma_wait3A_278] : memref<4x64x128xf32, #tpu.memory_space<vmem>> -> memref<1x64x128xf32, #tpu.memory_space<vmem>>
        %dma_wait3A_280 = tpu.memref_squeeze %dma_wait3A_279 : memref<1x64x128xf32, #tpu.memory_space<vmem>> -> memref<64x128xf32, #tpu.memory_space<vmem>>
        tpu.wait_dma2 semaphore(%arg12 : memref<!tpu.dma_semaphore, #tpu.memory_space<semaphore_mem>>) src(%dma_wait3A_280 : memref<64x128xf32, #tpu.memory_space<vmem>>) dst(%dma_wait3A_276 : memref<64x128xf32, #tpu.memory_space<vmem_shared>>)
        %add3A_281 = arith.constant 3 : i32
        %add3A_282 = arith.addi %mul3A_85, %add3A_281 : i32
        %add3A_283 = arith.constant 4 : i32
        %add3A_284 = arith.addi %add3A_282, %add3A_283 : i32
        %lt3A_285 = arith.constant 40 : i32
        %lt3A_286 = arith.cmpi slt, %add3A_284, %lt3A_285 : i32
        %convert_element_type3A_287 = arith.extui %lt3A_286 : i1 to i32
        %cond3A_288 = arith.constant 0 : i32
        %cond3A_289 = arith.cmpi ne, %convert_element_type3A_287, %cond3A_288 : i32
        scf.if %cond3A_289 {
          %add3A_290 = arith.constant 3 : i32
          %add3A_291 = arith.addi %mul3A_85, %add3A_290 : i32
          %add3A_292 = arith.constant 4 : i32
          %add3A_293 = arith.addi %add3A_291, %add3A_292 : i32
          %dma_start3A_294 = arith.constant 3 : i32
          %dma_start3A_295 = arith.constant 0 : i32
          %dma_start3A_296 = arith.constant 0 : i32
          %dma_start3A_297 = tpu.memref_slice %arg9[%dma_start3A_294, %dma_start3A_295, %dma_start3A_296] : memref<4x64x128xf32, #tpu.memory_space<vmem>> -> memref<1x64x128xf32, #tpu.memory_space<vmem>>
          %dma_start3A_298 = tpu.memref_squeeze %dma_start3A_297 : memref<1x64x128xf32, #tpu.memory_space<vmem>> -> memref<64x128xf32, #tpu.memory_space<vmem>>
          %dma_start3A_299 = arith.constant 0 : i32
          %dma_start3A_300 = tpu.memref_slice %arg7[%add3A_293, %dma_start3A_299] : memref<40x64xi32, #tpu.memory_space<vmem>> -> memref<1x64xi32, #tpu.memory_space<vmem>>
          %dma_start3A_301 = tpu.memref_squeeze %dma_start3A_300 : memref<1x64xi32, #tpu.memory_space<vmem>> -> memref<64xi32, #tpu.memory_space<vmem>>
          %dma_start3A_302 = arith.constant 0 : i32
          %dma_start3A_303 = arith.constant 0 : i32
          %dma_start3A_304 = tpu.memref_slice %arg2[%dma_start3A_302, %dma_start3A_303] : memref<10240x128xf32, #tpu.memory_space<hbm>> -> memref<10240x128xf32, #tpu.memory_space<hbm>>
          tpu.enqueue_indirect_dma source(%dma_start3A_304 : memref<10240x128xf32, #tpu.memory_space<hbm>>) target(%dma_start3A_298 : memref<64x128xf32, #tpu.memory_space<vmem>>) offsets(%dma_start3A_301 : memref<64xi32, #tpu.memory_space<vmem>>) semaphore(%arg11 : memref<!tpu.dma_semaphore, #tpu.memory_space<semaphore_mem>>)
        } else {
        }
      }
      %scan3A_82 = arith.constant 10 : i32
    }
    %while3A_21 = arith.constant 1 : i32
    scf.for %while3A_27 = %while3A_19 to %while3A_15 step %while3A_21  : i32 {
      %mul3A_28 = arith.constant 40 : i32
      %mul3A_29 = arith.muli %while3A_27, %mul3A_28 : i32
      %add3A_30 = arith.addi %select_n3A_12, %mul3A_29 : i32
      "tpu.region"() ({
        %run_scoped3A = tpu.sem_alloc : memref<!tpu.dma_semaphore, #tpu.memory_space<semaphore_mem>>
        %dma_start3A_83 = arith.constant 0 : i32
        %dma_start3A_84 = tpu.memref_slice %arg3[%add3A_30, %dma_start3A_83] : memref<5120x64xi32, #tpu.memory_space<hbm>> -> memref<40x64xi32, #tpu.memory_space<hbm>>
        %dma_start3A_85 = arith.constant 0 : i32
        %dma_start3A_86 = tpu.memref_slice %arg3[%add3A_30, %dma_start3A_85] : memref<5120x64xi32, #tpu.memory_space<hbm>> -> memref<40x64xi32, #tpu.memory_space<hbm>>
        tpu.enqueue_dma source(%dma_start3A_86 : memref<40x64xi32, #tpu.memory_space<hbm>>) target(%arg7 : memref<40x64xi32, #tpu.memory_space<vmem>>) target_semaphore(%run_scoped3A : memref<!tpu.dma_semaphore, #tpu.memory_space<semaphore_mem>>)
        %dma_wait3A = arith.constant 0 : i32
        %dma_wait3A_87 = tpu.memref_slice %arg3[%add3A_30, %dma_wait3A] : memref<5120x64xi32, #tpu.memory_space<hbm>> -> memref<40x64xi32, #tpu.memory_space<hbm>>
        %dma_wait3A_88 = arith.constant 0 : i32
        %dma_wait3A_89 = tpu.memref_slice %arg3[%add3A_30, %dma_wait3A_88] : memref<5120x64xi32, #tpu.memory_space<hbm>> -> memref<40x64xi32, #tpu.memory_space<hbm>>
        tpu.wait_dma2 semaphore(%run_scoped3A : memref<!tpu.dma_semaphore, #tpu.memory_space<semaphore_mem>>) src(%dma_wait3A_89 : memref<40x64xi32, #tpu.memory_space<hbm>>) dst(%arg7 : memref<40x64xi32, #tpu.memory_space<vmem>>)
        tpu.yield
      }) : () -> ()
      "tpu.region"() ({
        %run_scoped3A = tpu.sem_alloc : memref<!tpu.dma_semaphore, #tpu.memory_space<semaphore_mem>>
        %dma_start3A_83 = arith.constant 0 : i32
        %dma_start3A_84 = tpu.memref_slice %arg4[%add3A_30, %dma_start3A_83] : memref<5120x64xi32, #tpu.memory_space<hbm>> -> memref<40x64xi32, #tpu.memory_space<hbm>>
        %dma_start3A_85 = arith.constant 0 : i32
        %dma_start3A_86 = tpu.memref_slice %arg4[%add3A_30, %dma_start3A_85] : memref<5120x64xi32, #tpu.memory_space<hbm>> -> memref<40x64xi32, #tpu.memory_space<hbm>>
        tpu.enqueue_dma source(%dma_start3A_86 : memref<40x64xi32, #tpu.memory_space<hbm>>) target(%arg8 : memref<40x64xi32, #tpu.memory_space<vmem>>) target_semaphore(%run_scoped3A : memref<!tpu.dma_semaphore, #tpu.memory_space<semaphore_mem>>)
        %dma_wait3A = arith.constant 0 : i32
        %dma_wait3A_87 = tpu.memref_slice %arg4[%add3A_30, %dma_wait3A] : memref<5120x64xi32, #tpu.memory_space<hbm>> -> memref<40x64xi32, #tpu.memory_space<hbm>>
        %dma_wait3A_88 = arith.constant 0 : i32
        %dma_wait3A_89 = tpu.memref_slice %arg4[%add3A_30, %dma_wait3A_88] : memref<5120x64xi32, #tpu.memory_space<hbm>> -> memref<40x64xi32, #tpu.memory_space<hbm>>
        tpu.wait_dma2 semaphore(%run_scoped3A : memref<!tpu.dma_semaphore, #tpu.memory_space<semaphore_mem>>) src(%dma_wait3A_89 : memref<40x64xi32, #tpu.memory_space<hbm>>) dst(%arg8 : memref<40x64xi32, #tpu.memory_space<vmem>>)
        tpu.yield
      }) : () -> ()
      %dma_start3A = arith.constant 0 : i32
      %dma_start3A_31 = arith.constant 0 : i32
      %dma_start3A_32 = arith.constant 0 : i32
      %dma_start3A_33 = arith.constant 0 : i32
      %dma_start3A_34 = tpu.memref_slice %arg9[%dma_start3A_31, %dma_start3A_32, %dma_start3A_33] : memref<4x64x128xf32, #tpu.memory_space<vmem>> -> memref<1x64x128xf32, #tpu.memory_space<vmem>>
      %dma_start3A_35 = tpu.memref_squeeze %dma_start3A_34 : memref<1x64x128xf32, #tpu.memory_space<vmem>> -> memref<64x128xf32, #tpu.memory_space<vmem>>
      %dma_start3A_36 = arith.constant 0 : i32
      %dma_start3A_37 = tpu.memref_slice %arg7[%dma_start3A, %dma_start3A_36] : memref<40x64xi32, #tpu.memory_space<vmem>> -> memref<1x64xi32, #tpu.memory_space<vmem>>
      %dma_start3A_38 = tpu.memref_squeeze %dma_start3A_37 : memref<1x64xi32, #tpu.memory_space<vmem>> -> memref<64xi32, #tpu.memory_space<vmem>>
      %dma_start3A_39 = arith.constant 0 : i32
      %dma_start3A_40 = arith.constant 0 : i32
      %dma_start3A_41 = tpu.memref_slice %arg2[%dma_start3A_39, %dma_start3A_40] : memref<10240x128xf32, #tpu.memory_space<hbm>> -> memref<10240x128xf32, #tpu.memory_space<hbm>>
      tpu.enqueue_indirect_dma source(%dma_start3A_41 : memref<10240x128xf32, #tpu.memory_space<hbm>>) target(%dma_start3A_35 : memref<64x128xf32, #tpu.memory_space<vmem>>) offsets(%dma_start3A_38 : memref<64xi32, #tpu.memory_space<vmem>>) semaphore(%arg11 : memref<!tpu.dma_semaphore, #tpu.memory_space<semaphore_mem>>)
      %dma_start3A_42 = arith.constant 1 : i32
      %dma_start3A_43 = arith.constant 1 : i32
      %dma_start3A_44 = arith.constant 0 : i32
      %dma_start3A_45 = arith.constant 0 : i32
      %dma_start3A_46 = tpu.memref_slice %arg9[%dma_start3A_43, %dma_start3A_44, %dma_start3A_45] : memref<4x64x128xf32, #tpu.memory_space<vmem>> -> memref<1x64x128xf32, #tpu.memory_space<vmem>>
      %dma_start3A_47 = tpu.memref_squeeze %dma_start3A_46 : memref<1x64x128xf32, #tpu.memory_space<vmem>> -> memref<64x128xf32, #tpu.memory_space<vmem>>
      %dma_start3A_48 = arith.constant 0 : i32
      %dma_start3A_49 = tpu.memref_slice %arg7[%dma_start3A_42, %dma_start3A_48] : memref<40x64xi32, #tpu.memory_space<vmem>> -> memref<1x64xi32, #tpu.memory_space<vmem>>
      %dma_start3A_50 = tpu.memref_squeeze %dma_start3A_49 : memref<1x64xi32, #tpu.memory_space<vmem>> -> memref<64xi32, #tpu.memory_space<vmem>>
      %dma_start3A_51 = arith.constant 0 : i32
      %dma_start3A_52 = arith.constant 0 : i32
      %dma_start3A_53 = tpu.memref_slice %arg2[%dma_start3A_51, %dma_start3A_52] : memref<10240x128xf32, #tpu.memory_space<hbm>> -> memref<10240x128xf32, #tpu.memory_space<hbm>>
      tpu.enqueue_indirect_dma source(%dma_start3A_53 : memref<10240x128xf32, #tpu.memory_space<hbm>>) target(%dma_start3A_47 : memref<64x128xf32, #tpu.memory_space<vmem>>) offsets(%dma_start3A_50 : memref<64xi32, #tpu.memory_space<vmem>>) semaphore(%arg11 : memref<!tpu.dma_semaphore, #tpu.memory_space<semaphore_mem>>)
      %dma_start3A_54 = arith.constant 2 : i32
      %dma_start3A_55 = arith.constant 2 : i32
      %dma_start3A_56 = arith.constant 0 : i32
      %dma_start3A_57 = arith.constant 0 : i32
      %dma_start3A_58 = tpu.memref_slice %arg9[%dma_start3A_55, %dma_start3A_56, %dma_start3A_57] : memref<4x64x128xf32, #tpu.memory_space<vmem>> -> memref<1x64x128xf32, #tpu.memory_space<vmem>>
      %dma_start3A_59 = tpu.memref_squeeze %dma_start3A_58 : memref<1x64x128xf32, #tpu.memory_space<vmem>> -> memref<64x128xf32, #tpu.memory_space<vmem>>
      %dma_start3A_60 = arith.constant 0 : i32
      %dma_start3A_61 = tpu.memref_slice %arg7[%dma_start3A_54, %dma_start3A_60] : memref<40x64xi32, #tpu.memory_space<vmem>> -> memref<1x64xi32, #tpu.memory_space<vmem>>
      %dma_start3A_62 = tpu.memref_squeeze %dma_start3A_61 : memref<1x64xi32, #tpu.memory_space<vmem>> -> memref<64xi32, #tpu.memory_space<vmem>>
      %dma_start3A_63 = arith.constant 0 : i32
      %dma_start3A_64 = arith.constant 0 : i32
      %dma_start3A_65 = tpu.memref_slice %arg2[%dma_start3A_63, %dma_start3A_64] : memref<10240x128xf32, #tpu.memory_space<hbm>> -> memref<10240x128xf32, #tpu.memory_space<hbm>>
      tpu.enqueue_indirect_dma source(%dma_start3A_65 : memref<10240x128xf32, #tpu.memory_space<hbm>>) target(%dma_start3A_59 : memref<64x128xf32, #tpu.memory_space<vmem>>) offsets(%dma_start3A_62 : memref<64xi32, #tpu.memory_space<vmem>>) semaphore(%arg11 : memref<!tpu.dma_semaphore, #tpu.memory_space<semaphore_mem>>)
      %dma_start3A_66 = arith.constant 3 : i32
      %dma_start3A_67 = arith.constant 3 : i32
      %dma_start3A_68 = arith.constant 0 : i32
      %dma_start3A_69 = arith.constant 0 : i32
      %dma_start3A_70 = tpu.memref_slice %arg9[%dma_start3A_67, %dma_start3A_68, %dma_start3A_69] : memref<4x64x128xf32, #tpu.memory_space<vmem>> -> memref<1x64x128xf32, #tpu.memory_space<vmem>>
      %dma_start3A_71 = tpu.memref_squeeze %dma_start3A_70 : memref<1x64x128xf32, #tpu.memory_space<vmem>> -> memref<64x128xf32, #tpu.memory_space<vmem>>
      %dma_start3A_72 = arith.constant 0 : i32
      %dma_start3A_73 = tpu.memref_slice %arg7[%dma_start3A_66, %dma_start3A_72] : memref<40x64xi32, #tpu.memory_space<vmem>> -> memref<1x64xi32, #tpu.memory_space<vmem>>
      %dma_start3A_74 = tpu.memref_squeeze %dma_start3A_73 : memref<1x64xi32, #tpu.memory_space<vmem>> -> memref<64xi32, #tpu.memory_space<vmem>>
      %dma_start3A_75 = arith.constant 0 : i32
      %dma_start3A_76 = arith.constant 0 : i32
      %dma_start3A_77 = tpu.memref_slice %arg2[%dma_start3A_75, %dma_start3A_76] : memref<10240x128xf32, #tpu.memory_space<hbm>> -> memref<10240x128xf32, #tpu.memory_space<hbm>>
      tpu.enqueue_indirect_dma source(%dma_start3A_77 : memref<10240x128xf32, #tpu.memory_space<hbm>>) target(%dma_start3A_71 : memref<64x128xf32, #tpu.memory_space<vmem>>) offsets(%dma_start3A_74 : memref<64xi32, #tpu.memory_space<vmem>>) semaphore(%arg11 : memref<!tpu.dma_semaphore, #tpu.memory_space<semaphore_mem>>)
      %scan3A = arith.constant 0 : i32
      %scan3A_78 = arith.constant 0 : i32
      %scan3A_79 = arith.constant 10 : i32
      %scan3A_80 = arith.addi %scan3A_78, %scan3A_79 : i32
      %scan3A_81 = arith.constant 1 : i32
      scf.for %scan3A_83 = %scan3A_78 to %scan3A_80 step %scan3A_81  : i32 {
        %mul3A_84 = arith.constant 4 : i32
        %mul3A_85 = arith.muli %scan3A_83, %mul3A_84 : i32
        %dma_wait3A = arith.constant 0 : i32
        %dma_wait3A_86 = arith.constant 0 : i32
        %dma_wait3A_87 = arith.constant 0 : i32
        %dma_wait3A_88 = tpu.memref_slice %arg9[%dma_wait3A, %dma_wait3A_86, %dma_wait3A_87] : memref<4x64x128xf32, #tpu.memory_space<vmem>> -> memref<1x64x128xf32, #tpu.memory_space<vmem>>
        %dma_wait3A_89 = tpu.memref_squeeze %dma_wait3A_88 : memref<1x64x128xf32, #tpu.memory_space<vmem>> -> memref<64x128xf32, #tpu.memory_space<vmem>>
        %dma_wait3A_90 = arith.constant 0 : i32
        %dma_wait3A_91 = arith.constant 0 : i32
        %dma_wait3A_92 = tpu.memref_slice %arg2[%dma_wait3A_90, %dma_wait3A_91] : memref<10240x128xf32, #tpu.memory_space<hbm>> -> memref<64x128xf32, #tpu.memory_space<hbm>>
        %dma_wait3A_93 = arith.constant 0 : i32
        %dma_wait3A_94 = arith.constant 0 : i32
        %dma_wait3A_95 = tpu.memref_slice %arg9[%dma_wait3A, %dma_wait3A_93, %dma_wait3A_94] : memref<4x64x128xf32, #tpu.memory_space<vmem>> -> memref<1x64x128xf32, #tpu.memory_space<vmem>>
        %dma_wait3A_96 = tpu.memref_squeeze %dma_wait3A_95 : memref<1x64x128xf32, #tpu.memory_space<vmem>> -> memref<64x128xf32, #tpu.memory_space<vmem>>
        %dma_wait3A_97 = arith.constant 0 : i32
        %dma_wait3A_98 = arith.constant 0 : i32
        %dma_wait3A_99 = tpu.memref_slice %arg2[%dma_wait3A_97, %dma_wait3A_98] : memref<10240x128xf32, #tpu.memory_space<hbm>> -> memref<64x128xf32, #tpu.memory_space<hbm>>
        tpu.wait_dma2 semaphore(%arg11 : memref<!tpu.dma_semaphore, #tpu.memory_space<semaphore_mem>>) src(%dma_wait3A_99 : memref<64x128xf32, #tpu.memory_space<hbm>>) dst(%dma_wait3A_96 : memref<64x128xf32, #tpu.memory_space<vmem>>)
        %add3A_100 = arith.constant 0 : i32
        %add3A_101 = arith.addi %mul3A_85, %add3A_100 : i32
        %dma_start3A_102 = arith.constant 0 : i32
        %dma_start3A_103 = arith.constant 0 : i32
        %dma_start3A_104 = arith.constant 0 : i32
        %dma_start3A_105 = tpu.memref_slice %arg9[%dma_start3A_102, %dma_start3A_103, %dma_start3A_104] : memref<4x64x128xf32, #tpu.memory_space<vmem>> -> memref<1x64x128xf32, #tpu.memory_space<vmem>>
        %dma_start3A_106 = tpu.memref_squeeze %dma_start3A_105 : memref<1x64x128xf32, #tpu.memory_space<vmem>> -> memref<64x128xf32, #tpu.memory_space<vmem>>
        %dma_start3A_107 = arith.constant 0 : i32
        %dma_start3A_108 = tpu.memref_slice %arg8[%add3A_101, %dma_start3A_107] : memref<40x64xi32, #tpu.memory_space<vmem>> -> memref<1x64xi32, #tpu.memory_space<vmem>>
        %dma_start3A_109 = tpu.memref_squeeze %dma_start3A_108 : memref<1x64xi32, #tpu.memory_space<vmem>> -> memref<64xi32, #tpu.memory_space<vmem>>
        %dma_start3A_110 = arith.constant 0 : i32
        %dma_start3A_111 = arith.constant 0 : i32
        %dma_start3A_112 = tpu.memref_slice %arg10[%dma_start3A_110, %dma_start3A_111] : memref<10240x128xf32, #tpu.memory_space<vmem_shared>> -> memref<10240x128xf32, #tpu.memory_space<vmem_shared>>
        tpu.enqueue_indirect_dma source(%dma_start3A_106 : memref<64x128xf32, #tpu.memory_space<vmem>>) target(%dma_start3A_112 : memref<10240x128xf32, #tpu.memory_space<vmem_shared>>) offsets(%dma_start3A_109 : memref<64xi32, #tpu.memory_space<vmem>>) semaphore(%arg12 : memref<!tpu.dma_semaphore, #tpu.memory_space<semaphore_mem>>) {add = true}
        %dma_wait3A_113 = arith.constant 0 : i32
        %dma_wait3A_114 = arith.constant 0 : i32
        %dma_wait3A_115 = arith.constant 0 : i32
        %dma_wait3A_116 = tpu.memref_slice %arg9[%dma_wait3A_113, %dma_wait3A_114, %dma_wait3A_115] : memref<4x64x128xf32, #tpu.memory_space<vmem>> -> memref<1x64x128xf32, #tpu.memory_space<vmem>>
        %dma_wait3A_117 = tpu.memref_squeeze %dma_wait3A_116 : memref<1x64x128xf32, #tpu.memory_space<vmem>> -> memref<64x128xf32, #tpu.memory_space<vmem>>
        %dma_wait3A_118 = arith.constant 0 : i32
        %dma_wait3A_119 = arith.constant 0 : i32
        %dma_wait3A_120 = tpu.memref_slice %arg10[%dma_wait3A_118, %dma_wait3A_119] : memref<10240x128xf32, #tpu.memory_space<vmem_shared>> -> memref<64x128xf32, #tpu.memory_space<vmem_shared>>
        %dma_wait3A_121 = arith.constant 0 : i32
        %dma_wait3A_122 = arith.constant 0 : i32
        %dma_wait3A_123 = tpu.memref_slice %arg10[%dma_wait3A_121, %dma_wait3A_122] : memref<10240x128xf32, #tpu.memory_space<vmem_shared>> -> memref<64x128xf32, #tpu.memory_space<vmem_shared>>
        %dma_wait3A_124 = arith.constant 0 : i32
        %dma_wait3A_125 = arith.constant 0 : i32
        %dma_wait3A_126 = tpu.memref_slice %arg9[%dma_wait3A_113, %dma_wait3A_124, %dma_wait3A_125] : memref<4x64x128xf32, #tpu.memory_space<vmem>> -> memref<1x64x128xf32, #tpu.memory_space<vmem>>
        %dma_wait3A_127 = tpu.memref_squeeze %dma_wait3A_126 : memref<1x64x128xf32, #tpu.memory_space<vmem>> -> memref<64x128xf32, #tpu.memory_space<vmem>>
        tpu.wait_dma2 semaphore(%arg12 : memref<!tpu.dma_semaphore, #tpu.memory_space<semaphore_mem>>) src(%dma_wait3A_127 : memref<64x128xf32, #tpu.memory_space<vmem>>) dst(%dma_wait3A_123 : memref<64x128xf32, #tpu.memory_space<vmem_shared>>)
        %add3A_128 = arith.constant 0 : i32
        %add3A_129 = arith.addi %mul3A_85, %add3A_128 : i32
        %add3A_130 = arith.constant 4 : i32
        %add3A_131 = arith.addi %add3A_129, %add3A_130 : i32
        %lt3A = arith.constant 40 : i32
        %lt3A_132 = arith.cmpi slt, %add3A_131, %lt3A : i32
        %convert_element_type3A = arith.extui %lt3A_132 : i1 to i32
        %cond3A = arith.constant 0 : i32
        %cond3A_133 = arith.cmpi ne, %convert_element_type3A, %cond3A : i32
        scf.if %cond3A_133 {
          %add3A_290 = arith.constant 0 : i32
          %add3A_291 = arith.addi %mul3A_85, %add3A_290 : i32
          %add3A_292 = arith.constant 4 : i32
          %add3A_293 = arith.addi %add3A_291, %add3A_292 : i32
          %dma_start3A_294 = arith.constant 0 : i32
          %dma_start3A_295 = arith.constant 0 : i32
          %dma_start3A_296 = arith.constant 0 : i32
          %dma_start3A_297 = tpu.memref_slice %arg9[%dma_start3A_294, %dma_start3A_295, %dma_start3A_296] : memref<4x64x128xf32, #tpu.memory_space<vmem>> -> memref<1x64x128xf32, #tpu.memory_space<vmem>>
          %dma_start3A_298 = tpu.memref_squeeze %dma_start3A_297 : memref<1x64x128xf32, #tpu.memory_space<vmem>> -> memref<64x128xf32, #tpu.memory_space<vmem>>
          %dma_start3A_299 = arith.constant 0 : i32
          %dma_start3A_300 = tpu.memref_slice %arg7[%add3A_293, %dma_start3A_299] : memref<40x64xi32, #tpu.memory_space<vmem>> -> memref<1x64xi32, #tpu.memory_space<vmem>>
          %dma_start3A_301 = tpu.memref_squeeze %dma_start3A_300 : memref<1x64xi32, #tpu.memory_space<vmem>> -> memref<64xi32, #tpu.memory_space<vmem>>
          %dma_start3A_302 = arith.constant 0 : i32
          %dma_start3A_303 = arith.constant 0 : i32
          %dma_start3A_304 = tpu.memref_slice %arg2[%dma_start3A_302, %dma_start3A_303] : memref<10240x128xf32, #tpu.memory_space<hbm>> -> memref<10240x128xf32, #tpu.memory_space<hbm>>
          tpu.enqueue_indirect_dma source(%dma_start3A_304 : memref<10240x128xf32, #tpu.memory_space<hbm>>) target(%dma_start3A_298 : memref<64x128xf32, #tpu.memory_space<vmem>>) offsets(%dma_start3A_301 : memref<64xi32, #tpu.memory_space<vmem>>) semaphore(%arg11 : memref<!tpu.dma_semaphore, #tpu.memory_space<semaphore_mem>>)
        } else {
        }
        %dma_wait3A_134 = arith.constant 1 : i32
        %dma_wait3A_135 = arith.constant 0 : i32
        %dma_wait3A_136 = arith.constant 0 : i32
        %dma_wait3A_137 = tpu.memref_slice %arg9[%dma_wait3A_134, %dma_wait3A_135, %dma_wait3A_136] : memref<4x64x128xf32, #tpu.memory_space<vmem>> -> memref<1x64x128xf32, #tpu.memory_space<vmem>>
        %dma_wait3A_138 = tpu.memref_squeeze %dma_wait3A_137 : memref<1x64x128xf32, #tpu.memory_space<vmem>> -> memref<64x128xf32, #tpu.memory_space<vmem>>
        %dma_wait3A_139 = arith.constant 0 : i32
        %dma_wait3A_140 = arith.constant 0 : i32
        %dma_wait3A_141 = tpu.memref_slice %arg2[%dma_wait3A_139, %dma_wait3A_140] : memref<10240x128xf32, #tpu.memory_space<hbm>> -> memref<64x128xf32, #tpu.memory_space<hbm>>
        %dma_wait3A_142 = arith.constant 0 : i32
        %dma_wait3A_143 = arith.constant 0 : i32
        %dma_wait3A_144 = tpu.memref_slice %arg9[%dma_wait3A_134, %dma_wait3A_142, %dma_wait3A_143] : memref<4x64x128xf32, #tpu.memory_space<vmem>> -> memref<1x64x128xf32, #tpu.memory_space<vmem>>
        %dma_wait3A_145 = tpu.memref_squeeze %dma_wait3A_144 : memref<1x64x128xf32, #tpu.memory_space<vmem>> -> memref<64x128xf32, #tpu.memory_space<vmem>>
        %dma_wait3A_146 = arith.constant 0 : i32
        %dma_wait3A_147 = arith.constant 0 : i32
        %dma_wait3A_148 = tpu.memref_slice %arg2[%dma_wait3A_146, %dma_wait3A_147] : memref<10240x128xf32, #tpu.memory_space<hbm>> -> memref<64x128xf32, #tpu.memory_space<hbm>>
        tpu.wait_dma2 semaphore(%arg11 : memref<!tpu.dma_semaphore, #tpu.memory_space<semaphore_mem>>) src(%dma_wait3A_148 : memref<64x128xf32, #tpu.memory_space<hbm>>) dst(%dma_wait3A_145 : memref<64x128xf32, #tpu.memory_space<vmem>>)
        %add3A_149 = arith.constant 1 : i32
        %add3A_150 = arith.addi %mul3A_85, %add3A_149 : i32
        %dma_start3A_151 = arith.constant 1 : i32
        %dma_start3A_152 = arith.constant 0 : i32
        %dma_start3A_153 = arith.constant 0 : i32
        %dma_start3A_154 = tpu.memref_slice %arg9[%dma_start3A_151, %dma_start3A_152, %dma_start3A_153] : memref<4x64x128xf32, #tpu.memory_space<vmem>> -> memref<1x64x128xf32, #tpu.memory_space<vmem>>
        %dma_start3A_155 = tpu.memref_squeeze %dma_start3A_154 : memref<1x64x128xf32, #tpu.memory_space<vmem>> -> memref<64x128xf32, #tpu.memory_space<vmem>>
        %dma_start3A_156 = arith.constant 0 : i32
        %dma_start3A_157 = tpu.memref_slice %arg8[%add3A_150, %dma_start3A_156] : memref<40x64xi32, #tpu.memory_space<vmem>> -> memref<1x64xi32, #tpu.memory_space<vmem>>
        %dma_start3A_158 = tpu.memref_squeeze %dma_start3A_157 : memref<1x64xi32, #tpu.memory_space<vmem>> -> memref<64xi32, #tpu.memory_space<vmem>>
        %dma_start3A_159 = arith.constant 0 : i32
        %dma_start3A_160 = arith.constant 0 : i32
        %dma_start3A_161 = tpu.memref_slice %arg10[%dma_start3A_159, %dma_start3A_160] : memref<10240x128xf32, #tpu.memory_space<vmem_shared>> -> memref<10240x128xf32, #tpu.memory_space<vmem_shared>>
        tpu.enqueue_indirect_dma source(%dma_start3A_155 : memref<64x128xf32, #tpu.memory_space<vmem>>) target(%dma_start3A_161 : memref<10240x128xf32, #tpu.memory_space<vmem_shared>>) offsets(%dma_start3A_158 : memref<64xi32, #tpu.memory_space<vmem>>) semaphore(%arg12 : memref<!tpu.dma_semaphore, #tpu.memory_space<semaphore_mem>>) {add = true}
        %dma_wait3A_162 = arith.constant 1 : i32
        %dma_wait3A_163 = arith.constant 0 : i32
        %dma_wait3A_164 = arith.constant 0 : i32
        %dma_wait3A_165 = tpu.memref_slice %arg9[%dma_wait3A_162, %dma_wait3A_163, %dma_wait3A_164] : memref<4x64x128xf32, #tpu.memory_space<vmem>> -> memref<1x64x128xf32, #tpu.memory_space<vmem>>
        %dma_wait3A_166 = tpu.memref_squeeze %dma_wait3A_165 : memref<1x64x128xf32, #tpu.memory_space<vmem>> -> memref<64x128xf32, #tpu.memory_space<vmem>>
        %dma_wait3A_167 = arith.constant 0 : i32
        %dma_wait3A_168 = arith.constant 0 : i32
        %dma_wait3A_169 = tpu.memref_slice %arg10[%dma_wait3A_167, %dma_wait3A_168] : memref<10240x128xf32, #tpu.memory_space<vmem_shared>> -> memref<64x128xf32, #tpu.memory_space<vmem_shared>>
        %dma_wait3A_170 = arith.constant 0 : i32
        %dma_wait3A_171 = arith.constant 0 : i32
        %dma_wait3A_172 = tpu.memref_slice %arg10[%dma_wait3A_170, %dma_wait3A_171] : memref<10240x128xf32, #tpu.memory_space<vmem_shared>> -> memref<64x128xf32, #tpu.memory_space<vmem_shared>>
        %dma_wait3A_173 = arith.constant 0 : i32
        %dma_wait3A_174 = arith.constant 0 : i32
        %dma_wait3A_175 = tpu.memref_slice %arg9[%dma_wait3A_162, %dma_wait3A_173, %dma_wait3A_174] : memref<4x64x128xf32, #tpu.memory_space<vmem>> -> memref<1x64x128xf32, #tpu.memory_space<vmem>>
        %dma_wait3A_176 = tpu.memref_squeeze %dma_wait3A_175 : memref<1x64x128xf32, #tpu.memory_space<vmem>> -> memref<64x128xf32, #tpu.memory_space<vmem>>
        tpu.wait_dma2 semaphore(%arg12 : memref<!tpu.dma_semaphore, #tpu.memory_space<semaphore_mem>>) src(%dma_wait3A_176 : memref<64x128xf32, #tpu.memory_space<vmem>>) dst(%dma_wait3A_172 : memref<64x128xf32, #tpu.memory_space<vmem_shared>>)
        %add3A_177 = arith.constant 1 : i32
        %add3A_178 = arith.addi %mul3A_85, %add3A_177 : i32
        %add3A_179 = arith.constant 4 : i32
        %add3A_180 = arith.addi %add3A_178, %add3A_179 : i32
        %lt3A_181 = arith.constant 40 : i32
        %lt3A_182 = arith.cmpi slt, %add3A_180, %lt3A_181 : i32
        %convert_element_type3A_183 = arith.extui %lt3A_182 : i1 to i32
        %cond3A_184 = arith.constant 0 : i32
        %cond3A_185 = arith.cmpi ne, %convert_element_type3A_183, %cond3A_184 : i32
        scf.if %cond3A_185 {
          %add3A_290 = arith.constant 1 : i32
          %add3A_291 = arith.addi %mul3A_85, %add3A_290 : i32
          %add3A_292 = arith.constant 4 : i32
          %add3A_293 = arith.addi %add3A_291, %add3A_292 : i32
          %dma_start3A_294 = arith.constant 1 : i32
          %dma_start3A_295 = arith.constant 0 : i32
          %dma_start3A_296 = arith.constant 0 : i32
          %dma_start3A_297 = tpu.memref_slice %arg9[%dma_start3A_294, %dma_start3A_295, %dma_start3A_296] : memref<4x64x128xf32, #tpu.memory_space<vmem>> -> memref<1x64x128xf32, #tpu.memory_space<vmem>>
          %dma_start3A_298 = tpu.memref_squeeze %dma_start3A_297 : memref<1x64x128xf32, #tpu.memory_space<vmem>> -> memref<64x128xf32, #tpu.memory_space<vmem>>
          %dma_start3A_299 = arith.constant 0 : i32
          %dma_start3A_300 = tpu.memref_slice %arg7[%add3A_293, %dma_start3A_299] : memref<40x64xi32, #tpu.memory_space<vmem>> -> memref<1x64xi32, #tpu.memory_space<vmem>>
          %dma_start3A_301 = tpu.memref_squeeze %dma_start3A_300 : memref<1x64xi32, #tpu.memory_space<vmem>> -> memref<64xi32, #tpu.memory_space<vmem>>
          %dma_start3A_302 = arith.constant 0 : i32
          %dma_start3A_303 = arith.constant 0 : i32
          %dma_start3A_304 = tpu.memref_slice %arg2[%dma_start3A_302, %dma_start3A_303] : memref<10240x128xf32, #tpu.memory_space<hbm>> -> memref<10240x128xf32, #tpu.memory_space<hbm>>
          tpu.enqueue_indirect_dma source(%dma_start3A_304 : memref<10240x128xf32, #tpu.memory_space<hbm>>) target(%dma_start3A_298 : memref<64x128xf32, #tpu.memory_space<vmem>>) offsets(%dma_start3A_301 : memref<64xi32, #tpu.memory_space<vmem>>) semaphore(%arg11 : memref<!tpu.dma_semaphore, #tpu.memory_space<semaphore_mem>>)
        } else {
        }
        %dma_wait3A_186 = arith.constant 2 : i32
        %dma_wait3A_187 = arith.constant 0 : i32
        %dma_wait3A_188 = arith.constant 0 : i32
        %dma_wait3A_189 = tpu.memref_slice %arg9[%dma_wait3A_186, %dma_wait3A_187, %dma_wait3A_188] : memref<4x64x128xf32, #tpu.memory_space<vmem>> -> memref<1x64x128xf32, #tpu.memory_space<vmem>>
        %dma_wait3A_190 = tpu.memref_squeeze %dma_wait3A_189 : memref<1x64x128xf32, #tpu.memory_space<vmem>> -> memref<64x128xf32, #tpu.memory_space<vmem>>
        %dma_wait3A_191 = arith.constant 0 : i32
        %dma_wait3A_192 = arith.constant 0 : i32
        %dma_wait3A_193 = tpu.memref_slice %arg2[%dma_wait3A_191, %dma_wait3A_192] : memref<10240x128xf32, #tpu.memory_space<hbm>> -> memref<64x128xf32, #tpu.memory_space<hbm>>
        %dma_wait3A_194 = arith.constant 0 : i32
        %dma_wait3A_195 = arith.constant 0 : i32
        %dma_wait3A_196 = tpu.memref_slice %arg9[%dma_wait3A_186, %dma_wait3A_194, %dma_wait3A_195] : memref<4x64x128xf32, #tpu.memory_space<vmem>> -> memref<1x64x128xf32, #tpu.memory_space<vmem>>
        %dma_wait3A_197 = tpu.memref_squeeze %dma_wait3A_196 : memref<1x64x128xf32, #tpu.memory_space<vmem>> -> memref<64x128xf32, #tpu.memory_space<vmem>>
        %dma_wait3A_198 = arith.constant 0 : i32
        %dma_wait3A_199 = arith.constant 0 : i32
        %dma_wait3A_200 = tpu.memref_slice %arg2[%dma_wait3A_198, %dma_wait3A_199] : memref<10240x128xf32, #tpu.memory_space<hbm>> -> memref<64x128xf32, #tpu.memory_space<hbm>>
        tpu.wait_dma2 semaphore(%arg11 : memref<!tpu.dma_semaphore, #tpu.memory_space<semaphore_mem>>) src(%dma_wait3A_200 : memref<64x128xf32, #tpu.memory_space<hbm>>) dst(%dma_wait3A_197 : memref<64x128xf32, #tpu.memory_space<vmem>>)
        %add3A_201 = arith.constant 2 : i32
        %add3A_202 = arith.addi %mul3A_85, %add3A_201 : i32
        %dma_start3A_203 = arith.constant 2 : i32
        %dma_start3A_204 = arith.constant 0 : i32
        %dma_start3A_205 = arith.constant 0 : i32
        %dma_start3A_206 = tpu.memref_slice %arg9[%dma_start3A_203, %dma_start3A_204, %dma_start3A_205] : memref<4x64x128xf32, #tpu.memory_space<vmem>> -> memref<1x64x128xf32, #tpu.memory_space<vmem>>
        %dma_start3A_207 = tpu.memref_squeeze %dma_start3A_206 : memref<1x64x128xf32, #tpu.memory_space<vmem>> -> memref<64x128xf32, #tpu.memory_space<vmem>>
        %dma_start3A_208 = arith.constant 0 : i32
        %dma_start3A_209 = tpu.memref_slice %arg8[%add3A_202, %dma_start3A_208] : memref<40x64xi32, #tpu.memory_space<vmem>> -> memref<1x64xi32, #tpu.memory_space<vmem>>
        %dma_start3A_210 = tpu.memref_squeeze %dma_start3A_209 : memref<1x64xi32, #tpu.memory_space<vmem>> -> memref<64xi32, #tpu.memory_space<vmem>>
        %dma_start3A_211 = arith.constant 0 : i32
        %dma_start3A_212 = arith.constant 0 : i32
        %dma_start3A_213 = tpu.memref_slice %arg10[%dma_start3A_211, %dma_start3A_212] : memref<10240x128xf32, #tpu.memory_space<vmem_shared>> -> memref<10240x128xf32, #tpu.memory_space<vmem_shared>>
        tpu.enqueue_indirect_dma source(%dma_start3A_207 : memref<64x128xf32, #tpu.memory_space<vmem>>) target(%dma_start3A_213 : memref<10240x128xf32, #tpu.memory_space<vmem_shared>>) offsets(%dma_start3A_210 : memref<64xi32, #tpu.memory_space<vmem>>) semaphore(%arg12 : memref<!tpu.dma_semaphore, #tpu.memory_space<semaphore_mem>>) {add = true}
        %dma_wait3A_214 = arith.constant 2 : i32
        %dma_wait3A_215 = arith.constant 0 : i32
        %dma_wait3A_216 = arith.constant 0 : i32
        %dma_wait3A_217 = tpu.memref_slice %arg9[%dma_wait3A_214, %dma_wait3A_215, %dma_wait3A_216] : memref<4x64x128xf32, #tpu.memory_space<vmem>> -> memref<1x64x128xf32, #tpu.memory_space<vmem>>
        %dma_wait3A_218 = tpu.memref_squeeze %dma_wait3A_217 : memref<1x64x128xf32, #tpu.memory_space<vmem>> -> memref<64x128xf32, #tpu.memory_space<vmem>>
        %dma_wait3A_219 = arith.constant 0 : i32
        %dma_wait3A_220 = arith.constant 0 : i32
        %dma_wait3A_221 = tpu.memref_slice %arg10[%dma_wait3A_219, %dma_wait3A_220] : memref<10240x128xf32, #tpu.memory_space<vmem_shared>> -> memref<64x128xf32, #tpu.memory_space<vmem_shared>>
        %dma_wait3A_222 = arith.constant 0 : i32
        %dma_wait3A_223 = arith.constant 0 : i32
        %dma_wait3A_224 = tpu.memref_slice %arg10[%dma_wait3A_222, %dma_wait3A_223] : memref<10240x128xf32, #tpu.memory_space<vmem_shared>> -> memref<64x128xf32, #tpu.memory_space<vmem_shared>>
        %dma_wait3A_225 = arith.constant 0 : i32
        %dma_wait3A_226 = arith.constant 0 : i32
        %dma_wait3A_227 = tpu.memref_slice %arg9[%dma_wait3A_214, %dma_wait3A_225, %dma_wait3A_226] : memref<4x64x128xf32, #tpu.memory_space<vmem>> -> memref<1x64x128xf32, #tpu.memory_space<vmem>>
        %dma_wait3A_228 = tpu.memref_squeeze %dma_wait3A_227 : memref<1x64x128xf32, #tpu.memory_space<vmem>> -> memref<64x128xf32, #tpu.memory_space<vmem>>
        tpu.wait_dma2 semaphore(%arg12 : memref<!tpu.dma_semaphore, #tpu.memory_space<semaphore_mem>>) src(%dma_wait3A_228 : memref<64x128xf32, #tpu.memory_space<vmem>>) dst(%dma_wait3A_224 : memref<64x128xf32, #tpu.memory_space<vmem_shared>>)
        %add3A_229 = arith.constant 2 : i32
        %add3A_230 = arith.addi %mul3A_85, %add3A_229 : i32
        %add3A_231 = arith.constant 4 : i32
        %add3A_232 = arith.addi %add3A_230, %add3A_231 : i32
        %lt3A_233 = arith.constant 40 : i32
        %lt3A_234 = arith.cmpi slt, %add3A_232, %lt3A_233 : i32
        %convert_element_type3A_235 = arith.extui %lt3A_234 : i1 to i32
        %cond3A_236 = arith.constant 0 : i32
        %cond3A_237 = arith.cmpi ne, %convert_element_type3A_235, %cond3A_236 : i32
        scf.if %cond3A_237 {
          %add3A_290 = arith.constant 2 : i32
          %add3A_291 = arith.addi %mul3A_85, %add3A_290 : i32
          %add3A_292 = arith.constant 4 : i32
          %add3A_293 = arith.addi %add3A_291, %add3A_292 : i32
          %dma_start3A_294 = arith.constant 2 : i32
          %dma_start3A_295 = arith.constant 0 : i32
          %dma_start3A_296 = arith.constant 0 : i32
          %dma_start3A_297 = tpu.memref_slice %arg9[%dma_start3A_294, %dma_start3A_295, %dma_start3A_296] : memref<4x64x128xf32, #tpu.memory_space<vmem>> -> memref<1x64x128xf32, #tpu.memory_space<vmem>>
          %dma_start3A_298 = tpu.memref_squeeze %dma_start3A_297 : memref<1x64x128xf32, #tpu.memory_space<vmem>> -> memref<64x128xf32, #tpu.memory_space<vmem>>
          %dma_start3A_299 = arith.constant 0 : i32
          %dma_start3A_300 = tpu.memref_slice %arg7[%add3A_293, %dma_start3A_299] : memref<40x64xi32, #tpu.memory_space<vmem>> -> memref<1x64xi32, #tpu.memory_space<vmem>>
          %dma_start3A_301 = tpu.memref_squeeze %dma_start3A_300 : memref<1x64xi32, #tpu.memory_space<vmem>> -> memref<64xi32, #tpu.memory_space<vmem>>
          %dma_start3A_302 = arith.constant 0 : i32
          %dma_start3A_303 = arith.constant 0 : i32
          %dma_start3A_304 = tpu.memref_slice %arg2[%dma_start3A_302, %dma_start3A_303] : memref<10240x128xf32, #tpu.memory_space<hbm>> -> memref<10240x128xf32, #tpu.memory_space<hbm>>
          tpu.enqueue_indirect_dma source(%dma_start3A_304 : memref<10240x128xf32, #tpu.memory_space<hbm>>) target(%dma_start3A_298 : memref<64x128xf32, #tpu.memory_space<vmem>>) offsets(%dma_start3A_301 : memref<64xi32, #tpu.memory_space<vmem>>) semaphore(%arg11 : memref<!tpu.dma_semaphore, #tpu.memory_space<semaphore_mem>>)
        } else {
        }
        %dma_wait3A_238 = arith.constant 3 : i32
        %dma_wait3A_239 = arith.constant 0 : i32
        %dma_wait3A_240 = arith.constant 0 : i32
        %dma_wait3A_241 = tpu.memref_slice %arg9[%dma_wait3A_238, %dma_wait3A_239, %dma_wait3A_240] : memref<4x64x128xf32, #tpu.memory_space<vmem>> -> memref<1x64x128xf32, #tpu.memory_space<vmem>>
        %dma_wait3A_242 = tpu.memref_squeeze %dma_wait3A_241 : memref<1x64x128xf32, #tpu.memory_space<vmem>> -> memref<64x128xf32, #tpu.memory_space<vmem>>
        %dma_wait3A_243 = arith.constant 0 : i32
        %dma_wait3A_244 = arith.constant 0 : i32
        %dma_wait3A_245 = tpu.memref_slice %arg2[%dma_wait3A_243, %dma_wait3A_244] : memref<10240x128xf32, #tpu.memory_space<hbm>> -> memref<64x128xf32, #tpu.memory_space<hbm>>
        %dma_wait3A_246 = arith.constant 0 : i32
        %dma_wait3A_247 = arith.constant 0 : i32
        %dma_wait3A_248 = tpu.memref_slice %arg9[%dma_wait3A_238, %dma_wait3A_246, %dma_wait3A_247] : memref<4x64x128xf32, #tpu.memory_space<vmem>> -> memref<1x64x128xf32, #tpu.memory_space<vmem>>
        %dma_wait3A_249 = tpu.memref_squeeze %dma_wait3A_248 : memref<1x64x128xf32, #tpu.memory_space<vmem>> -> memref<64x128xf32, #tpu.memory_space<vmem>>
        %dma_wait3A_250 = arith.constant 0 : i32
        %dma_wait3A_251 = arith.constant 0 : i32
        %dma_wait3A_252 = tpu.memref_slice %arg2[%dma_wait3A_250, %dma_wait3A_251] : memref<10240x128xf32, #tpu.memory_space<hbm>> -> memref<64x128xf32, #tpu.memory_space<hbm>>
        tpu.wait_dma2 semaphore(%arg11 : memref<!tpu.dma_semaphore, #tpu.memory_space<semaphore_mem>>) src(%dma_wait3A_252 : memref<64x128xf32, #tpu.memory_space<hbm>>) dst(%dma_wait3A_249 : memref<64x128xf32, #tpu.memory_space<vmem>>)
        %add3A_253 = arith.constant 3 : i32
        %add3A_254 = arith.addi %mul3A_85, %add3A_253 : i32
        %dma_start3A_255 = arith.constant 3 : i32
        %dma_start3A_256 = arith.constant 0 : i32
        %dma_start3A_257 = arith.constant 0 : i32
        %dma_start3A_258 = tpu.memref_slice %arg9[%dma_start3A_255, %dma_start3A_256, %dma_start3A_257] : memref<4x64x128xf32, #tpu.memory_space<vmem>> -> memref<1x64x128xf32, #tpu.memory_space<vmem>>
        %dma_start3A_259 = tpu.memref_squeeze %dma_start3A_258 : memref<1x64x128xf32, #tpu.memory_space<vmem>> -> memref<64x128xf32, #tpu.memory_space<vmem>>
        %dma_start3A_260 = arith.constant 0 : i32
        %dma_start3A_261 = tpu.memref_slice %arg8[%add3A_254, %dma_start3A_260] : memref<40x64xi32, #tpu.memory_space<vmem>> -> memref<1x64xi32, #tpu.memory_space<vmem>>
        %dma_start3A_262 = tpu.memref_squeeze %dma_start3A_261 : memref<1x64xi32, #tpu.memory_space<vmem>> -> memref<64xi32, #tpu.memory_space<vmem>>
        %dma_start3A_263 = arith.constant 0 : i32
        %dma_start3A_264 = arith.constant 0 : i32
        %dma_start3A_265 = tpu.memref_slice %arg10[%dma_start3A_263, %dma_start3A_264] : memref<10240x128xf32, #tpu.memory_space<vmem_shared>> -> memref<10240x128xf32, #tpu.memory_space<vmem_shared>>
        tpu.enqueue_indirect_dma source(%dma_start3A_259 : memref<64x128xf32, #tpu.memory_space<vmem>>) target(%dma_start3A_265 : memref<10240x128xf32, #tpu.memory_space<vmem_shared>>) offsets(%dma_start3A_262 : memref<64xi32, #tpu.memory_space<vmem>>) semaphore(%arg12 : memref<!tpu.dma_semaphore, #tpu.memory_space<semaphore_mem>>) {add = true}
        %dma_wait3A_266 = arith.constant 3 : i32
        %dma_wait3A_267 = arith.constant 0 : i32
        %dma_wait3A_268 = arith.constant 0 : i32
        %dma_wait3A_269 = tpu.memref_slice %arg9[%dma_wait3A_266, %dma_wait3A_267, %dma_wait3A_268] : memref<4x64x128xf32, #tpu.memory_space<vmem>> -> memref<1x64x128xf32, #tpu.memory_space<vmem>>
        %dma_wait3A_270 = tpu.memref_squeeze %dma_wait3A_269 : memref<1x64x128xf32, #tpu.memory_space<vmem>> -> memref<64x128xf32, #tpu.memory_space<vmem>>
        %dma_wait3A_271 = arith.constant 0 : i32
        %dma_wait3A_272 = arith.constant 0 : i32
        %dma_wait3A_273 = tpu.memref_slice %arg10[%dma_wait3A_271, %dma_wait3A_272] : memref<10240x128xf32, #tpu.memory_space<vmem_shared>> -> memref<64x128xf32, #tpu.memory_space<vmem_shared>>
        %dma_wait3A_274 = arith.constant 0 : i32
        %dma_wait3A_275 = arith.constant 0 : i32
        %dma_wait3A_276 = tpu.memref_slice %arg10[%dma_wait3A_274, %dma_wait3A_275] : memref<10240x128xf32, #tpu.memory_space<vmem_shared>> -> memref<64x128xf32, #tpu.memory_space<vmem_shared>>
        %dma_wait3A_277 = arith.constant 0 : i32
        %dma_wait3A_278 = arith.constant 0 : i32
        %dma_wait3A_279 = tpu.memref_slice %arg9[%dma_wait3A_266, %dma_wait3A_277, %dma_wait3A_278] : memref<4x64x128xf32, #tpu.memory_space<vmem>> -> memref<1x64x128xf32, #tpu.memory_space<vmem>>
        %dma_wait3A_280 = tpu.memref_squeeze %dma_wait3A_279 : memref<1x64x128xf32, #tpu.memory_space<vmem>> -> memref<64x128xf32, #tpu.memory_space<vmem>>
        tpu.wait_dma2 semaphore(%arg12 : memref<!tpu.dma_semaphore, #tpu.memory_space<semaphore_mem>>) src(%dma_wait3A_280 : memref<64x128xf32, #tpu.memory_space<vmem>>) dst(%dma_wait3A_276 : memref<64x128xf32, #tpu.memory_space<vmem_shared>>)
        %add3A_281 = arith.constant 3 : i32
        %add3A_282 = arith.addi %mul3A_85, %add3A_281 : i32
        %add3A_283 = arith.constant 4 : i32
        %add3A_284 = arith.addi %add3A_282, %add3A_283 : i32
        %lt3A_285 = arith.constant 40 : i32
        %lt3A_286 = arith.cmpi slt, %add3A_284, %lt3A_285 : i32
        %convert_element_type3A_287 = arith.extui %lt3A_286 : i1 to i32
        %cond3A_288 = arith.constant 0 : i32
        %cond3A_289 = arith.cmpi ne, %convert_element_type3A_287, %cond3A_288 : i32
        scf.if %cond3A_289 {
          %add3A_290 = arith.constant 3 : i32
          %add3A_291 = arith.addi %mul3A_85, %add3A_290 : i32
          %add3A_292 = arith.constant 4 : i32
          %add3A_293 = arith.addi %add3A_291, %add3A_292 : i32
          %dma_start3A_294 = arith.constant 3 : i32
          %dma_start3A_295 = arith.constant 0 : i32
          %dma_start3A_296 = arith.constant 0 : i32
          %dma_start3A_297 = tpu.memref_slice %arg9[%dma_start3A_294, %dma_start3A_295, %dma_start3A_296] : memref<4x64x128xf32, #tpu.memory_space<vmem>> -> memref<1x64x128xf32, #tpu.memory_space<vmem>>
          %dma_start3A_298 = tpu.memref_squeeze %dma_start3A_297 : memref<1x64x128xf32, #tpu.memory_space<vmem>> -> memref<64x128xf32, #tpu.memory_space<vmem>>
          %dma_start3A_299 = arith.constant 0 : i32
          %dma_start3A_300 = tpu.memref_slice %arg7[%add3A_293, %dma_start3A_299] : memref<40x64xi32, #tpu.memory_space<vmem>> -> memref<1x64xi32, #tpu.memory_space<vmem>>
          %dma_start3A_301 = tpu.memref_squeeze %dma_start3A_300 : memref<1x64xi32, #tpu.memory_space<vmem>> -> memref<64xi32, #tpu.memory_space<vmem>>
          %dma_start3A_302 = arith.constant 0 : i32
          %dma_start3A_303 = arith.constant 0 : i32
          %dma_start3A_304 = tpu.memref_slice %arg2[%dma_start3A_302, %dma_start3A_303] : memref<10240x128xf32, #tpu.memory_space<hbm>> -> memref<10240x128xf32, #tpu.memory_space<hbm>>
          tpu.enqueue_indirect_dma source(%dma_start3A_304 : memref<10240x128xf32, #tpu.memory_space<hbm>>) target(%dma_start3A_298 : memref<64x128xf32, #tpu.memory_space<vmem>>) offsets(%dma_start3A_301 : memref<64xi32, #tpu.memory_space<vmem>>) semaphore(%arg11 : memref<!tpu.dma_semaphore, #tpu.memory_space<semaphore_mem>>)
        } else {
        }
      }
      %scan3A_82 = arith.constant 10 : i32
    }
    %barrier3A_22 = arith.constant 0 : index
    tpu.barrier barrier_id(%barrier3A_22)
    %mul3A_23 = arith.constant 640 : i32
    %mul3A_24 = arith.muli %arg1, %mul3A_23 : i32
    %mul3A_25 = arith.constant 640 : i32
    %mul3A_26 = arith.muli %arg1, %mul3A_25 : i32
    "tpu.region"() ({
      %run_scoped3A = tpu.sem_alloc : memref<!tpu.dma_semaphore, #tpu.memory_space<semaphore_mem>>
      %dma_start3A = arith.constant 0 : i32
      %dma_start3A_27 = tpu.memref_slice %arg6[%arg0, %mul3A_26, %dma_start3A] : memref<2x10240x128xf32, #tpu.memory_space<hbm>> -> memref<1x640x128xf32, #tpu.memory_space<hbm>>
      %dma_start3A_28 = tpu.memref_squeeze %dma_start3A_27 : memref<1x640x128xf32, #tpu.memory_space<hbm>> -> memref<640x128xf32, #tpu.memory_space<hbm>>
      %dma_start3A_29 = arith.constant 0 : i32
      %dma_start3A_30 = tpu.memref_slice %arg10[%mul3A_24, %dma_start3A_29] : memref<10240x128xf32, #tpu.memory_space<vmem_shared>> -> memref<640x128xf32, #tpu.memory_space<vmem_shared>>
      tpu.enqueue_dma source(%dma_start3A_30 : memref<640x128xf32, #tpu.memory_space<vmem_shared>>) target(%dma_start3A_28 : memref<640x128xf32, #tpu.memory_space<hbm>>) target_semaphore(%run_scoped3A : memref<!tpu.dma_semaphore, #tpu.memory_space<semaphore_mem>>)
      %dma_wait3A = arith.constant 0 : i32
      %dma_wait3A_31 = tpu.memref_slice %arg6[%arg0, %mul3A_26, %dma_wait3A] : memref<2x10240x128xf32, #tpu.memory_space<hbm>> -> memref<1x640x128xf32, #tpu.memory_space<hbm>>
      %dma_wait3A_32 = tpu.memref_squeeze %dma_wait3A_31 : memref<1x640x128xf32, #tpu.memory_space<hbm>> -> memref<640x128xf32, #tpu.memory_space<hbm>>
      %dma_wait3A_33 = arith.constant 0 : i32
      %dma_wait3A_34 = tpu.memref_slice %arg10[%mul3A_24, %dma_wait3A_33] : memref<10240x128xf32, #tpu.memory_space<vmem_shared>> -> memref<640x128xf32, #tpu.memory_space<vmem_shared>>
      tpu.wait_dma2 semaphore(%run_scoped3A : memref<!tpu.dma_semaphore, #tpu.memory_space<semaphore_mem>>) src(%dma_wait3A_34 : memref<640x128xf32, #tpu.memory_space<vmem_shared>>) dst(%dma_wait3A_32 : memref<640x128xf32, #tpu.memory_space<hbm>>)
      tpu.yield
    }) : () -> ()
    return
  }
}

module attributes {stable_mosaic.version = 14 : i64} {
  func.func @_b_body(%arg0: i32, %arg1: memref<32x640xf32, #tpu.memory_space<vmem>>, %arg2: memref<640x128xf32, #tpu.memory_space<vmem>>, %arg3: memref<128x128xf32, #tpu.memory_space<vmem>>, %arg4: memref<640x1xf32, #tpu.memory_space<vmem>>, %arg5: memref<640x128xf32, #tpu.memory_space<vmem>>) attributes {dimension_semantics = [#tpu.dimension_semantics<arbitrary>], iteration_bounds = array<i64: 16>, scalar_prefetch = 0 : i64, scratch_operands = 0 : i64, tpu.core_type = #tpu.core_type<tc>, window_params = [{transform_indices = @transform_0, window_bounds = array<i64: 32, 640>}, {transform_indices = @transform_1, window_bounds = array<i64: 640, 128>}, {pipeline_mode = #tpu.pipeline_mode<synchronous>, transform_indices = @transform_2, window_bounds = array<i64: 128, 128>}, {transform_indices = @transform_3, window_bounds = array<i64: 640, 1>}, {transform_indices = @transform_4, window_bounds = array<i64: 640, 128>}]} {
    %get3A = arith.constant 0 : index
    %get3A_0 = arith.constant 0 : index
    %get3A_1 = vector.load %arg1[%get3A, %get3A_0] : memref<32x640xf32, #tpu.memory_space<vmem>>, vector<32x640xf32>
    %broadcast_in_dim3A = arith.constant 1.000000e+00 : f32
    %broadcast_in_dim3A_2 = vector.broadcast %broadcast_in_dim3A : f32 to vector<32x1xf32>
    %dot_general3A = arith.constant dense<0.000000e+00> : vector<640x1xf32>
    %dot_general3A_3 = tpu.matmul %get3A_1, %broadcast_in_dim3A_2, %dot_general3A {dimension_numbers = #tpu.dot_dimension_numbers<[0], [0], [1], [1], [0, 1, 1, 1], [], []>, transpose_lhs_hint = false} : vector<32x640xf32>, vector<32x1xf32>, vector<640x1xf32> -> vector<640x1xf32>
    %add3A = arith.constant 1.000000e+00 : f32
    %add3A_4 = vector.broadcast %add3A : f32 to vector<640x1xf32>
    %add3A_5 = arith.addf %dot_general3A_3, %add3A_4 : vector<640x1xf32>
    %iota3A = tpu.iota {dimensions = array<i32: 0>} : vector<640x1xi32>
    %mul3A = arith.constant 640 : i32
    %mul3A_6 = arith.muli %arg0, %mul3A : i32
    %add3A_7 = vector.broadcast %mul3A_6 : i32 to vector<640x1xi32>
    %add3A_8 = arith.addi %iota3A, %add3A_7 : vector<640x1xi32>
    %lt3A = arith.constant 10000 : i32
    %lt3A_9 = vector.broadcast %lt3A : i32 to vector<640x1xi32>
    %lt3A_10 = arith.cmpi slt, %add3A_8, %lt3A_9 : vector<640x1xi32>
    %rsqrt3A = math.rsqrt %add3A_5 : vector<640x1xf32>
    %jit3A = arith.constant 0.000000e+00 : f32
    %broadcast_in_dim3A_11 = vector.broadcast %jit3A : f32 to vector<640x1xf32>
    %select_n3A = arith.select %lt3A_10, %rsqrt3A, %broadcast_in_dim3A_11 : vector<640x1xi1>, vector<640x1xf32>
    %get3A_12 = arith.constant 0 : index
    %get3A_13 = arith.constant 0 : index
    %get3A_14 = vector.load %arg2[%get3A_12, %get3A_13] : memref<640x128xf32, #tpu.memory_space<vmem>>, vector<640x128xf32>
    %get3A_15 = arith.constant 0 : index
    %get3A_16 = arith.constant 0 : index
    %get3A_17 = vector.load %arg3[%get3A_15, %get3A_16] : memref<128x128xf32, #tpu.memory_space<vmem>>, vector<128x128xf32>
    %dot_general3A_18 = arith.constant dense<0.000000e+00> : vector<640x128xf32>
    %dot_general3A_19 = tpu.matmul %get3A_14, %get3A_17, %dot_general3A_18 {dimension_numbers = #tpu.dot_dimension_numbers<[1], [0], [0], [1], [0, 0, 1, 1], [], []>, transpose_lhs_hint = false} : vector<640x128xf32>, vector<128x128xf32>, vector<640x128xf32> -> vector<640x128xf32>
    %swap3A = arith.constant 0 : index
    %swap3A_20 = arith.constant 0 : index
    %swap3A_21 = vector.load %arg4[%swap3A, %swap3A_20] : memref<640x1xf32, #tpu.memory_space<vmem>>, vector<640x1xf32>
    tpu.vector_store %arg4[%swap3A, %swap3A_20], %select_n3A {strides = array<i32>} : memref<640x1xf32, #tpu.memory_space<vmem>>, vector<640x1xf32>,
    %mul3A_22 = vector.broadcast %select_n3A : vector<640x1xf32> to vector<640x128xf32>
    %mul3A_23 = arith.mulf %dot_general3A_19, %mul3A_22 : vector<640x128xf32>
    %swap3A_24 = arith.constant 0 : index
    %swap3A_25 = arith.constant 0 : index
    %swap3A_26 = vector.load %arg5[%swap3A_24, %swap3A_25] : memref<640x128xf32, #tpu.memory_space<vmem>>, vector<640x128xf32>
    tpu.vector_store %arg5[%swap3A_24, %swap3A_25], %mul3A_23 {strides = array<i32>} : memref<640x128xf32, #tpu.memory_space<vmem>>, vector<640x128xf32>,
    return
  }
  func.func @transform_0(%arg0: i32) -> (i32, i32) {
    %c0_i32 = arith.constant 0 : i32
    %c0_i32_0 = arith.constant 0 : i32
    return %c0_i32, %arg0 : i32, i32
  }
  func.func @transform_1(%arg0: i32) -> (i32, i32) {
    %c0_i32 = arith.constant 0 : i32
    %c0_i32_0 = arith.constant 0 : i32
    return %arg0, %c0_i32 : i32, i32
  }
  func.func @transform_2(%arg0: i32) -> (i32, i32) {
    %c0_i32 = arith.constant 0 : i32
    %c0_i32_0 = arith.constant 0 : i32
    %c0_i32_1 = arith.constant 0 : i32
    return %c0_i32, %c0_i32_0 : i32, i32
  }
  func.func @transform_3(%arg0: i32) -> (i32, i32) {
    %c0_i32 = arith.constant 0 : i32
    %c0_i32_0 = arith.constant 0 : i32
    return %arg0, %c0_i32 : i32, i32
  }
  func.func @transform_4(%arg0: i32) -> (i32, i32) {
    %c0_i32 = arith.constant 0 : i32
    %c0_i32_0 = arith.constant 0 : i32
    return %arg0, %c0_i32 : i32, i32
  }
}

module attributes {stable_mosaic.version = 14 : i64} {
  func.func @_d_body(%arg0: i32, %arg1: memref<2x640x128xf32, #tpu.memory_space<vmem>>, %arg2: memref<640x128xf32, #tpu.memory_space<vmem>>, %arg3: memref<640x1xf32, #tpu.memory_space<vmem>>, %arg4: memref<128x128xf32, #tpu.memory_space<vmem>>, %arg5: memref<1x128xf32, #tpu.memory_space<vmem>>, %arg6: memref<640x128xf32, #tpu.memory_space<vmem>>) attributes {dimension_semantics = [#tpu.dimension_semantics<arbitrary>], iteration_bounds = array<i64: 16>, scalar_prefetch = 0 : i64, scratch_operands = 0 : i64, tpu.core_type = #tpu.core_type<tc>, window_params = [{transform_indices = @transform_0, window_bounds = array<i64: 2, 640, 128>}, {transform_indices = @transform_1, window_bounds = array<i64: 640, 128>}, {transform_indices = @transform_2, window_bounds = array<i64: 640, 1>}, {pipeline_mode = #tpu.pipeline_mode<synchronous>, transform_indices = @transform_3, window_bounds = array<i64: 128, 128>}, {pipeline_mode = #tpu.pipeline_mode<synchronous>, transform_indices = @transform_4, window_bounds = array<i64: 1, 128>}, {transform_indices = @transform_5, window_bounds = array<i64: 640, 128>}]} {
    %get3A = arith.constant 0 : index
    %get3A_0 = arith.constant 0 : index
    %get3A_1 = arith.constant 0 : index
    %get3A_2 = vector.load %arg1[%get3A, %get3A_0, %get3A_1] : memref<2x640x128xf32, #tpu.memory_space<vmem>>, vector<1x640x128xf32>
    %get3A_3 = vector.shape_cast %get3A_2 : vector<1x640x128xf32> to vector<640x128xf32>
    %get3A_4 = arith.constant 1 : index
    %get3A_5 = arith.constant 0 : index
    %get3A_6 = arith.constant 0 : index
    %get3A_7 = vector.load %arg1[%get3A_4, %get3A_5, %get3A_6] : memref<2x640x128xf32, #tpu.memory_space<vmem>>, vector<1x640x128xf32>
    %get3A_8 = vector.shape_cast %get3A_7 : vector<1x640x128xf32> to vector<640x128xf32>
    %add3A = arith.addf %get3A_3, %get3A_8 : vector<640x128xf32>
    %get3A_9 = arith.constant 0 : index
    %get3A_10 = arith.constant 0 : index
    %get3A_11 = vector.load %arg2[%get3A_9, %get3A_10] : memref<640x128xf32, #tpu.memory_space<vmem>>, vector<640x128xf32>
    %add3A_12 = arith.addf %add3A, %get3A_11 : vector<640x128xf32>
    %get3A_13 = arith.constant 0 : index
    %get3A_14 = arith.constant 0 : index
    %get3A_15 = vector.load %arg3[%get3A_13, %get3A_14] : memref<640x1xf32, #tpu.memory_space<vmem>>, vector<640x1xf32>
    %mul3A = vector.broadcast %get3A_15 : vector<640x1xf32> to vector<640x128xf32>
    %mul3A_16 = arith.mulf %add3A_12, %mul3A : vector<640x128xf32>
    %get3A_17 = arith.constant 0 : index
    %get3A_18 = arith.constant 0 : index
    %get3A_19 = vector.load %arg5[%get3A_17, %get3A_18] : memref<1x128xf32, #tpu.memory_space<vmem>>, vector<1x128xf32>
    %add3A_20 = vector.broadcast %get3A_19 : vector<1x128xf32> to vector<640x128xf32>
    %add3A_21 = arith.addf %mul3A_16, %add3A_20 : vector<640x128xf32>
    %max3A = arith.constant 0.000000e+00 : f32
    %max3A_22 = vector.broadcast %max3A : f32 to vector<640x128xf32>
    %max3A_23 = arith.maximumf %add3A_21, %max3A_22 : vector<640x128xf32>
    %get3A_24 = arith.constant 0 : index
    %get3A_25 = arith.constant 0 : index
    %get3A_26 = vector.load %arg4[%get3A_24, %get3A_25] : memref<128x128xf32, #tpu.memory_space<vmem>>, vector<128x128xf32>
    %dot_general3A = arith.constant dense<0.000000e+00> : vector<640x128xf32>
    %dot_general3A_27 = tpu.matmul %max3A_23, %get3A_26, %dot_general3A {dimension_numbers = #tpu.dot_dimension_numbers<[1], [0], [0], [1], [0, 0, 1, 1], [], []>, transpose_lhs_hint = false} : vector<640x128xf32>, vector<128x128xf32>, vector<640x128xf32> -> vector<640x128xf32>
    %mul3A_28 = vector.broadcast %get3A_15 : vector<640x1xf32> to vector<640x128xf32>
    %mul3A_29 = arith.mulf %dot_general3A_27, %mul3A_28 : vector<640x128xf32>
    %swap3A = arith.constant 0 : index
    %swap3A_30 = arith.constant 0 : index
    %swap3A_31 = vector.load %arg6[%swap3A, %swap3A_30] : memref<640x128xf32, #tpu.memory_space<vmem>>, vector<640x128xf32>
    tpu.vector_store %arg6[%swap3A, %swap3A_30], %mul3A_29 {strides = array<i32>} : memref<640x128xf32, #tpu.memory_space<vmem>>, vector<640x128xf32>,
    return
  }
  func.func @transform_0(%arg0: i32) -> (i32, i32, i32) {
    %c0_i32 = arith.constant 0 : i32
    %c0_i32_0 = arith.constant 0 : i32
    %c0_i32_1 = arith.constant 0 : i32
    return %c0_i32, %arg0, %c0_i32_0 : i32, i32, i32
  }
  func.func @transform_1(%arg0: i32) -> (i32, i32) {
    %c0_i32 = arith.constant 0 : i32
    %c0_i32_0 = arith.constant 0 : i32
    return %arg0, %c0_i32 : i32, i32
  }
  func.func @transform_2(%arg0: i32) -> (i32, i32) {
    %c0_i32 = arith.constant 0 : i32
    %c0_i32_0 = arith.constant 0 : i32
    return %arg0, %c0_i32 : i32, i32
  }
  func.func @transform_3(%arg0: i32) -> (i32, i32) {
    %c0_i32 = arith.constant 0 : i32
    %c0_i32_0 = arith.constant 0 : i32
    %c0_i32_1 = arith.constant 0 : i32
    return %c0_i32, %c0_i32_0 : i32, i32
  }
  func.func @transform_4(%arg0: i32) -> (i32, i32) {
    %c0_i32 = arith.constant 0 : i32
    %c0_i32_0 = arith.constant 0 : i32
    %c0_i32_1 = arith.constant 0 : i32
    return %c0_i32, %c0_i32_0 : i32, i32
  }
  func.func @transform_5(%arg0: i32) -> (i32, i32) {
    %c0_i32 = arith.constant 0 : i32
    %c0_i32_0 = arith.constant 0 : i32
    return %arg0, %c0_i32 : i32, i32
  }
}

module attributes {stable_mosaic.version = 14 : i64} {
  func.func @_f_body(%arg0: i32, %arg1: memref<2x400x128xf32, #tpu.memory_space<vmem>>, %arg2: memref<400x128xf32, #tpu.memory_space<vmem>>, %arg3: memref<400x1xf32, #tpu.memory_space<vmem>>, %arg4: memref<1x128xf32, #tpu.memory_space<vmem>>, %arg5: memref<400x128xf32, #tpu.memory_space<vmem>>) attributes {dimension_semantics = [#tpu.dimension_semantics<arbitrary>], iteration_bounds = array<i64: 25>, scalar_prefetch = 0 : i64, scratch_operands = 0 : i64, tpu.core_type = #tpu.core_type<tc>, window_params = [{transform_indices = @transform_0, window_bounds = array<i64: 2, 400, 128>}, {transform_indices = @transform_1, window_bounds = array<i64: 400, 128>}, {transform_indices = @transform_2, window_bounds = array<i64: 400, 1>}, {pipeline_mode = #tpu.pipeline_mode<synchronous>, transform_indices = @transform_3, window_bounds = array<i64: 1, 128>}, {transform_indices = @transform_4, window_bounds = array<i64: 400, 128>}]} {
    %get3A = arith.constant 0 : index
    %get3A_0 = arith.constant 0 : index
    %get3A_1 = arith.constant 0 : index
    %get3A_2 = vector.load %arg1[%get3A, %get3A_0, %get3A_1] : memref<2x400x128xf32, #tpu.memory_space<vmem>>, vector<1x400x128xf32>
    %get3A_3 = vector.shape_cast %get3A_2 : vector<1x400x128xf32> to vector<400x128xf32>
    %get3A_4 = arith.constant 1 : index
    %get3A_5 = arith.constant 0 : index
    %get3A_6 = arith.constant 0 : index
    %get3A_7 = vector.load %arg1[%get3A_4, %get3A_5, %get3A_6] : memref<2x400x128xf32, #tpu.memory_space<vmem>>, vector<1x400x128xf32>
    %get3A_8 = vector.shape_cast %get3A_7 : vector<1x400x128xf32> to vector<400x128xf32>
    %add3A = arith.addf %get3A_3, %get3A_8 : vector<400x128xf32>
    %get3A_9 = arith.constant 0 : index
    %get3A_10 = arith.constant 0 : index
    %get3A_11 = vector.load %arg2[%get3A_9, %get3A_10] : memref<400x128xf32, #tpu.memory_space<vmem>>, vector<400x128xf32>
    %add3A_12 = arith.addf %add3A, %get3A_11 : vector<400x128xf32>
    %get3A_13 = arith.constant 0 : index
    %get3A_14 = arith.constant 0 : index
    %get3A_15 = vector.load %arg3[%get3A_13, %get3A_14] : memref<400x1xf32, #tpu.memory_space<vmem>>, vector<400x1xf32>
    %mul3A = vector.broadcast %get3A_15 : vector<400x1xf32> to vector<400x128xf32>
    %mul3A_16 = arith.mulf %add3A_12, %mul3A : vector<400x128xf32>
    %get3A_17 = arith.constant 0 : index
    %get3A_18 = arith.constant 0 : index
    %get3A_19 = vector.load %arg4[%get3A_17, %get3A_18] : memref<1x128xf32, #tpu.memory_space<vmem>>, vector<1x128xf32>
    %add3A_20 = vector.broadcast %get3A_19 : vector<1x128xf32> to vector<400x128xf32>
    %add3A_21 = arith.addf %mul3A_16, %add3A_20 : vector<400x128xf32>
    %max3A = arith.constant 0.000000e+00 : f32
    %max3A_22 = vector.broadcast %max3A : f32 to vector<400x128xf32>
    %max3A_23 = arith.maximumf %add3A_21, %max3A_22 : vector<400x128xf32>
    %swap3A = arith.constant 0 : index
    %swap3A_24 = arith.constant 0 : index
    %swap3A_25 = vector.load %arg5[%swap3A, %swap3A_24] : memref<400x128xf32, #tpu.memory_space<vmem>>, vector<400x128xf32>
    tpu.vector_store %arg5[%swap3A, %swap3A_24], %max3A_23 {strides = array<i32>} : memref<400x128xf32, #tpu.memory_space<vmem>>, vector<400x128xf32>,
    return
  }
  func.func @transform_0(%arg0: i32) -> (i32, i32, i32) {
    %c0_i32 = arith.constant 0 : i32
    %c0_i32_0 = arith.constant 0 : i32
    %c0_i32_1 = arith.constant 0 : i32
    return %c0_i32, %arg0, %c0_i32_0 : i32, i32, i32
  }
  func.func @transform_1(%arg0: i32) -> (i32, i32) {
    %c0_i32 = arith.constant 0 : i32
    %c0_i32_0 = arith.constant 0 : i32
    return %arg0, %c0_i32 : i32, i32
  }
  func.func @transform_2(%arg0: i32) -> (i32, i32) {
    %c0_i32 = arith.constant 0 : i32
    %c0_i32_0 = arith.constant 0 : i32
    return %arg0, %c0_i32 : i32, i32
  }
  func.func @transform_3(%arg0: i32) -> (i32, i32) {
    %c0_i32 = arith.constant 0 : i32
    %c0_i32_0 = arith.constant 0 : i32
    %c0_i32_1 = arith.constant 0 : i32
    return %c0_i32, %c0_i32_0 : i32, i32
  }
  func.func @transform_4(%arg0: i32) -> (i32, i32) {
    %c0_i32 = arith.constant 0 : i32
    %c0_i32_0 = arith.constant 0 : i32
    return %arg0, %c0_i32 : i32, i32
  }
}

</mosaic_0001>

<sc_bundles>
// kernel: kernel.11.cloned.1.call-start
scs
__scs_entry_jumppad:
0x0: {  	(pc) =	sbr.rel $0x88, $3  }
0x1: {  	(tag) =	ssettag $0x0;
	lr =	simm.s32 $0x1  }
0x2: {  	[smem:$0x3F9A] =	sst lr;
	_ =	strace $0xD0000000  }
0x3: {  	_ = 	snop  }
0x4: {  	_ = 	snop  }
0x5: {  	_ = 	snop  }
0x6: {  	_ = 	snop  }
0x7: {  	_ = 	snop  }
__scs_overlays_trampoline_lowered:
0x8: {  	[smem:$0x3FA9] =	sst s0  }
0x9: {  	[smem:$0x3FAA] =	sst s1  }
0xa: {  	[smem:$0x3FAB] =	sst s2  }
0xb: {  	[smem:$0x3FAC] =	sst s3  }
0xc: {  	[smem:$0x3FAD] =	sst s4  }
0xd: {  	[smem:$0x3FAE] =	sst s5  }
0xe: {  	[smem:$0x3FAF] =	sst s6  }
0xf: {  	[smem:$0x3FB0] =	sst s7  }
0x10: {  	[smem:$0x3FB1] =	sst s8  }
0x11: {  	[smem:$0x3FB2] =	sst s9;
	s0 =	simm.s32 @!p0 $0x0  }
0x12: {  	s1 =	sld [smem:$0x3F98];
	s0 =	simm.s32 @p0 $0x1  }
0x13: {  	[smem:$0x3FB3] =	sst s0;
	s0 =	simm.s32 @!p1 $0x0  }
0x14: {  	s2 =	sld [smem:$0x3F97];
	s0 =	simm.s32 @p1 $0x1  }
0x15: {  	[smem:$0x3FB4] =	sst s0;
	s0 =	simm.s32 @!p2 $0x0  }
0x16: {  	s3 =	sld [smem:$0x3FDB];
	s0 =	simm.s32 @p2 $0x1  }
0x17: {  	s4 =	simm.s32 $0x1BF5;
	[smem:$0x3FB6] =	sst s0  }
0x18: {  	s0 =	sld [smem:$0x3F99];
	_ =	swait.ge [sflag:s4], $0x0  }
0x19: {  	s7 =	sld [smem:$0x3F9A]  }
0x1a: {  	s8 =	sadd.s32 $0xFFFFE003, lr  }
0x1b: {  	s9 =	sadd.s32 $0xFFFFFEF7, lr;
	s5 =	simm.s32 $0xFFFFFFFF;
	p2 =	slt.u32 s8, $0xFFFFF086  }
0x1c: {  	p1 =	slt.u32 s9, $0xF7A;
	s5 =	simm.s32 @!p2 $0x0  }
0x1d: {  	s5 =	simm.s32 @p1 $0x1;
	p0 =	seq.s32 s7, s2  }
0x1e: {  	s7 =	smul.u32 @!p0 $0xF7A, s2;
	p2 =	seq.s32 @!p0 s5, $0x0  }
0x1f: {  	s9 =	smul.u32 $0xF7A, s1;
	s8 =	simm.s32 @!p0 $0x1BF5;
	p2 =	por !p2, p0  }
0x20: {  	[sflag:s8] =	ssyncset.s32 @!p0 $0xFFFFF086;
	s6 =	sadd.s32 @!p0 s3, s7;
	s7 =	simm.s32 @!p0 $0x108  }
0x21: {  	s3 =	sadd.s32 s3, s9;
	s6 =	sadd.s32 @!p0 $0x88, s6;
	s7 =	simm.s32 @p2 $0x1082  }
0x22: {  	[simem:s7], [sflag:s8] =	dma.local @!p0 [hbm:s6], $0xF7A  }
0x23: {  	s9 =	sor.u32 $0xD0000000, s2;
	s6 =	simm.s32 $0x108;
	_ =	swait.ge @!p0 [sflag:s8], $0x0  }
0x24: {  	s3 =	sadd.s32 $0x88, s3;
	s6 =	simm.s32 @!p1 $0x1082;
	[sflag:s4] =	ssyncset.s32 $0xFFFFF086  }
0x25: {  	[simem:s6], [sflag:s4] =	dma.local [hbm:s3], $0xF7A  }
0x26: {  	[smem:$0x3F9A] =	sst s1;
	(tag) =	ssettag s2;
	_ =	strace s9  }
0x27: {  	s1 =	sld [smem:$0x3FAA]  }
0x28: {  	s2 =	sld [smem:$0x3FAB]  }
0x29: {  	s4 =	sld [smem:$0x3FAD]  }
0x2a: {  	p0 =	seq.s32 s5, $0x0;
	s5 =	sld [smem:$0x3FAE]  }
0x2b: {  	s6 =	sld [smem:$0x3FAF]  }
0x2c: {  	s7 =	sld [smem:$0x3FB0]  }
0x2d: {  	s3 =	simm.s32 $0x108;
	s8 =	sld [smem:$0x3FB1]  }
0x2e: {  	s3 =	simm.s32 @!p0 $0x1082;
	s9 =	sld [smem:$0x3FB2]  }
0x2f: {  	lr =	sadd.s32 s0, s3;
	s0 =	sld [smem:$0x3FA9]  }
0x30: {  	s3 =	sld [smem:$0x3FAC]  }
0x31: {  	[smem:$0x3FB5] =	sst s10  }
0x32: {  	s10 =	sld [smem:$0x3FB3];
	_ =	sdelay $0x3  }
0x33: {  	p0 =	seq.s32 s10, $0x1;
	s10 =	sld [smem:$0x3FB5];
	_ =	sdelay $0x3  }
0x34: {  	[smem:$0x3FB5] =	sst s10  }
0x35: {  	s10 =	sld [smem:$0x3FB4];
	_ =	sdelay $0x3  }
0x36: {  	p1 =	seq.s32 s10, $0x1;
	s10 =	sld [smem:$0x3FB5];
	_ =	sdelay $0x3  }
0x37: {  	[smem:$0x3FB5] =	sst s10  }
0x38: {  	s10 =	sld [smem:$0x3FB6]  }
0x39: {  	_ = 	snop;
	(pc) =	sbr.ind lr, $3  }
0x3a: {  	_ = 	snop  }
0x3b: {  	_ = 	snop  }
0x3c: {  	p2 =	seq.s32 s10, $0x1;
	s10 =	sld [smem:$0x3FB5]  }
0x3d: {  	_ =	shalt  }
0x3e: {  	_ =	shalt  }
0x3f: {  	_ =	shalt  }
0x40: {  	_ =	shalt  }
0x41: {  	_ =	shalt  }
0x42: {  	_ =	shalt  }
0x43: {  	_ =	shalt  }
0x44: {  	_ =	shalt  }
0x45: {  	_ =	shalt  }
0x46: {  	_ =	shalt  }
0x47: {  	_ =	shalt  }
0x48: {  	_ =	shalt  }
0x49: {  	_ =	shalt  }
0x4a: {  	_ =	shalt  }
0x4b: {  	_ =	shalt  }
0x4c: {  	_ =	shalt  }
0x4d: {  	_ =	shalt  }
0x4e: {  	_ =	shalt  }
0x4f: {  	_ =	shalt  }
0x50: {  	_ =	shalt  }
0x51: {  	_ =	shalt  }
0x52: {  	_ =	shalt  }
0x53: {  	_ =	shalt  }
0x54: {  	_ =	shalt  }
0x55: {  	_ =	shalt  }
0x56: {  	_ =	shalt  }
0x57: {  	_ =	shalt  }
0x58: {  	_ =	shalt  }
0x59: {  	_ =	shalt  }
0x5a: {  	_ =	shalt  }
0x5b: {  	_ =	shalt  }
0x5c: {  	_ =	shalt  }
0x5d: {  	_ =	shalt  }
0x5e: {  	_ =	shalt  }
0x5f: {  	_ =	shalt  }
0x60: {  	_ =	shalt  }
0x61: {  	_ =	shalt  }
0x62: {  	_ =	shalt  }
0x63: {  	_ =	shalt  }
0x64: {  	_ =	shalt  }
0x65: {  	_ =	shalt  }
0x66: {  	_ =	shalt  }
0x67: {  	_ =	shalt  }
0x68: {  	_ =	shalt  }
0x69: {  	_ =	shalt  }
0x6a: {  	_ =	shalt  }
0x6b: {  	_ =	shalt  }
0x6c: {  	_ =	shalt  }
0x6d: {  	_ =	shalt  }
0x6e: {  	_ =	shalt  }
0x6f: {  	_ =	shalt  }
0x70: {  	_ =	shalt  }
0x71: {  	_ =	shalt  }
0x72: {  	_ =	shalt  }
0x73: {  	_ =	shalt  }
0x74: {  	_ =	shalt  }
0x75: {  	_ =	shalt  }
0x76: {  	_ =	shalt  }
0x77: {  	_ =	shalt  }
0x78: {  	_ =	shalt  }
0x79: {  	_ =	shalt  }
0x7a: {  	_ =	shalt  }
0x7b: {  	_ =	shalt  }
0x7c: {  	_ =	shalt  }
0x7d: {  	_ =	shalt  }
0x7e: {  	_ =	shalt  }
0x7f: {  	_ =	shalt  }
0x80: {  	_ =	shalt  }
0x81: {  	_ =	shalt  }
0x82: {  	_ =	shalt  }
0x83: {  	_ =	shalt  }
0x84: {  	_ =	shalt  }
0x85: {  	_ =	shalt  }
0x86: {  	_ =	shalt  }
0x87: {  	_ =	shalt  }
.Lfunc_end0:
.L_simem_size_0:
called_computation.1_lowered:
.L_overlay_start_0:
0x88: {  	s2 =	sld [smem:$0x3FD9]  }
0x89: {  	s3 =	sld [smem:$0x3FFE];
	_ =	sdelay $0x1  }
0x8a: {  	s1 =	srdreg.scid  }
0x8b: {  	s0 =	sand.u32 $0x1, s1  }
0x8c: {  	s17 =	sshll.u32 s0, $0xA;
	s2 =	sadd.s32 s3, s2  }
0x8d: {  	s2 =	sadd.s32 s2, s17  }
0x8e: {  	[smem:$0x3FC1] =	sst s2  }
0x8f: {  	_ = 	snop  }
0x90: {  	s2 =	sld [smem:$0x3FD0];
	(tm) =	ssettm $0x1  }
0x91: {  	s18 =	sld [smem:$0x3FFB];
	_ =	sdelay $0x3  }
0x92: {  	_ =	strace s18  }
0x93: {  	s3 =	sld [smem:$0x3FFC];
	_ =	sdelay $0x3  }
0x94: {  	_ =	strace s3  }
0x95: {  	s3 =	sld [smem:$0x3FFD];
	_ =	sdelay $0x3  }
0x96: {  	_ =	strace s3  }
0x97: {  	_ =	strace $0x8FFFFFFF  }
0x98: {  	s19 =	sld [smem:$0x3FDB];
	_ =	sdelay $0x1  }
0x99: {  	s4 =	simm.s32 $_scs_section_size  }
0x9a: {  	s5 =	simm.s32 $_size__tile_overlayer_lowered;
	s6 =	simm.s32 $_tile_overlayer_lowered  }
0x9b: {  	s22 =	simm.s32 $0x1BFF;
	s21 =	sshll.u32 s6, $0x1;
	s3 =	sadd.s32 s4, s19  }
0x9c: {  	s7 =	simm.s32 $0x0;
	s20 =	sshll.u32 s5, $0x1;
	s5 =	sadd.s32 s21, s3  }
0x9d: {  	[timem:s7], [sflag:s22] =	dma.local [hbm:s5], s20  }
0x9e: {  	_ =	swait.ge [sflag:s22], s20  }
0x9f: {  	s4 =	ssub.s32 $0x0, s20;
	[sflag:s22] =	ssyncset.done $0x0  }
0xa0: {  	[sflag:s22] =	ssyncadd.s32 s4;
	_ =	sdelay $0x1  }
0xa1: {  	s23 =	simm.s32 $0x1B8B  }
0xa2: {  	_ =	swait.ge [sflag:s23], $0x1  }
0xa3: {  	[sflag:s23] =	ssyncset.done $0x0  }
0xa4: {  	s25 =	simm.s32 $0x1B8E;
	s24 =	sld [smem:$0x3FFE];
	[sflag:s23] =	ssyncadd.s32 $0xFFFFFFFF  }
0xa5: {  	s26 =	simm.s32 $execute0_lowered;
	[smem:$0x3FD2] =	sst s25  }
0xa6: {  	s5 =	sshll.u32 s26, $0x1;
	_ =	strace $0x80000049;
	[dreg:$0x1] =	wrdreg $0xFFFFFFFF  }
0xa7: {  	s28 =	simm.s32 $_size_execute0_lowered;
	s3 =	sadd.s32 s3, s5;
	[dreg:$0x0] =	wrdreg $0x0  }
0xa8: {  	s5 =	sshll.u32 s28, $0x1;
	[dreg:$0x2] =	wrdreg s3  }
0xa9: {  	[dreg:$0x3] =	wrdreg s5  }
0xaa: {  	[dreg:$0x4] =	wrdreg $0xC0  }
0xab: {  	_ =	task [dreg:s7], $0x5FFFF  }
0xac: {  	[dreg:$0x1] =	wrdreg $0xFFFFFFFF  }
0xad: {  	[dreg:$0x0] =	wrdreg $0x60  }
0xae: {  	[dreg:$0x2] =	wrdreg s24  }
0xaf: {  	[dreg:$0x3] =	wrdreg s2  }
0xb0: {  	[dreg:$0x4] =	wrdreg $0xA8000  }
0xb1: {  	[dreg:$0x5] =	wrdreg $0x9  }
0xb2: {  	_ =	task.clear_ibuf [dreg:s7], $0x6FFFF;
	_ =	strace $0x90000049  }
0xb3: {  	s29 =	simm.s32 $0x9;
	_ =	strace $0x8000004B  }
0xb4: {  	_ =	swait.ge [sflag:s29], $0x1  }
0xb5: {  	[sflag:s29] =	ssyncadd.s32 $0xFFFFFFFF  }
0xb6: {  	_ =	strace $0x9000004B  }
0xb7: {  	_ =	sfence  }
0xb8: {  	s30 =	sld [smem:$0x0];
	_ =	sdelay $0x2  }
0xb9: {  	s31 =	sshll.u32 s1, $0xD;
	s1 =	sshrl.u32 s1, $0x2  }
0xba: {  	s3 =	sand.u32 $0x4000, s31;
	s1 =	sadd.s32 s1, s30  }
0xbb: {  	s0 =	sor.u32 s3, s0;
	s1 =	sshll.u32 s1, $0x11  }
0xbc: {  	s0 =	sor.u32 s1, s0  }
0xbd: {  	s0 =	sadd.s32 $0x8F2B, s0  }
0xbe: {  	[sflag:s0] =	ssyncadd.remote.s32 $0x1  }
0xbf: {  	_ =	sfence.sel $0xFFFF  }
0xc0: {  	[dreg:$0x0] =	wrdreg $0xFFFFFFFF;
	(pc) =	sbr.abs _section_cstart, $3  }
0xc1: {  	[dreg:$0x1] =	wrdreg $0xFFFFFFFF  }
0xc2: {  	_ =	task.clear_ibuf [dreg:s7], $0x2FFFF;
	_ =	strace $0x9FFFFFFF  }
0xc3: {  	(tm) =	ssettm $0x7FFFFFFF  }
tec
execute0_lowered:
.L_overlay_start_1:
0x0: {  	(tag) =	ssettag $0x1  }
0x1: {  	s0 =	rddreg [dreg:$0x0]  }
0x2: {  	s2 =	rddreg [dreg:$0x1]  }
0x3: {  	s3 =	rddreg [dreg:$0x2]  }
0x4: {  	s1 =	stileid.u32;
	s5 =	srdreg.scid;
	s4 =	simm.s32 $0x0  }
0x5: {  	s14 =	simm.s32 $0x1400;
	s15 =	simm.s32 $0x40;
	s16 =	simm.s32 $0x2800  }
0x6: {  	s17 =	simm.s32 $0x80;
	s18 =	simm.s32 $0x4800;
	s19 =	simm.s32 $0x100  }
0x7: {  	s20 =	simm.s32 $0x6800;
	s21 =	simm.s32 $0x180;
	s22 =	simm.s32 $0x8800  }
0x8: {  	s23 =	simm.s32 $0x1;
	s28 =	simm.s32 $0x2700;
	s7 =	smul.u32 $0x14000, s1  }
0x9: {  	s29 =	simm.s32 $0x2780;
	s8 =	sand.u32 $0x1, s5;
	s11 =	smul.u32 $0x50000, s1  }
0xa: {  	[smem:$0x7FF] =	sst s4;
	s5 =	sadd.s32 $0x2000, s0;
	s30 =	smul.u32 $0x28, s1  }
0xb: {  	s6 =	sadd.s32 $0x34C00, s0;
	s31 =	sshll.u32 s1, $0x6;
	s9 =	smul.u32 $0x140000, s8  }
0xc: {  	_ =	strace $0x8000004A;
	s24 =	ssub.s32 $0x2, s8;
	p0 =	seq.s32 s8, $0x1  }
0xd: {  	s10 =	sshrl.u32 s7, $0x3;
	s25 =	sshrl.u32 s24, $0x1;
	s26 =	sshrl.u32 s11, $0x2  }
0xe: {  	s8 =	sadd.s32 $0x1180, s30;
	s7 =	sadd.s32 s7, s9;
	s10 =	sadd.s32 s10, s0  }
0xf: {  	s12 =	ssub.s32 s24, s25;
	s13 =	sadd.s32 s26, s3;
	s9 =	sor.u32 $0x1C03, s31  }
0x10: {  	s24 =	simm.s32 $0x2;
	s25 =	simm.s32 $0x2600;
	s7 =	sshrl.u32 s7, $0x3  }
0x11: {  	s0 =	sadd.s32 s7, s0;
	s7 =	sadd.s32 $0x48C00, s10;
	s10 =	smul.u32 $0x118, s1  }
0x12: {  	s26 =	simm.s32 $0x2680;
	s11 =	smax.u32 s12, $0x1;
	s12 =	sshrl.u32 s13, $0x3  }
0x13: {  	s13 =	simm.s32 $0x3;
	s8 =	smov.u32 @p0 s10;
	s10 =	sadd.s32 $0x70C00, s0  }
.LBB2_1:
0x14: {  	[spmem:s12], [sflag:s9] =	dma.local [hbm:s7], $0x2800  }
0x15: {  	_ =	swait.ge [sflag:s13], $0x2800  }
0x16: {  	[sflag:s13] =	ssyncset.done $0x0  }
0x17: {  	[sflag:s13] =	ssyncadd.s32 $0xFFFFD800  }
0x18: {  	s30 =	simm.s32 $0x0;
	[bflag:$0x0] =	sbarrier.arrive $0xFFFF  }
.LBB2_2:
0x19: {  	s0 =	smul.u32 $0x28, s30;
	_ =	sdelay $0x1  }
0x1a: {  	s0 =	sadd.s32 s8, s0  }
0x1b: {  	s0 =	sshll.u32 s0, $0x4  }
0x1c: {  	s1 =	simm.s32 $0x0;
	s31 =	sadd.s32 s6, s0  }
0x1d: {  	[tilespmem:s1], [sflag:$0x3] =	stream.linear.gather [hbm4b:s31+s1], $0x1400, $0x38;
	[tilespmem:$0x1E800] =	vst v63  }
0x1e: {  	_ =	swait.ge [sflag:s13], $0x1400  }
0x1f: {  	[sflag:s13] =	ssyncset.done $0x0  }
0x20: {  	s0 =	sadd.s32 s2, s0;
	[sflag:s13] =	ssyncadd.s32 $0xFFFFEC00  }
0x21: {  	[tilespmem:s14], [sflag:$0x3] =	stream.linear.gather [hbm4b:s0+s1], $0x1400, $0x38;
	[tilespmem:$0x1E800] =	vst v63  }
0x22: {  	_ =	swait.ge [sflag:s13], $0x1400  }
0x23: {  	[sflag:s13] =	ssyncset.done $0x0  }
0x24: {  	[sflag:s13] =	ssyncadd.s32 $0xFFFFEC00  }
0x25: {  	[tilespmem:s16], [sflag:$0x1] =	stream.indirect.gather [hbm4b:s5+s15], $0x80, s1, s15, $0xb8;
	[tilespmem:$0x1E800] =	vst v63  }
0x26: {  	_ = 	snop  }
0x27: {  	[tilespmem:s18], [sflag:$0x1] =	stream.indirect.gather [hbm4b:s5+s15], $0x80, s17, s15, $0xb8;
	[tilespmem:$0x1E800] =	vst v63  }
0x28: {  	_ = 	snop  }
0x29: {  	[tilespmem:s20], [sflag:$0x1] =	stream.indirect.gather [hbm4b:s5+s15], $0x80, s19, s15, $0xb8;
	[tilespmem:$0x1E800] =	vst v63  }
0x2a: {  	_ = 	snop  }
0x2b: {  	[tilespmem:s22], [sflag:$0x1] =	stream.indirect.gather [hbm4b:s5+s15], $0x80, s21, s15, $0xb8;
	[tilespmem:$0x1E800] =	vst v63  }
0x2c: {  	_ =	swait.ge [sflag:s23], $0x2000  }
0x2d: {  	[sflag:s23] =	ssyncset.done $0x0  }
0x2e: {  	s1 =	simm.s32 $0x1400;
	[sflag:s23] =	ssyncadd.s32 $0xFFFFE000  }
0x2f: {  	[spmem:s3] =	stream.indirect.scatter.add.f32 [tilespmem:s16], [sflag:$0x2], $0x80, s1, s15, $0xb8;
	[tilespmem:$0x1E800] =	vst v63  }
0x30: {  	_ =	swait.ge [sflag:s24], $0x2000  }
0x31: {  	[sflag:s24] =	ssyncset.done $0x0  }
0x32: {  	s1 =	simm.s32 $0x200;
	[sflag:s24] =	ssyncadd.s32 $0xFFFFE000  }
0x33: {  	[tilespmem:s16], [sflag:$0x1] =	stream.indirect.gather [hbm4b:s5+s15], $0x80, s1, s15, $0xb8;
	[tilespmem:$0x1E800] =	vst v63  }
0x34: {  	_ =	swait.ge [sflag:s23], $0x2000  }
0x35: {  	[sflag:s23] =	ssyncset.done $0x0  }
0x36: {  	s1 =	simm.s32 $0x1480;
	[sflag:s23] =	ssyncadd.s32 $0xFFFFE000  }
0x37: {  	[spmem:s3] =	stream.indirect.scatter.add.f32 [tilespmem:s18], [sflag:$0x2], $0x80, s1, s15, $0xb8;
	[tilespmem:$0x1E800] =	vst v63  }
0x38: {  	_ =	swait.ge [sflag:s24], $0x2000  }
0x39: {  	[sflag:s24] =	ssyncset.done $0x0  }
0x3a: {  	s1 =	simm.s32 $0x280;
	[sflag:s24] =	ssyncadd.s32 $0xFFFFE000  }
0x3b: {  	[tilespmem:s18], [sflag:$0x1] =	stream.indirect.gather [hbm4b:s5+s15], $0x80, s1, s15, $0xb8;
	[tilespmem:$0x1E800] =	vst v63  }
0x3c: {  	_ =	swait.ge [sflag:s23], $0x2000  }
0x3d: {  	[sflag:s23] =	ssyncset.done $0x0  }
0x3e: {  	s1 =	simm.s32 $0x1500;
	[sflag:s23] =	ssyncadd.s32 $0xFFFFE000  }
0x3f: {  	[spmem:s3] =	stream.indirect.scatter.add.f32 [tilespmem:s20], [sflag:$0x2], $0x80, s1, s15, $0xb8;
	[tilespmem:$0x1E800] =	vst v63  }
0x40: {  	_ =	swait.ge [sflag:s24], $0x2000  }
0x41: {  	[sflag:s24] =	ssyncset.done $0x0  }
0x42: {  	s1 =	simm.s32 $0x300;
	[sflag:s24] =	ssyncadd.s32 $0xFFFFE000  }
0x43: {  	[tilespmem:s20], [sflag:$0x1] =	stream.indirect.gather [hbm4b:s5+s15], $0x80, s1, s15, $0xb8;
	[tilespmem:$0x1E800] =	vst v63  }
0x44: {  	_ =	swait.ge [sflag:s23], $0x2000  }
0x45: {  	[sflag:s23] =	ssyncset.done $0x0  }
0x46: {  	s1 =	simm.s32 $0x1580;
	[sflag:s23] =	ssyncadd.s32 $0xFFFFE000  }
0x47: {  	[spmem:s3] =	stream.indirect.scatter.add.f32 [tilespmem:s22], [sflag:$0x2], $0x80, s1, s15, $0xb8;
	[tilespmem:$0x1E800] =	vst v63  }
0x48: {  	_ =	swait.ge [sflag:s24], $0x2000  }
0x49: {  	[sflag:s24] =	ssyncset.done $0x0  }
0x4a: {  	s31 =	simm.s32 $0x800;
	s0 =	simm.s32 $0x380;
	[sflag:s24] =	ssyncadd.s32 $0xFFFFE000  }
.LBB2_3:
0x4b: {  	[tilespmem:s22], [sflag:$0x1] =	stream.indirect.gather [hbm4b:s5+s15], $0x80, s0, s15, $0xb8;
	[tilespmem:$0x1E800] =	vst v63  }
0x4c: {  	s0 =	smov.u32 s31  }
0x4d: {  	p1 =	sne.s32 s31, $0x4000;
	s31 =	sadd.s32 $0x800, s31;
	_ =	swait.ge [sflag:s23], $0x2000  }
0x4e: {  	s0 =	sshra.s32 s0, $0x2;
	[sflag:s23] =	ssyncset.done $0x0  }
0x4f: {  	s1 =	sadd.s32 $0x1400, s0;
	[sflag:s23] =	ssyncadd.s32 $0xFFFFE000  }
0x50: {  	[spmem:s3] =	stream.indirect.scatter.add.f32 [tilespmem:s16], [sflag:$0x2], $0x80, s1, s15, $0xb8;
	[tilespmem:$0x1E800] =	vst v63  }
0x51: {  	_ =	swait.ge [sflag:s24], $0x2000  }
0x52: {  	[sflag:s24] =	ssyncset.done $0x0  }
0x53: {  	s1 =	sadd.s32 $0x200, s0;
	[sflag:s24] =	ssyncadd.s32 $0xFFFFE000  }
0x54: {  	[tilespmem:s16], [sflag:$0x1] =	stream.indirect.gather [hbm4b:s5+s15], $0x80, s1, s15, $0xb8;
	[tilespmem:$0x1E800] =	vst v63  }
0x55: {  	_ =	swait.ge [sflag:s23], $0x2000  }
0x56: {  	[sflag:s23] =	ssyncset.done $0x0  }
0x57: {  	s1 =	sadd.s32 $0x1480, s0;
	[sflag:s23] =	ssyncadd.s32 $0xFFFFE000  }
0x58: {  	[spmem:s3] =	stream.indirect.scatter.add.f32 [tilespmem:s18], [sflag:$0x2], $0x80, s1, s15, $0xb8;
	[tilespmem:$0x1E800] =	vst v63  }
0x59: {  	_ =	swait.ge [sflag:s24], $0x2000  }
0x5a: {  	[sflag:s24] =	ssyncset.done $0x0  }
0x5b: {  	s1 =	sadd.s32 $0x280, s0;
	[sflag:s24] =	ssyncadd.s32 $0xFFFFE000  }
0x5c: {  	[tilespmem:s18], [sflag:$0x1] =	stream.indirect.gather [hbm4b:s5+s15], $0x80, s1, s15, $0xb8;
	[tilespmem:$0x1E800] =	vst v63  }
0x5d: {  	_ =	swait.ge [sflag:s23], $0x2000  }
0x5e: {  	[sflag:s23] =	ssyncset.done $0x0  }
0x5f: {  	s1 =	sadd.s32 $0x1500, s0;
	[sflag:s23] =	ssyncadd.s32 $0xFFFFE000  }
0x60: {  	[spmem:s3] =	stream.indirect.scatter.add.f32 [tilespmem:s20], [sflag:$0x2], $0x80, s1, s15, $0xb8;
	[tilespmem:$0x1E800] =	vst v63  }
0x61: {  	_ =	swait.ge [sflag:s24], $0x2000  }
0x62: {  	[sflag:s24] =	ssyncset.done $0x0  }
0x63: {  	s1 =	sadd.s32 $0x300, s0;
	[sflag:s24] =	ssyncadd.s32 $0xFFFFE000  }
0x64: {  	[tilespmem:s20], [sflag:$0x1] =	stream.indirect.gather [hbm4b:s5+s15], $0x80, s1, s15, $0xb8;
	[tilespmem:$0x1E800] =	vst v63  }
0x65: {  	_ =	swait.ge [sflag:s23], $0x2000  }
0x66: {  	[sflag:s23] =	ssyncset.done $0x0  }
.Ltmp0:
0x67: {  	s1 =	sadd.s32 $0x1580, s0;
	[sflag:s23] =	ssyncadd.s32 $0xFFFFE000;
	(pc) =	sbr.rel @p1 .LBB2_3-.Ltmp0, $4  }
0x68: {  	[spmem:s3] =	stream.indirect.scatter.add.f32 [tilespmem:s22], [sflag:$0x2], $0x80, s1, s15, $0xb8;
	[tilespmem:$0x1E800] =	vst v63  }
0x69: {  	_ =	swait.ge [sflag:s24], $0x2000  }
0x6a: {  	[sflag:s24] =	ssyncset.done $0x0  }
0x6b: {  	s0 =	sadd.s32 $0x380, s0;
	[sflag:s24] =	ssyncadd.s32 $0xFFFFE000  }
0x6c: {  	[tilespmem:s22], [sflag:$0x1] =	stream.indirect.gather [hbm4b:s5+s15], $0x80, s0, s15, $0xb8;
	[tilespmem:$0x1E800] =	vst v63  }
0x6d: {  	_ =	swait.ge [sflag:s23], $0x2000  }
0x6e: {  	[sflag:s23] =	ssyncset.done $0x0  }
0x6f: {  	[sflag:s23] =	ssyncadd.s32 $0xFFFFE000  }
0x70: {  	[spmem:s3] =	stream.indirect.scatter.add.f32 [tilespmem:s16], [sflag:$0x2], $0x80, s25, s15, $0xb8;
	[tilespmem:$0x1E800] =	vst v63  }
0x71: {  	_ =	swait.ge [sflag:s24], $0x2000  }
0x72: {  	[sflag:s24] =	ssyncset.done $0x0  }
0x73: {  	[sflag:s24] =	ssyncadd.s32 $0xFFFFE000  }
0x74: {  	_ =	swait.ge [sflag:s23], $0x2000  }
0x75: {  	[sflag:s23] =	ssyncset.done $0x0  }
0x76: {  	[sflag:s23] =	ssyncadd.s32 $0xFFFFE000  }
0x77: {  	[spmem:s3] =	stream.indirect.scatter.add.f32 [tilespmem:s18], [sflag:$0x2], $0x80, s26, s15, $0xb8;
	[tilespmem:$0x1E800] =	vst v63  }
0x78: {  	_ =	swait.ge [sflag:s24], $0x2000  }
0x79: {  	[sflag:s24] =	ssyncset.done $0x0  }
0x7a: {  	[sflag:s24] =	ssyncadd.s32 $0xFFFFE000  }
0x7b: {  	_ =	swait.ge [sflag:s23], $0x2000  }
0x7c: {  	[sflag:s23] =	ssyncset.done $0x0  }
0x7d: {  	[sflag:s23] =	ssyncadd.s32 $0xFFFFE000  }
0x7e: {  	[spmem:s3] =	stream.indirect.scatter.add.f32 [tilespmem:s20], [sflag:$0x2], $0x80, s28, s15, $0xb8;
	[tilespmem:$0x1E800] =	vst v63  }
0x7f: {  	_ =	swait.ge [sflag:s24], $0x2000  }
0x80: {  	[sflag:s24] =	ssyncset.done $0x0  }
0x81: {  	p1 =	slt.u32 s30, $0x6;
	[sflag:s24] =	ssyncadd.s32 $0xFFFFE000  }
0x82: {  	p1 =	por !p0, !p1;
	_ =	swait.ge [sflag:s23], $0x2000  }
0x83: {  	p1 =	por !p1, !p1;
	[sflag:s23] =	ssyncset.done $0x0  }
.Ltmp1:
0x84: {  	[sflag:s23] =	ssyncadd.s32 $0xFFFFE000;
	(pc) =	sbr.rel @p1 .LBB2_2-.Ltmp1, $4  }
0x85: {  	[spmem:s3] =	stream.indirect.scatter.add.f32 [tilespmem:s22], [sflag:$0x2], $0x80, s29, s15, $0xb8;
	[tilespmem:$0x1E800] =	vst v63  }
0x86: {  	_ =	swait.ge [sflag:s24], $0x2000  }
0x87: {  	[sflag:s24] =	ssyncset.done $0x0  }
0x88: {  	s30 =	sadd.s32 $0x1, s30;
	[sflag:s24] =	ssyncadd.s32 $0xFFFFE000  }
0x89: {  	s4 =	sadd.s32 $0x1, s4  }
0x8a: {  	p1 =	sne.s32 s4, s11  }
.Ltmp2:
0x8b: {  	[bflag:$0x0] =	sbarrier.arrive $0xFFFF;
	(pc) =	sbr.rel @p1 .LBB2_1-.Ltmp2, $4  }
0x8c: {  	[hbm:s10], [sflag:s9] =	dma.local [spmem:s12], $0x2800  }
0x8d: {  	_ =	swait.ge [sflag:s13], $0x2800  }
0x8e: {  	[sflag:s13] =	ssyncset.done $0x0  }
0x8f: {  	[sflag:s13] =	ssyncadd.s32 $0xFFFFD800  }
0x90: {  	_ =	sfence.sel $0x180000  }
0x91: {  	[bflag:$0x0] =	sbarrier.arrive $0xFFFF  }
0x92: {  	_ =	strace $0x9000004A  }
0x93: {  	s0 =	stileid.u32;
	[bflag:$0x2] =	sbarrier.arrive $0xFFFF  }
0x94: {  	p0 =	sne.s32 s0, $0x0;
	s0 =	rddreg [dreg:$0x3]  }
0x95: {  	s0 =	sadd.s32 @!p0 $0x100000, s0  }
0x96: {  	[sflag:s0] =	ssyncadd.tile.s32 @!p0 $0x1;
	_ =	shalt  }
.Lfunc_end2:
_tile_overlayer_lowered:
.L_overlay_start_2:
0x97: {  	(tag) =	ssettag $0x2  }
0x98: {  	s0 =	rddreg [dreg:$0x0];
	s2 =	stileid.u32  }
0x99: {  	s1 =	rddreg [dreg:$0x1];
	p0 =	sne.s32 s2, $0x0  }
0x9a: {  	s3 =	rddreg [dreg:$0x2];
	[bflag:$0x3] =	sbarrier.arrive $0xFFFF;
	s2 =	simm.s32 @!p0 $0x1C03  }
0x9b: {  	[timem:s3], [sflag:s2] =	dma.local @!p0 [hbm:s0], s1  }
0x9c: {  	s0 =	simm.s32 @!p0 $0x3  }
0x9d: {  	_ =	swait.ge @!p0 [sflag:s0], s1  }
0x9e: {  	s1 =	ssub.s32 @!p0 $0x0, s1;
	[sflag:s0] =	ssyncset.done @!p0 $0x0  }
0x9f: {  	[sflag:s0] =	ssyncadd.s32 @!p0 s1  }
0xa0: {  	[bflag:$0x3] =	sbarrier.arrive $0xFFFF  }
0xa1: {  	_ =	shalt  }

// kernel: kernel.14.cloned.1.call-start
scs
__scs_entry_jumppad:
0x0: {  	(pc) =	sbr.rel $0x88, $3  }
0x1: {  	(tag) =	ssettag $0x0;
	lr =	simm.s32 $0x1  }
0x2: {  	[smem:$0x3F9A] =	sst lr;
	_ =	strace $0xD0000000  }
0x3: {  	_ = 	snop  }
0x4: {  	_ = 	snop  }
0x5: {  	_ = 	snop  }
0x6: {  	_ = 	snop  }
0x7: {  	_ = 	snop  }
__scs_overlays_trampoline_lowered:
0x8: {  	[smem:$0x3FA9] =	sst s0  }
0x9: {  	[smem:$0x3FAA] =	sst s1  }
0xa: {  	[smem:$0x3FAB] =	sst s2  }
0xb: {  	[smem:$0x3FAC] =	sst s3  }
0xc: {  	[smem:$0x3FAD] =	sst s4  }
0xd: {  	[smem:$0x3FAE] =	sst s5  }
0xe: {  	[smem:$0x3FAF] =	sst s6  }
0xf: {  	[smem:$0x3FB0] =	sst s7  }
0x10: {  	[smem:$0x3FB1] =	sst s8  }
0x11: {  	[smem:$0x3FB2] =	sst s9;
	s0 =	simm.s32 @!p0 $0x0  }
0x12: {  	s1 =	sld [smem:$0x3F98];
	s0 =	simm.s32 @p0 $0x1  }
0x13: {  	[smem:$0x3FB3] =	sst s0;
	s0 =	simm.s32 @!p1 $0x0  }
0x14: {  	s2 =	sld [smem:$0x3F97];
	s0 =	simm.s32 @p1 $0x1  }
0x15: {  	[smem:$0x3FB4] =	sst s0;
	s0 =	simm.s32 @!p2 $0x0  }
0x16: {  	s3 =	sld [smem:$0x3FDB];
	s0 =	simm.s32 @p2 $0x1  }
0x17: {  	s4 =	simm.s32 $0x1BF5;
	[smem:$0x3FB6] =	sst s0  }
0x18: {  	s0 =	sld [smem:$0x3F99];
	_ =	swait.ge [sflag:s4], $0x0  }
0x19: {  	s7 =	sld [smem:$0x3F9A]  }
0x1a: {  	s8 =	sadd.s32 $0xFFFFE003, lr  }
0x1b: {  	s9 =	sadd.s32 $0xFFFFFEF7, lr;
	s5 =	simm.s32 $0xFFFFFFFF;
	p2 =	slt.u32 s8, $0xFFFFF086  }
0x1c: {  	p1 =	slt.u32 s9, $0xF7A;
	s5 =	simm.s32 @!p2 $0x0  }
0x1d: {  	s5 =	simm.s32 @p1 $0x1;
	p0 =	seq.s32 s7, s2  }
0x1e: {  	s7 =	smul.u32 @!p0 $0xF7A, s2;
	p2 =	seq.s32 @!p0 s5, $0x0  }
0x1f: {  	s9 =	smul.u32 $0xF7A, s1;
	s8 =	simm.s32 @!p0 $0x1BF5;
	p2 =	por !p2, p0  }
0x20: {  	[sflag:s8] =	ssyncset.s32 @!p0 $0xFFFFF086;
	s6 =	sadd.s32 @!p0 s3, s7;
	s7 =	simm.s32 @!p0 $0x108  }
0x21: {  	s3 =	sadd.s32 s3, s9;
	s6 =	sadd.s32 @!p0 $0x88, s6;
	s7 =	simm.s32 @p2 $0x1082  }
0x22: {  	[simem:s7], [sflag:s8] =	dma.local @!p0 [hbm:s6], $0xF7A  }
0x23: {  	s9 =	sor.u32 $0xD0000000, s2;
	s6 =	simm.s32 $0x108;
	_ =	swait.ge @!p0 [sflag:s8], $0x0  }
0x24: {  	s3 =	sadd.s32 $0x88, s3;
	s6 =	simm.s32 @!p1 $0x1082;
	[sflag:s4] =	ssyncset.s32 $0xFFFFF086  }
0x25: {  	[simem:s6], [sflag:s4] =	dma.local [hbm:s3], $0xF7A  }
0x26: {  	[smem:$0x3F9A] =	sst s1;
	(tag) =	ssettag s2;
	_ =	strace s9  }
0x27: {  	s1 =	sld [smem:$0x3FAA]  }
0x28: {  	s2 =	sld [smem:$0x3FAB]  }
0x29: {  	s4 =	sld [smem:$0x3FAD]  }
0x2a: {  	p0 =	seq.s32 s5, $0x0;
	s5 =	sld [smem:$0x3FAE]  }
0x2b: {  	s6 =	sld [smem:$0x3FAF]  }
0x2c: {  	s7 =	sld [smem:$0x3FB0]  }
0x2d: {  	s3 =	simm.s32 $0x108;
	s8 =	sld [smem:$0x3FB1]  }
0x2e: {  	s3 =	simm.s32 @!p0 $0x1082;
	s9 =	sld [smem:$0x3FB2]  }
0x2f: {  	lr =	sadd.s32 s0, s3;
	s0 =	sld [smem:$0x3FA9]  }
0x30: {  	s3 =	sld [smem:$0x3FAC]  }
0x31: {  	[smem:$0x3FB5] =	sst s10  }
0x32: {  	s10 =	sld [smem:$0x3FB3];
	_ =	sdelay $0x3  }
0x33: {  	p0 =	seq.s32 s10, $0x1;
	s10 =	sld [smem:$0x3FB5];
	_ =	sdelay $0x3  }
0x34: {  	[smem:$0x3FB5] =	sst s10  }
0x35: {  	s10 =	sld [smem:$0x3FB4];
	_ =	sdelay $0x3  }
0x36: {  	p1 =	seq.s32 s10, $0x1;
	s10 =	sld [smem:$0x3FB5];
	_ =	sdelay $0x3  }
0x37: {  	[smem:$0x3FB5] =	sst s10  }
0x38: {  	s10 =	sld [smem:$0x3FB6]  }
0x39: {  	_ = 	snop;
	(pc) =	sbr.ind lr, $3  }
0x3a: {  	_ = 	snop  }
0x3b: {  	_ = 	snop  }
0x3c: {  	p2 =	seq.s32 s10, $0x1;
	s10 =	sld [smem:$0x3FB5]  }
0x3d: {  	_ =	shalt  }
0x3e: {  	_ =	shalt  }
0x3f: {  	_ =	shalt  }
0x40: {  	_ =	shalt  }
0x41: {  	_ =	shalt  }
0x42: {  	_ =	shalt  }
0x43: {  	_ =	shalt  }
0x44: {  	_ =	shalt  }
0x45: {  	_ =	shalt  }
0x46: {  	_ =	shalt  }
0x47: {  	_ =	shalt  }
0x48: {  	_ =	shalt  }
0x49: {  	_ =	shalt  }
0x4a: {  	_ =	shalt  }
0x4b: {  	_ =	shalt  }
0x4c: {  	_ =	shalt  }
0x4d: {  	_ =	shalt  }
0x4e: {  	_ =	shalt  }
0x4f: {  	_ =	shalt  }
0x50: {  	_ =	shalt  }
0x51: {  	_ =	shalt  }
0x52: {  	_ =	shalt  }
0x53: {  	_ =	shalt  }
0x54: {  	_ =	shalt  }
0x55: {  	_ =	shalt  }
0x56: {  	_ =	shalt  }
0x57: {  	_ =	shalt  }
0x58: {  	_ =	shalt  }
0x59: {  	_ =	shalt  }
0x5a: {  	_ =	shalt  }
0x5b: {  	_ =	shalt  }
0x5c: {  	_ =	shalt  }
0x5d: {  	_ =	shalt  }
0x5e: {  	_ =	shalt  }
0x5f: {  	_ =	shalt  }
0x60: {  	_ =	shalt  }
0x61: {  	_ =	shalt  }
0x62: {  	_ =	shalt  }
0x63: {  	_ =	shalt  }
0x64: {  	_ =	shalt  }
0x65: {  	_ =	shalt  }
0x66: {  	_ =	shalt  }
0x67: {  	_ =	shalt  }
0x68: {  	_ =	shalt  }
0x69: {  	_ =	shalt  }
0x6a: {  	_ =	shalt  }
0x6b: {  	_ =	shalt  }
0x6c: {  	_ =	shalt  }
0x6d: {  	_ =	shalt  }
0x6e: {  	_ =	shalt  }
0x6f: {  	_ =	shalt  }
0x70: {  	_ =	shalt  }
0x71: {  	_ =	shalt  }
0x72: {  	_ =	shalt  }
0x73: {  	_ =	shalt  }
0x74: {  	_ =	shalt  }
0x75: {  	_ =	shalt  }
0x76: {  	_ =	shalt  }
0x77: {  	_ =	shalt  }
0x78: {  	_ =	shalt  }
0x79: {  	_ =	shalt  }
0x7a: {  	_ =	shalt  }
0x7b: {  	_ =	shalt  }
0x7c: {  	_ =	shalt  }
0x7d: {  	_ =	shalt  }
0x7e: {  	_ =	shalt  }
0x7f: {  	_ =	shalt  }
0x80: {  	_ =	shalt  }
0x81: {  	_ =	shalt  }
0x82: {  	_ =	shalt  }
0x83: {  	_ =	shalt  }
0x84: {  	_ =	shalt  }
0x85: {  	_ =	shalt  }
0x86: {  	_ =	shalt  }
0x87: {  	_ =	shalt  }
.Lfunc_end0:
.L_simem_size_0:
called_computation.2_lowered:
.L_overlay_start_0:
0x88: {  	s2 =	sld [smem:$0x3FD9]  }
0x89: {  	s3 =	sld [smem:$0x3FFE];
	_ =	sdelay $0x1  }
0x8a: {  	s1 =	srdreg.scid  }
0x8b: {  	s0 =	sand.u32 $0x1, s1  }
0x8c: {  	s17 =	sshll.u32 s0, $0xA;
	s2 =	sadd.s32 s3, s2  }
0x8d: {  	s2 =	sadd.s32 s2, s17  }
0x8e: {  	[smem:$0x3FC1] =	sst s2  }
0x8f: {  	_ = 	snop  }
0x90: {  	s2 =	sld [smem:$0x3FD0];
	(tm) =	ssettm $0x1  }
0x91: {  	s18 =	sld [smem:$0x3FFB];
	_ =	sdelay $0x3  }
0x92: {  	_ =	strace s18  }
0x93: {  	s3 =	sld [smem:$0x3FFC];
	_ =	sdelay $0x3  }
0x94: {  	_ =	strace s3  }
0x95: {  	s3 =	sld [smem:$0x3FFD];
	_ =	sdelay $0x3  }
0x96: {  	_ =	strace s3  }
0x97: {  	_ =	strace $0x8FFFFFFF  }
0x98: {  	s19 =	sld [smem:$0x3FDB];
	_ =	sdelay $0x1  }
0x99: {  	s4 =	simm.s32 $_scs_section_size  }
0x9a: {  	s5 =	simm.s32 $_size__tile_overlayer_lowered;
	s6 =	simm.s32 $_tile_overlayer_lowered  }
0x9b: {  	s22 =	simm.s32 $0x1BFF;
	s21 =	sshll.u32 s6, $0x1;
	s3 =	sadd.s32 s4, s19  }
0x9c: {  	s7 =	simm.s32 $0x0;
	s20 =	sshll.u32 s5, $0x1;
	s5 =	sadd.s32 s21, s3  }
0x9d: {  	[timem:s7], [sflag:s22] =	dma.local [hbm:s5], s20  }
0x9e: {  	_ =	swait.ge [sflag:s22], s20  }
0x9f: {  	s4 =	ssub.s32 $0x0, s20;
	[sflag:s22] =	ssyncset.done $0x0  }
0xa0: {  	[sflag:s22] =	ssyncadd.s32 s4;
	_ =	sdelay $0x1  }
0xa1: {  	s23 =	simm.s32 $0x1B8B  }
0xa2: {  	_ =	swait.ge [sflag:s23], $0x1  }
0xa3: {  	[sflag:s23] =	ssyncset.done $0x0  }
0xa4: {  	s25 =	simm.s32 $0x1B8E;
	s24 =	sld [smem:$0x3FFE];
	[sflag:s23] =	ssyncadd.s32 $0xFFFFFFFF  }
0xa5: {  	s26 =	simm.s32 $execute0_lowered;
	[smem:$0x3FD2] =	sst s25  }
0xa6: {  	s5 =	sshll.u32 s26, $0x1;
	_ =	strace $0x8000004C;
	[dreg:$0x1] =	wrdreg $0xFFFFFFFF  }
0xa7: {  	s28 =	simm.s32 $_size_execute0_lowered;
	s3 =	sadd.s32 s3, s5;
	[dreg:$0x0] =	wrdreg $0x0  }
0xa8: {  	s5 =	sshll.u32 s28, $0x1;
	[dreg:$0x2] =	wrdreg s3  }
0xa9: {  	[dreg:$0x3] =	wrdreg s5  }
0xaa: {  	[dreg:$0x4] =	wrdreg $0xC0  }
0xab: {  	_ =	task [dreg:s7], $0x5FFFF  }
0xac: {  	[dreg:$0x1] =	wrdreg $0xFFFFFFFF  }
0xad: {  	[dreg:$0x0] =	wrdreg $0x60  }
0xae: {  	[dreg:$0x2] =	wrdreg s24  }
0xaf: {  	[dreg:$0x3] =	wrdreg s2  }
0xb0: {  	[dreg:$0x4] =	wrdreg $0xA8000  }
0xb1: {  	[dreg:$0x5] =	wrdreg $0x9  }
0xb2: {  	_ =	task.clear_ibuf [dreg:s7], $0x6FFFF;
	_ =	strace $0x9000004C  }
0xb3: {  	s29 =	simm.s32 $0x9;
	_ =	strace $0x8000004E  }
0xb4: {  	_ =	swait.ge [sflag:s29], $0x1  }
0xb5: {  	[sflag:s29] =	ssyncadd.s32 $0xFFFFFFFF  }
0xb6: {  	_ =	strace $0x9000004E  }
0xb7: {  	_ =	sfence  }
0xb8: {  	s30 =	sld [smem:$0x0];
	_ =	sdelay $0x2  }
0xb9: {  	s31 =	sshll.u32 s1, $0xD;
	s1 =	sshrl.u32 s1, $0x2  }
0xba: {  	s3 =	sand.u32 $0x4000, s31;
	s1 =	sadd.s32 s1, s30  }
0xbb: {  	s0 =	sor.u32 s3, s0;
	s1 =	sshll.u32 s1, $0x11  }
0xbc: {  	s0 =	sor.u32 s1, s0  }
0xbd: {  	s0 =	sadd.s32 $0x8F2B, s0  }
0xbe: {  	[sflag:s0] =	ssyncadd.remote.s32 $0x1  }
0xbf: {  	_ =	sfence.sel $0xFFFF  }
0xc0: {  	[dreg:$0x0] =	wrdreg $0xFFFFFFFF;
	(pc) =	sbr.abs _section_cstart, $3  }
0xc1: {  	[dreg:$0x1] =	wrdreg $0xFFFFFFFF  }
0xc2: {  	_ =	task.clear_ibuf [dreg:s7], $0x2FFFF;
	_ =	strace $0x9FFFFFFF  }
0xc3: {  	(tm) =	ssettm $0x7FFFFFFF  }
tec
execute0_lowered:
.L_overlay_start_1:
0x0: {  	(tag) =	ssettag $0x1  }
0x1: {  	s0 =	rddreg [dreg:$0x0]  }
0x2: {  	s2 =	rddreg [dreg:$0x1]  }
0x3: {  	s3 =	rddreg [dreg:$0x2]  }
0x4: {  	s1 =	stileid.u32;
	s5 =	srdreg.scid;
	s4 =	simm.s32 $0x0  }
0x5: {  	s14 =	simm.s32 $0x1400;
	s15 =	simm.s32 $0x40;
	s16 =	simm.s32 $0x2800  }
0x6: {  	s17 =	simm.s32 $0x80;
	s18 =	simm.s32 $0x4800;
	s19 =	simm.s32 $0x100  }
0x7: {  	s20 =	simm.s32 $0x6800;
	s21 =	simm.s32 $0x180;
	s22 =	simm.s32 $0x8800  }
0x8: {  	s23 =	simm.s32 $0x1;
	s28 =	simm.s32 $0x2700;
	s7 =	smul.u32 $0x14000, s1  }
0x9: {  	s29 =	simm.s32 $0x2780;
	s8 =	sand.u32 $0x1, s5;
	s11 =	smul.u32 $0x50000, s1  }
0xa: {  	[smem:$0x7FF] =	sst s4;
	s5 =	sadd.s32 $0x2000, s0;
	s30 =	smul.u32 $0x28, s1  }
0xb: {  	s6 =	sadd.s32 $0x34C00, s0;
	s31 =	sshll.u32 s1, $0x6;
	s9 =	smul.u32 $0x140000, s8  }
0xc: {  	_ =	strace $0x8000004D;
	s24 =	ssub.s32 $0x2, s8;
	p0 =	seq.s32 s8, $0x1  }
0xd: {  	s10 =	sshrl.u32 s7, $0x3;
	s25 =	sshrl.u32 s24, $0x1;
	s26 =	sshrl.u32 s11, $0x2  }
0xe: {  	s8 =	sadd.s32 $0x1180, s30;
	s7 =	sadd.s32 s7, s9;
	s10 =	sadd.s32 s10, s0  }
0xf: {  	s12 =	ssub.s32 s24, s25;
	s13 =	sadd.s32 s26, s3;
	s9 =	sor.u32 $0x1C03, s31  }
0x10: {  	s24 =	simm.s32 $0x2;
	s25 =	simm.s32 $0x2600;
	s7 =	sshrl.u32 s7, $0x3  }
0x11: {  	s0 =	sadd.s32 s7, s0;
	s7 =	sadd.s32 $0x48C00, s10;
	s10 =	smul.u32 $0x118, s1  }
0x12: {  	s26 =	simm.s32 $0x2680;
	s11 =	smax.u32 s12, $0x1;
	s12 =	sshrl.u32 s13, $0x3  }
0x13: {  	s13 =	simm.s32 $0x3;
	s8 =	smov.u32 @p0 s10;
	s10 =	sadd.s32 $0x70C00, s0  }
.LBB2_1:
0x14: {  	[spmem:s12], [sflag:s9] =	dma.local [hbm:s7], $0x2800  }
0x15: {  	_ =	swait.ge [sflag:s13], $0x2800  }
0x16: {  	[sflag:s13] =	ssyncset.done $0x0  }
0x17: {  	[sflag:s13] =	ssyncadd.s32 $0xFFFFD800  }
0x18: {  	s30 =	simm.s32 $0x0;
	[bflag:$0x0] =	sbarrier.arrive $0xFFFF  }
.LBB2_2:
0x19: {  	s0 =	smul.u32 $0x28, s30;
	_ =	sdelay $0x1  }
0x1a: {  	s0 =	sadd.s32 s8, s0  }
0x1b: {  	s0 =	sshll.u32 s0, $0x4  }
0x1c: {  	s1 =	simm.s32 $0x0;
	s31 =	sadd.s32 s6, s0  }
0x1d: {  	[tilespmem:s1], [sflag:$0x3] =	stream.linear.gather [hbm4b:s31+s1], $0x1400, $0x38;
	[tilespmem:$0x1E800] =	vst v63  }
0x1e: {  	_ =	swait.ge [sflag:s13], $0x1400  }
0x1f: {  	[sflag:s13] =	ssyncset.done $0x0  }
0x20: {  	s0 =	sadd.s32 s2, s0;
	[sflag:s13] =	ssyncadd.s32 $0xFFFFEC00  }
0x21: {  	[tilespmem:s14], [sflag:$0x3] =	stream.linear.gather [hbm4b:s0+s1], $0x1400, $0x38;
	[tilespmem:$0x1E800] =	vst v63  }
0x22: {  	_ =	swait.ge [sflag:s13], $0x1400  }
0x23: {  	[sflag:s13] =	ssyncset.done $0x0  }
0x24: {  	[sflag:s13] =	ssyncadd.s32 $0xFFFFEC00  }
0x25: {  	[tilespmem:s16], [sflag:$0x1] =	stream.indirect.gather [hbm4b:s5+s15], $0x80, s1, s15, $0xb8;
	[tilespmem:$0x1E800] =	vst v63  }
0x26: {  	_ = 	snop  }
0x27: {  	[tilespmem:s18], [sflag:$0x1] =	stream.indirect.gather [hbm4b:s5+s15], $0x80, s17, s15, $0xb8;
	[tilespmem:$0x1E800] =	vst v63  }
0x28: {  	_ = 	snop  }
0x29: {  	[tilespmem:s20], [sflag:$0x1] =	stream.indirect.gather [hbm4b:s5+s15], $0x80, s19, s15, $0xb8;
	[tilespmem:$0x1E800] =	vst v63  }
0x2a: {  	_ = 	snop  }
0x2b: {  	[tilespmem:s22], [sflag:$0x1] =	stream.indirect.gather [hbm4b:s5+s15], $0x80, s21, s15, $0xb8;
	[tilespmem:$0x1E800] =	vst v63  }
0x2c: {  	_ =	swait.ge [sflag:s23], $0x2000  }
0x2d: {  	[sflag:s23] =	ssyncset.done $0x0  }
0x2e: {  	s1 =	simm.s32 $0x1400;
	[sflag:s23] =	ssyncadd.s32 $0xFFFFE000  }
0x2f: {  	[spmem:s3] =	stream.indirect.scatter.add.f32 [tilespmem:s16], [sflag:$0x2], $0x80, s1, s15, $0xb8;
	[tilespmem:$0x1E800] =	vst v63  }
0x30: {  	_ =	swait.ge [sflag:s24], $0x2000  }
0x31: {  	[sflag:s24] =	ssyncset.done $0x0  }
0x32: {  	s1 =	simm.s32 $0x200;
	[sflag:s24] =	ssyncadd.s32 $0xFFFFE000  }
0x33: {  	[tilespmem:s16], [sflag:$0x1] =	stream.indirect.gather [hbm4b:s5+s15], $0x80, s1, s15, $0xb8;
	[tilespmem:$0x1E800] =	vst v63  }
0x34: {  	_ =	swait.ge [sflag:s23], $0x2000  }
0x35: {  	[sflag:s23] =	ssyncset.done $0x0  }
0x36: {  	s1 =	simm.s32 $0x1480;
	[sflag:s23] =	ssyncadd.s32 $0xFFFFE000  }
0x37: {  	[spmem:s3] =	stream.indirect.scatter.add.f32 [tilespmem:s18], [sflag:$0x2], $0x80, s1, s15, $0xb8;
	[tilespmem:$0x1E800] =	vst v63  }
0x38: {  	_ =	swait.ge [sflag:s24], $0x2000  }
0x39: {  	[sflag:s24] =	ssyncset.done $0x0  }
0x3a: {  	s1 =	simm.s32 $0x280;
	[sflag:s24] =	ssyncadd.s32 $0xFFFFE000  }
0x3b: {  	[tilespmem:s18], [sflag:$0x1] =	stream.indirect.gather [hbm4b:s5+s15], $0x80, s1, s15, $0xb8;
	[tilespmem:$0x1E800] =	vst v63  }
0x3c: {  	_ =	swait.ge [sflag:s23], $0x2000  }
0x3d: {  	[sflag:s23] =	ssyncset.done $0x0  }
0x3e: {  	s1 =	simm.s32 $0x1500;
	[sflag:s23] =	ssyncadd.s32 $0xFFFFE000  }
0x3f: {  	[spmem:s3] =	stream.indirect.scatter.add.f32 [tilespmem:s20], [sflag:$0x2], $0x80, s1, s15, $0xb8;
	[tilespmem:$0x1E800] =	vst v63  }
0x40: {  	_ =	swait.ge [sflag:s24], $0x2000  }
0x41: {  	[sflag:s24] =	ssyncset.done $0x0  }
0x42: {  	s1 =	simm.s32 $0x300;
	[sflag:s24] =	ssyncadd.s32 $0xFFFFE000  }
0x43: {  	[tilespmem:s20], [sflag:$0x1] =	stream.indirect.gather [hbm4b:s5+s15], $0x80, s1, s15, $0xb8;
	[tilespmem:$0x1E800] =	vst v63  }
0x44: {  	_ =	swait.ge [sflag:s23], $0x2000  }
0x45: {  	[sflag:s23] =	ssyncset.done $0x0  }
0x46: {  	s1 =	simm.s32 $0x1580;
	[sflag:s23] =	ssyncadd.s32 $0xFFFFE000  }
0x47: {  	[spmem:s3] =	stream.indirect.scatter.add.f32 [tilespmem:s22], [sflag:$0x2], $0x80, s1, s15, $0xb8;
	[tilespmem:$0x1E800] =	vst v63  }
0x48: {  	_ =	swait.ge [sflag:s24], $0x2000  }
0x49: {  	[sflag:s24] =	ssyncset.done $0x0  }
0x4a: {  	s31 =	simm.s32 $0x800;
	s0 =	simm.s32 $0x380;
	[sflag:s24] =	ssyncadd.s32 $0xFFFFE000  }
.LBB2_3:
0x4b: {  	[tilespmem:s22], [sflag:$0x1] =	stream.indirect.gather [hbm4b:s5+s15], $0x80, s0, s15, $0xb8;
	[tilespmem:$0x1E800] =	vst v63  }
0x4c: {  	s0 =	smov.u32 s31  }
0x4d: {  	p1 =	sne.s32 s31, $0x4000;
	s31 =	sadd.s32 $0x800, s31;
	_ =	swait.ge [sflag:s23], $0x2000  }
0x4e: {  	s0 =	sshra.s32 s0, $0x2;
	[sflag:s23] =	ssyncset.done $0x0  }
0x4f: {  	s1 =	sadd.s32 $0x1400, s0;
	[sflag:s23] =	ssyncadd.s32 $0xFFFFE000  }
0x50: {  	[spmem:s3] =	stream.indirect.scatter.add.f32 [tilespmem:s16], [sflag:$0x2], $0x80, s1, s15, $0xb8;
	[tilespmem:$0x1E800] =	vst v63  }
0x51: {  	_ =	swait.ge [sflag:s24], $0x2000  }
0x52: {  	[sflag:s24] =	ssyncset.done $0x0  }
0x53: {  	s1 =	sadd.s32 $0x200, s0;
	[sflag:s24] =	ssyncadd.s32 $0xFFFFE000  }
0x54: {  	[tilespmem:s16], [sflag:$0x1] =	stream.indirect.gather [hbm4b:s5+s15], $0x80, s1, s15, $0xb8;
	[tilespmem:$0x1E800] =	vst v63  }
0x55: {  	_ =	swait.ge [sflag:s23], $0x2000  }
0x56: {  	[sflag:s23] =	ssyncset.done $0x0  }
0x57: {  	s1 =	sadd.s32 $0x1480, s0;
	[sflag:s23] =	ssyncadd.s32 $0xFFFFE000  }
0x58: {  	[spmem:s3] =	stream.indirect.scatter.add.f32 [tilespmem:s18], [sflag:$0x2], $0x80, s1, s15, $0xb8;
	[tilespmem:$0x1E800] =	vst v63  }
0x59: {  	_ =	swait.ge [sflag:s24], $0x2000  }
0x5a: {  	[sflag:s24] =	ssyncset.done $0x0  }
0x5b: {  	s1 =	sadd.s32 $0x280, s0;
	[sflag:s24] =	ssyncadd.s32 $0xFFFFE000  }
0x5c: {  	[tilespmem:s18], [sflag:$0x1] =	stream.indirect.gather [hbm4b:s5+s15], $0x80, s1, s15, $0xb8;
	[tilespmem:$0x1E800] =	vst v63  }
0x5d: {  	_ =	swait.ge [sflag:s23], $0x2000  }
0x5e: {  	[sflag:s23] =	ssyncset.done $0x0  }
0x5f: {  	s1 =	sadd.s32 $0x1500, s0;
	[sflag:s23] =	ssyncadd.s32 $0xFFFFE000  }
0x60: {  	[spmem:s3] =	stream.indirect.scatter.add.f32 [tilespmem:s20], [sflag:$0x2], $0x80, s1, s15, $0xb8;
	[tilespmem:$0x1E800] =	vst v63  }
0x61: {  	_ =	swait.ge [sflag:s24], $0x2000  }
0x62: {  	[sflag:s24] =	ssyncset.done $0x0  }
0x63: {  	s1 =	sadd.s32 $0x300, s0;
	[sflag:s24] =	ssyncadd.s32 $0xFFFFE000  }
0x64: {  	[tilespmem:s20], [sflag:$0x1] =	stream.indirect.gather [hbm4b:s5+s15], $0x80, s1, s15, $0xb8;
	[tilespmem:$0x1E800] =	vst v63  }
0x65: {  	_ =	swait.ge [sflag:s23], $0x2000  }
0x66: {  	[sflag:s23] =	ssyncset.done $0x0  }
.Ltmp0:
0x67: {  	s1 =	sadd.s32 $0x1580, s0;
	[sflag:s23] =	ssyncadd.s32 $0xFFFFE000;
	(pc) =	sbr.rel @p1 .LBB2_3-.Ltmp0, $4  }
0x68: {  	[spmem:s3] =	stream.indirect.scatter.add.f32 [tilespmem:s22], [sflag:$0x2], $0x80, s1, s15, $0xb8;
	[tilespmem:$0x1E800] =	vst v63  }
0x69: {  	_ =	swait.ge [sflag:s24], $0x2000  }
0x6a: {  	[sflag:s24] =	ssyncset.done $0x0  }
0x6b: {  	s0 =	sadd.s32 $0x380, s0;
	[sflag:s24] =	ssyncadd.s32 $0xFFFFE000  }
0x6c: {  	[tilespmem:s22], [sflag:$0x1] =	stream.indirect.gather [hbm4b:s5+s15], $0x80, s0, s15, $0xb8;
	[tilespmem:$0x1E800] =	vst v63  }
0x6d: {  	_ =	swait.ge [sflag:s23], $0x2000  }
0x6e: {  	[sflag:s23] =	ssyncset.done $0x0  }
0x6f: {  	[sflag:s23] =	ssyncadd.s32 $0xFFFFE000  }
0x70: {  	[spmem:s3] =	stream.indirect.scatter.add.f32 [tilespmem:s16], [sflag:$0x2], $0x80, s25, s15, $0xb8;
	[tilespmem:$0x1E800] =	vst v63  }
0x71: {  	_ =	swait.ge [sflag:s24], $0x2000  }
0x72: {  	[sflag:s24] =	ssyncset.done $0x0  }
0x73: {  	[sflag:s24] =	ssyncadd.s32 $0xFFFFE000  }
0x74: {  	_ =	swait.ge [sflag:s23], $0x2000  }
0x75: {  	[sflag:s23] =	ssyncset.done $0x0  }
0x76: {  	[sflag:s23] =	ssyncadd.s32 $0xFFFFE000  }
0x77: {  	[spmem:s3] =	stream.indirect.scatter.add.f32 [tilespmem:s18], [sflag:$0x2], $0x80, s26, s15, $0xb8;
	[tilespmem:$0x1E800] =	vst v63  }
0x78: {  	_ =	swait.ge [sflag:s24], $0x2000  }
0x79: {  	[sflag:s24] =	ssyncset.done $0x0  }
0x7a: {  	[sflag:s24] =	ssyncadd.s32 $0xFFFFE000  }
0x7b: {  	_ =	swait.ge [sflag:s23], $0x2000  }
0x7c: {  	[sflag:s23] =	ssyncset.done $0x0  }
0x7d: {  	[sflag:s23] =	ssyncadd.s32 $0xFFFFE000  }
0x7e: {  	[spmem:s3] =	stream.indirect.scatter.add.f32 [tilespmem:s20], [sflag:$0x2], $0x80, s28, s15, $0xb8;
	[tilespmem:$0x1E800] =	vst v63  }
0x7f: {  	_ =	swait.ge [sflag:s24], $0x2000  }
0x80: {  	[sflag:s24] =	ssyncset.done $0x0  }
0x81: {  	p1 =	slt.u32 s30, $0x6;
	[sflag:s24] =	ssyncadd.s32 $0xFFFFE000  }
0x82: {  	p1 =	por !p0, !p1;
	_ =	swait.ge [sflag:s23], $0x2000  }
0x83: {  	p1 =	por !p1, !p1;
	[sflag:s23] =	ssyncset.done $0x0  }
.Ltmp1:
0x84: {  	[sflag:s23] =	ssyncadd.s32 $0xFFFFE000;
	(pc) =	sbr.rel @p1 .LBB2_2-.Ltmp1, $4  }
0x85: {  	[spmem:s3] =	stream.indirect.scatter.add.f32 [tilespmem:s22], [sflag:$0x2], $0x80, s29, s15, $0xb8;
	[tilespmem:$0x1E800] =	vst v63  }
0x86: {  	_ =	swait.ge [sflag:s24], $0x2000  }
0x87: {  	[sflag:s24] =	ssyncset.done $0x0  }
0x88: {  	s30 =	sadd.s32 $0x1, s30;
	[sflag:s24] =	ssyncadd.s32 $0xFFFFE000  }
0x89: {  	s4 =	sadd.s32 $0x1, s4  }
0x8a: {  	p1 =	sne.s32 s4, s11  }
.Ltmp2:
0x8b: {  	[bflag:$0x0] =	sbarrier.arrive $0xFFFF;
	(pc) =	sbr.rel @p1 .LBB2_1-.Ltmp2, $4  }
0x8c: {  	[hbm:s10], [sflag:s9] =	dma.local [spmem:s12], $0x2800  }
0x8d: {  	_ =	swait.ge [sflag:s13], $0x2800  }
0x8e: {  	[sflag:s13] =	ssyncset.done $0x0  }
0x8f: {  	[sflag:s13] =	ssyncadd.s32 $0xFFFFD800  }
0x90: {  	_ =	sfence.sel $0x180000  }
0x91: {  	[bflag:$0x0] =	sbarrier.arrive $0xFFFF  }
0x92: {  	_ =	strace $0x9000004D  }
0x93: {  	s0 =	stileid.u32;
	[bflag:$0x2] =	sbarrier.arrive $0xFFFF  }
0x94: {  	p0 =	sne.s32 s0, $0x0;
	s0 =	rddreg [dreg:$0x3]  }
0x95: {  	s0 =	sadd.s32 @!p0 $0x100000, s0  }
0x96: {  	[sflag:s0] =	ssyncadd.tile.s32 @!p0 $0x1;
	_ =	shalt  }
.Lfunc_end2:
_tile_overlayer_lowered:
.L_overlay_start_2:
0x97: {  	(tag) =	ssettag $0x2  }
0x98: {  	s0 =	rddreg [dreg:$0x0];
	s2 =	stileid.u32  }
0x99: {  	s1 =	rddreg [dreg:$0x1];
	p0 =	sne.s32 s2, $0x0  }
0x9a: {  	s3 =	rddreg [dreg:$0x2];
	[bflag:$0x3] =	sbarrier.arrive $0xFFFF;
	s2 =	simm.s32 @!p0 $0x1C03  }
0x9b: {  	[timem:s3], [sflag:s2] =	dma.local @!p0 [hbm:s0], s1  }
0x9c: {  	s0 =	simm.s32 @!p0 $0x3  }
0x9d: {  	_ =	swait.ge @!p0 [sflag:s0], s1  }
0x9e: {  	s1 =	ssub.s32 @!p0 $0x0, s1;
	[sflag:s0] =	ssyncset.done @!p0 $0x0  }
0x9f: {  	[sflag:s0] =	ssyncadd.s32 @!p0 s1  }
0xa0: {  	[bflag:$0x3] =	sbarrier.arrive $0xFFFF  }
0xa1: {  	_ =	shalt  }

// kernel: kernel.8.cloned.1.call-start
scs
__scs_entry_jumppad:
0x0: {  	(pc) =	sbr.rel $0x88, $3  }
0x1: {  	(tag) =	ssettag $0x0;
	lr =	simm.s32 $0x1  }
0x2: {  	[smem:$0x3F9A] =	sst lr;
	_ =	strace $0xD0000000  }
0x3: {  	_ = 	snop  }
0x4: {  	_ = 	snop  }
0x5: {  	_ = 	snop  }
0x6: {  	_ = 	snop  }
0x7: {  	_ = 	snop  }
__scs_overlays_trampoline_lowered:
0x8: {  	[smem:$0x3FA9] =	sst s0  }
0x9: {  	[smem:$0x3FAA] =	sst s1  }
0xa: {  	[smem:$0x3FAB] =	sst s2  }
0xb: {  	[smem:$0x3FAC] =	sst s3  }
0xc: {  	[smem:$0x3FAD] =	sst s4  }
0xd: {  	[smem:$0x3FAE] =	sst s5  }
0xe: {  	[smem:$0x3FAF] =	sst s6  }
0xf: {  	[smem:$0x3FB0] =	sst s7  }
0x10: {  	[smem:$0x3FB1] =	sst s8  }
0x11: {  	[smem:$0x3FB2] =	sst s9;
	s0 =	simm.s32 @!p0 $0x0  }
0x12: {  	s1 =	sld [smem:$0x3F98];
	s0 =	simm.s32 @p0 $0x1  }
0x13: {  	[smem:$0x3FB3] =	sst s0;
	s0 =	simm.s32 @!p1 $0x0  }
0x14: {  	s2 =	sld [smem:$0x3F97];
	s0 =	simm.s32 @p1 $0x1  }
0x15: {  	[smem:$0x3FB4] =	sst s0;
	s0 =	simm.s32 @!p2 $0x0  }
0x16: {  	s3 =	sld [smem:$0x3FDB];
	s0 =	simm.s32 @p2 $0x1  }
0x17: {  	s4 =	simm.s32 $0x1BF5;
	[smem:$0x3FB6] =	sst s0  }
0x18: {  	s0 =	sld [smem:$0x3F99];
	_ =	swait.ge [sflag:s4], $0x0  }
0x19: {  	s7 =	sld [smem:$0x3F9A]  }
0x1a: {  	s8 =	sadd.s32 $0xFFFFE003, lr  }
0x1b: {  	s9 =	sadd.s32 $0xFFFFFEF7, lr;
	s5 =	simm.s32 $0xFFFFFFFF;
	p2 =	slt.u32 s8, $0xFFFFF086  }
0x1c: {  	p1 =	slt.u32 s9, $0xF7A;
	s5 =	simm.s32 @!p2 $0x0  }
0x1d: {  	s5 =	simm.s32 @p1 $0x1;
	p0 =	seq.s32 s7, s2  }
0x1e: {  	s7 =	smul.u32 @!p0 $0xF7A, s2;
	p2 =	seq.s32 @!p0 s5, $0x0  }
0x1f: {  	s9 =	smul.u32 $0xF7A, s1;
	s8 =	simm.s32 @!p0 $0x1BF5;
	p2 =	por !p2, p0  }
0x20: {  	[sflag:s8] =	ssyncset.s32 @!p0 $0xFFFFF086;
	s6 =	sadd.s32 @!p0 s3, s7;
	s7 =	simm.s32 @!p0 $0x108  }
0x21: {  	s3 =	sadd.s32 s3, s9;
	s6 =	sadd.s32 @!p0 $0x88, s6;
	s7 =	simm.s32 @p2 $0x1082  }
0x22: {  	[simem:s7], [sflag:s8] =	dma.local @!p0 [hbm:s6], $0xF7A  }
0x23: {  	s9 =	sor.u32 $0xD0000000, s2;
	s6 =	simm.s32 $0x108;
	_ =	swait.ge @!p0 [sflag:s8], $0x0  }
0x24: {  	s3 =	sadd.s32 $0x88, s3;
	s6 =	simm.s32 @!p1 $0x1082;
	[sflag:s4] =	ssyncset.s32 $0xFFFFF086  }
0x25: {  	[simem:s6], [sflag:s4] =	dma.local [hbm:s3], $0xF7A  }
0x26: {  	[smem:$0x3F9A] =	sst s1;
	(tag) =	ssettag s2;
	_ =	strace s9  }
0x27: {  	s1 =	sld [smem:$0x3FAA]  }
0x28: {  	s2 =	sld [smem:$0x3FAB]  }
0x29: {  	s4 =	sld [smem:$0x3FAD]  }
0x2a: {  	p0 =	seq.s32 s5, $0x0;
	s5 =	sld [smem:$0x3FAE]  }
0x2b: {  	s6 =	sld [smem:$0x3FAF]  }
0x2c: {  	s7 =	sld [smem:$0x3FB0]  }
0x2d: {  	s3 =	simm.s32 $0x108;
	s8 =	sld [smem:$0x3FB1]  }
0x2e: {  	s3 =	simm.s32 @!p0 $0x1082;
	s9 =	sld [smem:$0x3FB2]  }
0x2f: {  	lr =	sadd.s32 s0, s3;
	s0 =	sld [smem:$0x3FA9]  }
0x30: {  	s3 =	sld [smem:$0x3FAC]  }
0x31: {  	[smem:$0x3FB5] =	sst s10  }
0x32: {  	s10 =	sld [smem:$0x3FB3];
	_ =	sdelay $0x3  }
0x33: {  	p0 =	seq.s32 s10, $0x1;
	s10 =	sld [smem:$0x3FB5];
	_ =	sdelay $0x3  }
0x34: {  	[smem:$0x3FB5] =	sst s10  }
0x35: {  	s10 =	sld [smem:$0x3FB4];
	_ =	sdelay $0x3  }
0x36: {  	p1 =	seq.s32 s10, $0x1;
	s10 =	sld [smem:$0x3FB5];
	_ =	sdelay $0x3  }
0x37: {  	[smem:$0x3FB5] =	sst s10  }
0x38: {  	s10 =	sld [smem:$0x3FB6]  }
0x39: {  	_ = 	snop;
	(pc) =	sbr.ind lr, $3  }
0x3a: {  	_ = 	snop  }
0x3b: {  	_ = 	snop  }
0x3c: {  	p2 =	seq.s32 s10, $0x1;
	s10 =	sld [smem:$0x3FB5]  }
0x3d: {  	_ =	shalt  }
0x3e: {  	_ =	shalt  }
0x3f: {  	_ =	shalt  }
0x40: {  	_ =	shalt  }
0x41: {  	_ =	shalt  }
0x42: {  	_ =	shalt  }
0x43: {  	_ =	shalt  }
0x44: {  	_ =	shalt  }
0x45: {  	_ =	shalt  }
0x46: {  	_ =	shalt  }
0x47: {  	_ =	shalt  }
0x48: {  	_ =	shalt  }
0x49: {  	_ =	shalt  }
0x4a: {  	_ =	shalt  }
0x4b: {  	_ =	shalt  }
0x4c: {  	_ =	shalt  }
0x4d: {  	_ =	shalt  }
0x4e: {  	_ =	shalt  }
0x4f: {  	_ =	shalt  }
0x50: {  	_ =	shalt  }
0x51: {  	_ =	shalt  }
0x52: {  	_ =	shalt  }
0x53: {  	_ =	shalt  }
0x54: {  	_ =	shalt  }
0x55: {  	_ =	shalt  }
0x56: {  	_ =	shalt  }
0x57: {  	_ =	shalt  }
0x58: {  	_ =	shalt  }
0x59: {  	_ =	shalt  }
0x5a: {  	_ =	shalt  }
0x5b: {  	_ =	shalt  }
0x5c: {  	_ =	shalt  }
0x5d: {  	_ =	shalt  }
0x5e: {  	_ =	shalt  }
0x5f: {  	_ =	shalt  }
0x60: {  	_ =	shalt  }
0x61: {  	_ =	shalt  }
0x62: {  	_ =	shalt  }
0x63: {  	_ =	shalt  }
0x64: {  	_ =	shalt  }
0x65: {  	_ =	shalt  }
0x66: {  	_ =	shalt  }
0x67: {  	_ =	shalt  }
0x68: {  	_ =	shalt  }
0x69: {  	_ =	shalt  }
0x6a: {  	_ =	shalt  }
0x6b: {  	_ =	shalt  }
0x6c: {  	_ =	shalt  }
0x6d: {  	_ =	shalt  }
0x6e: {  	_ =	shalt  }
0x6f: {  	_ =	shalt  }
0x70: {  	_ =	shalt  }
0x71: {  	_ =	shalt  }
0x72: {  	_ =	shalt  }
0x73: {  	_ =	shalt  }
0x74: {  	_ =	shalt  }
0x75: {  	_ =	shalt  }
0x76: {  	_ =	shalt  }
0x77: {  	_ =	shalt  }
0x78: {  	_ =	shalt  }
0x79: {  	_ =	shalt  }
0x7a: {  	_ =	shalt  }
0x7b: {  	_ =	shalt  }
0x7c: {  	_ =	shalt  }
0x7d: {  	_ =	shalt  }
0x7e: {  	_ =	shalt  }
0x7f: {  	_ =	shalt  }
0x80: {  	_ =	shalt  }
0x81: {  	_ =	shalt  }
0x82: {  	_ =	shalt  }
0x83: {  	_ =	shalt  }
0x84: {  	_ =	shalt  }
0x85: {  	_ =	shalt  }
0x86: {  	_ =	shalt  }
0x87: {  	_ =	shalt  }
.Lfunc_end0:
.L_simem_size_0:
called_computation_lowered:
.L_overlay_start_0:
0x88: {  	s2 =	sld [smem:$0x3FD9]  }
0x89: {  	s3 =	sld [smem:$0x3FFE];
	_ =	sdelay $0x1  }
0x8a: {  	s1 =	srdreg.scid  }
0x8b: {  	s0 =	sand.u32 $0x1, s1  }
0x8c: {  	s17 =	sshll.u32 s0, $0xA;
	s2 =	sadd.s32 s3, s2  }
0x8d: {  	s2 =	sadd.s32 s2, s17  }
0x8e: {  	[smem:$0x3FC1] =	sst s2  }
0x8f: {  	_ = 	snop  }
0x90: {  	s2 =	sld [smem:$0x3FC7]  }
0x91: {  	s18 =	sld [smem:$0x3FD0];
	(tm) =	ssettm $0x1  }
0x92: {  	s4 =	sld [smem:$0x3FFB];
	_ =	sdelay $0x3  }
0x93: {  	_ =	strace s4  }
0x94: {  	s4 =	sld [smem:$0x3FFC];
	_ =	sdelay $0x3  }
0x95: {  	_ =	strace s4  }
0x96: {  	s4 =	sld [smem:$0x3FFD];
	_ =	sdelay $0x3  }
0x97: {  	_ =	strace s4  }
0x98: {  	_ =	strace $0x8FFFFFFF  }
0x99: {  	s19 =	sld [smem:$0x3FDB];
	_ =	sdelay $0x1  }
0x9a: {  	s5 =	simm.s32 $_scs_section_size  }
0x9b: {  	s6 =	simm.s32 $_size__tile_overlayer_lowered;
	s7 =	simm.s32 $_tile_overlayer_lowered  }
0x9c: {  	s22 =	simm.s32 $0x1BFF;
	s21 =	sshll.u32 s7, $0x1;
	s4 =	sadd.s32 s5, s19  }
0x9d: {  	s8 =	simm.s32 $0x0;
	s20 =	sshll.u32 s6, $0x1;
	s6 =	sadd.s32 s21, s4  }
0x9e: {  	[timem:s8], [sflag:s22] =	dma.local [hbm:s6], s20  }
0x9f: {  	_ =	swait.ge [sflag:s22], s20  }
0xa0: {  	s5 =	ssub.s32 $0x0, s20;
	[sflag:s22] =	ssyncset.done $0x0  }
0xa1: {  	[sflag:s22] =	ssyncadd.s32 s5;
	_ =	sdelay $0x1  }
0xa2: {  	s23 =	simm.s32 $0x1B8B  }
0xa3: {  	_ =	swait.ge [sflag:s23], $0x1  }
0xa4: {  	[sflag:s23] =	ssyncset.done $0x0  }
0xa5: {  	s25 =	simm.s32 $0x1B8E;
	s24 =	sld [smem:$0x3FFE];
	[sflag:s23] =	ssyncadd.s32 $0xFFFFFFFF  }
0xa6: {  	s26 =	simm.s32 $execute0_lowered;
	[smem:$0x3FD2] =	sst s25  }
0xa7: {  	s6 =	sshll.u32 s26, $0x1;
	_ =	strace $0x80000046;
	[dreg:$0x1] =	wrdreg $0xFFFFFFFF  }
0xa8: {  	s28 =	simm.s32 $_size_execute0_lowered;
	s4 =	sadd.s32 s4, s6;
	[dreg:$0x0] =	wrdreg $0x0  }
0xa9: {  	s6 =	sshll.u32 s28, $0x1;
	[dreg:$0x2] =	wrdreg s4  }
0xaa: {  	[dreg:$0x3] =	wrdreg s6  }
0xab: {  	[dreg:$0x4] =	wrdreg $0xC0  }
0xac: {  	_ =	task [dreg:s8], $0x5FFFF  }
0xad: {  	[dreg:$0x1] =	wrdreg $0xFFFFFFFF  }
0xae: {  	[dreg:$0x0] =	wrdreg $0x60  }
0xaf: {  	[dreg:$0x2] =	wrdreg s24  }
0xb0: {  	[dreg:$0x3] =	wrdreg s2  }
0xb1: {  	[dreg:$0x4] =	wrdreg s18  }
0xb2: {  	[dreg:$0x5] =	wrdreg $0x9  }
0xb3: {  	_ =	task.clear_ibuf [dreg:s8], $0x6FFFF;
	_ =	strace $0x90000046  }
0xb4: {  	s29 =	simm.s32 $0x9;
	_ =	strace $0x80000048  }
0xb5: {  	_ =	swait.ge [sflag:s29], $0x1  }
0xb6: {  	[sflag:s29] =	ssyncadd.s32 $0xFFFFFFFF  }
0xb7: {  	_ =	strace $0x90000048  }
0xb8: {  	_ =	sfence  }
0xb9: {  	s30 =	sld [smem:$0x0];
	_ =	sdelay $0x2  }
0xba: {  	s31 =	sshll.u32 s1, $0xD;
	s1 =	sshrl.u32 s1, $0x2  }
0xbb: {  	s3 =	sand.u32 $0x4000, s31;
	s1 =	sadd.s32 s1, s30  }
0xbc: {  	s0 =	sor.u32 s3, s0;
	s1 =	sshll.u32 s1, $0x11  }
0xbd: {  	s0 =	sor.u32 s1, s0  }
0xbe: {  	s0 =	sadd.s32 $0x8F2B, s0  }
0xbf: {  	[sflag:s0] =	ssyncadd.remote.s32 $0x1  }
0xc0: {  	_ =	sfence.sel $0xFFFF  }
0xc1: {  	[dreg:$0x0] =	wrdreg $0xFFFFFFFF;
	(pc) =	sbr.abs _section_cstart, $3  }
0xc2: {  	[dreg:$0x1] =	wrdreg $0xFFFFFFFF  }
0xc3: {  	_ =	task.clear_ibuf [dreg:s8], $0x2FFFF;
	_ =	strace $0x9FFFFFFF  }
0xc4: {  	(tm) =	ssettm $0x7FFFFFFF  }
0xc5: {  	_ =	shalt  }
tec
execute0_lowered:
.L_overlay_start_1:
0x0: {  	(tag) =	ssettag $0x1  }
0x1: {  	s5 =	rddreg [dreg:$0x0]  }
0x2: {  	s2 =	rddreg [dreg:$0x1]  }
0x3: {  	s1 =	srdreg.scid;
	s0 =	stileid.u32  }
0x4: {  	s10 =	rddreg [dreg:$0x2];
	s3 =	simm.s32 $0x0;
	s15 =	simm.s32 $0x180  }
0x5: {  	s16 =	simm.s32 $0x1;
	s6 =	sand.u32 $0x1, s1;
	s4 =	sshll.u32 s0, $0x1  }
0x6: {  	s17 =	simm.s32 $0xA0;
	s18 =	simm.s32 $0xF0;
	s7 =	sor.u32 s6, s4  }
0x7: {  	s19 =	simm.s32 $0x7980;
	s20 =	simm.s32 $0x2980;
	s4 =	smul.u32 $0x28, s7  }
0x8: {  	s21 =	simm.s32 $0x0;
	s1 =	rddreg [dreg:$0x3];
	s9 =	smul.u32 $0x500, s7  }
0x9: {  	[smem:$0x7FF] =	sst s3;
	s6 =	ssub.s32 $0x2, s6;
	s12 =	smul.u32 $0xA000, s7  }
0xa: {  	s11 =	sadd.s32 $0xCC00, s5;
	s26 =	sshrl.u32 s6, $0x1;
	s28 =	smul.u32 $0x1400, s7  }
0xb: {  	_ =	strace $0x80000047;
	s31 =	smul.u32 $0xA00, s7;
	s14 =	ssub.s32 s6, s26  }
0xc: {  	s8 =	sadd.s32 s4, s5;
	s4 =	sadd.s32 $0x2600, s5;
	s13 =	sadd.s32 s9, s5  }
0xd: {  	s29 =	sshrl.u32 s12, $0x3;
	s6 =	sadd.s32 s11, s28;
	s10 =	sadd.s32 s10, s31  }
0xe: {  	s12 =	smax.u32 s14, $0x1;
	s14 =	simm.s32 $0x50;
	s5 =	sadd.s32 $0x2000, s8  }
0xf: {  	s30 =	sadd.s32 s11, s29;
	s11 =	sadd.s32 $0x2C00, s13;
	s13 =	simm.s32 $0x2  }
0x10: {  	v0 =	vimm.f32 $1.000000000e+00;
	s7 =	sadd.s32 $0x500, s30;
	s8 =	sadd.s32 $0xA00, s30;
	s9 =	sadd.s32 $0xF00, s30  }
.LBB2_1:
0x11: {  	[tilespmem:s3], [sflag:$0x2] =	stream.linear.gather [hbm4b:s5+s3], $0x140, $0x38;
	[tilespmem:$0xA180] =	vst v63  }
0x12: {  	_ =	swait.ge [sflag:s13], $0x140  }
0x13: {  	[sflag:s13] =	ssyncset.done $0x0  }
0x14: {  	[sflag:s13] =	ssyncadd.s32 $0xFFFFFEC0  }
0x15: {  	[tilespmem:s15], [sflag:$0x1] =	stream.indirect.gather [hbm4b:s2+s14], $0x80, s3, s14, $0xb8;
	[tilespmem:$0xA180] =	vst v63  }
0x16: {  	_ =	swait.ge [sflag:s16], $0x2800  }
0x17: {  	[sflag:s16] =	ssyncset.done $0x0  }
0x18: {  	[sflag:s16] =	ssyncadd.s32 $0xFFFFD800  }
0x19: {  	[hbm4b:s6+s3] =	stream.linear.scatter [tilespmem:s15], [sflag:$0x2], $0x2800, $0x38;
	[tilespmem:$0xA180] =	vst v63  }
0x1a: {  	_ =	swait.ge [sflag:s13], $0x2800  }
0x1b: {  	[sflag:s13] =	ssyncset.done $0x0  }
0x1c: {  	[sflag:s13] =	ssyncadd.s32 $0xFFFFD800  }
0x1d: {  	[tilespmem:s15], [sflag:$0x1] =	stream.indirect.gather [hbm4b:s2+s14], $0x80, s14, s14, $0xb8;
	[tilespmem:$0xA180] =	vst v63  }
0x1e: {  	_ =	swait.ge [sflag:s16], $0x2800  }
0x1f: {  	[sflag:s16] =	ssyncset.done $0x0  }
0x20: {  	[sflag:s16] =	ssyncadd.s32 $0xFFFFD800  }
0x21: {  	[hbm4b:s7+s3] =	stream.linear.scatter [tilespmem:s15], [sflag:$0x2], $0x2800, $0x38;
	[tilespmem:$0xA180] =	vst v63  }
0x22: {  	_ =	swait.ge [sflag:s13], $0x2800  }
0x23: {  	[sflag:s13] =	ssyncset.done $0x0  }
0x24: {  	[sflag:s13] =	ssyncadd.s32 $0xFFFFD800  }
0x25: {  	[tilespmem:s15], [sflag:$0x1] =	stream.indirect.gather [hbm4b:s2+s14], $0x80, s17, s14, $0xb8;
	[tilespmem:$0xA180] =	vst v63  }
0x26: {  	_ =	swait.ge [sflag:s16], $0x2800  }
0x27: {  	[sflag:s16] =	ssyncset.done $0x0  }
0x28: {  	[sflag:s16] =	ssyncadd.s32 $0xFFFFD800  }
0x29: {  	[hbm4b:s8+s3] =	stream.linear.scatter [tilespmem:s15], [sflag:$0x2], $0x2800, $0x38;
	[tilespmem:$0xA180] =	vst v63  }
0x2a: {  	_ =	swait.ge [sflag:s13], $0x2800  }
0x2b: {  	[sflag:s13] =	ssyncset.done $0x0  }
0x2c: {  	[sflag:s13] =	ssyncadd.s32 $0xFFFFD800  }
0x2d: {  	[tilespmem:s15], [sflag:$0x1] =	stream.indirect.gather [hbm4b:s2+s14], $0x80, s18, s14, $0xb8;
	[tilespmem:$0xA180] =	vst v63  }
0x2e: {  	_ =	swait.ge [sflag:s16], $0x2800  }
0x2f: {  	[sflag:s16] =	ssyncset.done $0x0  }
0x30: {  	[sflag:s16] =	ssyncadd.s32 $0xFFFFD800  }
0x31: {  	[hbm4b:s9+s3] =	stream.linear.scatter [tilespmem:s15], [sflag:$0x2], $0x2800, $0x38;
	[tilespmem:$0xA180] =	vst v63  }
0x32: {  	_ =	swait.ge [sflag:s13], $0x2800  }
0x33: {  	[sflag:s13] =	ssyncset.done $0x0  }
0x34: {  	[sflag:s13] =	ssyncadd.s32 $0xFFFFD800  }
0x35: {  	[tilespmem:s19], [sflag:$0x2] =	stream.linear.gather [hbm4b:s4+s3], $0x2800, $0x38;
	[tilespmem:$0xA180] =	vst v63  }
0x36: {  	_ =	swait.ge [sflag:s13], $0x2800  }
0x37: {  	[sflag:s13] =	ssyncset.done $0x0  }
0x38: {  	[sflag:s13] =	ssyncadd.s32 $0xFFFFD800  }
0x39: {  	[tilespmem:s20], [sflag:$0x2] =	stream.linear.gather [hbm4b:s10+s3], $0x5000, $0x38;
	[tilespmem:$0xA180] =	vst v63  }
0x3a: {  	s22 =	sand.u32 $0x1FE00, s3;
	_ =	swait.ge [sflag:s13], $0x5000  }
0x3b: {  	s23 =	sand.u32 $0x30, s3;
	s22 =	sshrl.u32 s22, $0x2;
	[sflag:s13] =	ssyncset.done $0x0  }
0x3c: {  	s22 =	sor.u32 s23, s22;
	[sflag:s13] =	ssyncadd.s32 $0xFFFFB000  }
0x3d: {  	v1 =	vld [tilespmem:s22+$0x2980];
	_ =	sdelay $0x4  }
0x3e: {  	s24 =	simm.s32 $0x80  }
0x3f: {  	s24 =	sand.u32 $0x1FE00, s24;
	s23 =	simm.s32 $0x100;
	s22 =	simm.s32 $0x10  }
.LBB2_2:
0x40: {  	p0 =	sne.s32 s23, $0x13F80;
	s25 =	sand.u32 $0x30, s22;
	s24 =	sshrl.u32 s24, $0x2  }
0x41: {  	s24 =	sor.u32 s25, s24;
	[tilespmem:v1+s19+$0x0] =	vst.idx.add.f32.msk $0xffff, v0  }
0x42: {  	v1 =	vld [tilespmem:s24+$0x2980];
	_ =	sdelay $0x1  }
.Ltmp0:
0x43: {  	(pc) =	sbr.rel @p0 .LBB2_2-.Ltmp0, $2  }
0x44: {  	_ =	sdelay $0x2  }
0x45: {  	s22 =	sadd.s32 $0x10, s22;
	s24 =	sand.u32 $0x1FE00, s23;
	s23 =	sadd.s32 $0x80, s23  }
0x46: {  	_ =	sdelay $0x2  }
0x47: {  	s22 =	sand.u32 $0x30, s22;
	s23 =	sshrl.u32 s24, $0x2  }
0x48: {  	[tilespmem:v1+s19+$0x0] =	vst.idx.add.f32.msk $0xffff, v0;
	s22 =	sor.u32 s22, s23  }
0x49: {  	v1 =	vld [tilespmem:s22+$0x2980];
	_ =	sdelay $0x5  }
0x4a: {  	s21 =	sadd.s32 $0x1, s21  }
0x4b: {  	p0 =	sne.s32 s21, s12  }
.Ltmp1:
0x4c: {  	[tilespmem:v1+s19+$0x0] =	vst.idx.add.f32.msk $0xffff, v0;
	(pc) =	sbr.rel @p0 .LBB2_1-.Ltmp1, $4  }
0x4d: {  	[hbm4b:s11+s3] =	stream.linear.scatter [tilespmem:s19], [sflag:$0x2], $0x2800, $0x38;
	[tilespmem:$0xA180] =	vst v63  }
0x4e: {  	_ =	swait.ge [sflag:s13], $0x2800  }
0x4f: {  	[sflag:s13] =	ssyncset.done $0x0  }
0x50: {  	[sflag:s13] =	ssyncadd.s32 $0xFFFFD800  }
0x51: {  	_ =	sfence.sel $0x180000  }
0x52: {  	[bflag:$0x0] =	sbarrier.arrive $0xFFFF  }
0x53: {  	p0 =	sne.s32 s0, $0x0;
	_ =	strace $0x90000047  }
0x54: {  	s0 =	sadd.s32 @!p0 $0x100000, s1;
	[bflag:$0x2] =	sbarrier.arrive $0xFFFF  }
0x55: {  	[sflag:s0] =	ssyncadd.tile.s32 @!p0 $0x1;
	_ =	shalt  }
.Lfunc_end2:
_tile_overlayer_lowered:
.L_overlay_start_2:
0x56: {  	(tag) =	ssettag $0x2  }
0x57: {  	s0 =	rddreg [dreg:$0x0];
	s2 =	stileid.u32  }
0x58: {  	s1 =	rddreg [dreg:$0x1];
	p0 =	sne.s32 s2, $0x0  }
0x59: {  	s3 =	rddreg [dreg:$0x2];
	[bflag:$0x3] =	sbarrier.arrive $0xFFFF;
	s2 =	simm.s32 @!p0 $0x1C02  }
0x5a: {  	[timem:s3], [sflag:s2] =	dma.local @!p0 [hbm:s0], s1  }
0x5b: {  	s0 =	simm.s32 @!p0 $0x2  }
0x5c: {  	_ =	swait.ge @!p0 [sflag:s0], s1  }
0x5d: {  	s1 =	ssub.s32 @!p0 $0x0, s1;
	[sflag:s0] =	ssyncset.done @!p0 $0x0  }
0x5e: {  	[sflag:s0] =	ssyncadd.s32 @!p0 s1  }
0x5f: {  	[bflag:$0x3] =	sbarrier.arrive $0xFFFF  }
0x60: {  	_ =	shalt  }

</sc_bundles>
